<compile_context>
chip_gen: v7x
topology: tpu7x:2x2x1
jax: 0.10.2.dev20260603
libtpu: 0.0.44.dev20260713+nightly
codegen_flags: <defaults>
</compile_context>

<pallas_src>
import functools

import jax
import jax.numpy as jnp
from jax import lax
from jax.experimental import pallas as pl
from jax.experimental.pallas import tpu as pltpu, tpu_sc as plsc

N_NODES = 10000
D = 128
E = 320000

NC = 2
NS = 16
NW = NC * NS
EK = 128
E_PAD = ((E + NW * EK - 1) // (NW * EK)) * (NW * EK)
E_PER_W = E_PAD // NW
N_BLK = E_PER_W // EK
N_ACC = 10112
ROWS_PER_SUB = N_ACC // NS


_DNUMS = lax.GatherDimensionNumbers(
    offset_dims=(), collapsed_slice_dims=(0,), start_index_map=(0,))


def _scale_rows(rows, ebuf, arow):

    def scale16(eb, _):
        av = lax.bitcast_convert_type(ebuf[arow, pl.ds(eb * 16, 16)], jnp.float32)
        for l in range(16):
            a = lax.gather(av, jnp.full((16, 1), l, jnp.int32), _DNUMS, (1,),
                           mode=lax.GatherScatterMode.PROMISE_IN_BOUNDS)
            e = eb * 16 + l
            for j in range(D // 16):
                rows[e, pl.ds(j * 16, 16)] = rows[e, pl.ds(j * 16, 16)] * a
        return 0

    lax.fori_loop(0, EK // 16, scale16, 0)


def _sc_scatter_spmm(x, epack):
    mesh = plsc.VectorSubcoreMesh(core_axis_name="c", subcore_axis_name="s")

    @functools.partial(
        pl.kernel,
        mesh=mesh,
        out_type=jax.ShapeDtypeStruct((NC, N_ACC, D), jnp.float32),
        scratch_types=[
            pltpu.VMEM((3, EK), jnp.int32),
            pltpu.VMEM((EK, D), jnp.float32),
            pltpu.VMEM_SHARED((N_ACC, D), jnp.float32),
            pltpu.SemaphoreType.DMA,
            pltpu.SemaphoreType.DMA,
            pltpu.SemaphoreType.DMA,
            pltpu.SemaphoreType.DMA,
        ],
    )
    def k(x_hbm, ep_hbm, out_hbm, ebuf0, rows0, accum, gs0, gs1, gs2, gs3):
        c = lax.axis_index("c")
        s = lax.axis_index("s")
        wid = s * NC + c
        cid0 = wid * N_BLK

        zero = jnp.zeros((16,), jnp.float32)

        def zrow(i, _):
            for j in range(D // 16):
                rows0[i, pl.ds(j * 16, 16)] = zero
            return 0

        lax.fori_loop(0, EK, zrow, 0)
        nfull = ROWS_PER_SUB // EK
        rem = ROWS_PER_SUB - nfull * EK
        for i in range(nfull):
            pltpu.sync_copy(rows0, accum.at[pl.ds(s * ROWS_PER_SUB + i * EK, EK)])
        if rem:
            pltpu.sync_copy(rows0.at[pl.ds(0, rem)],
                            accum.at[pl.ds(s * ROWS_PER_SUB + nfull * EK, rem)])
        plsc.subcore_barrier()

        def chunk(g, _):
            pltpu.sync_copy(ep_hbm.at[cid0 + g], ebuf0)
            gsems = (gs0, gs1, gs2, gs3)
            q = EK // 4
            cps = [pltpu.async_copy(
                       x_hbm.at[ebuf0.at[0, pl.ds(i * q, q)]],
                       rows0.at[pl.ds(i * q, q)], gsems[i])
                   for i in range(4)]
            for cp in cps:
                cp.wait()
            _scale_rows(rows0, ebuf0, 2)
            pltpu.sync_copy(rows0, accum.at[ebuf0.at[1]], add=True)
            return 0

        lax.fori_loop(0, N_BLK, chunk, 0)
        plsc.subcore_barrier()

        pltpu.sync_copy(accum.at[pl.ds(s * ROWS_PER_SUB, ROWS_PER_SUB)],
                        out_hbm.at[c, pl.ds(s * ROWS_PER_SUB, ROWS_PER_SUB)])

    return k(x, epack)


def _dense_body(x_ref, s0_ref, s1_ref, w_ref, b_ref, o_ref):
    feat = 0.55 * x_ref[...] + 0.95 * (s0_ref[...] + s1_ref[...])
    o_ref[...] = jnp.dot(feat, w_ref[...],
                         preferred_element_type=jnp.float32) + b_ref[...]


def _dense(x, s0, s1, W, b):
    BM = 1000
    grid = (N_NODES // BM,)
    return pl.pallas_call(
        _dense_body,
        grid=grid,
        in_specs=[
            pl.BlockSpec((BM, D), lambda i: (i, 0)),
            pl.BlockSpec((BM, D), lambda i: (i, 0)),
            pl.BlockSpec((BM, D), lambda i: (i, 0)),
            pl.BlockSpec((D, D), lambda i: (0, 0)),
            pl.BlockSpec((1, D), lambda i: (0, 0)),
        ],
        out_specs=pl.BlockSpec((BM, D), lambda i: (i, 0)),
        out_shape=jax.ShapeDtypeStruct((N_NODES, D), jnp.float32),
    )(x, s0, s1, W, b)


def kernel(x, edge_indices, edge_attr, W, b):
    pad = E_PAD - E
    src = jnp.concatenate(
        [edge_indices[0].astype(jnp.int32), jnp.zeros((pad,), jnp.int32)])
    dst = jnp.concatenate(
        [edge_indices[1].astype(jnp.int32), jnp.zeros((pad,), jnp.int32)])
    attr_bits = jnp.concatenate(
        [edge_attr.astype(jnp.float32), jnp.zeros((pad,), jnp.float32)]
    ).view(jnp.int32)

    nchunks = E_PAD // EK
    epack = jnp.stack([src.reshape(nchunks, EK),
                       dst.reshape(nchunks, EK),
                       attr_bits.reshape(nchunks, EK)], axis=1)

    parts = _sc_scatter_spmm(x, epack)
    return _dense(x, parts[0], parts[1], W, b.reshape(1, D))

# --- scband reference (transcript-rebuilt; emitter-appended) ---
"""Pipeline reference for scband-ssgclayer-12584254177710 (READ-ONLY COPY).

The authoritative reference and input builder live on the scoring server;
editing this copy changes nothing except your own understanding.
"""

import jax, jax.numpy as jnp
import numpy as np

N_NODES = 10000
N_EDGES = 320000
D_FEAT = 128
OUT_CHANNELS = 128
ORDER = 2
ALPHA = 0.05


def spmm_scatter(x, edge_indices, edge_attr):
    # out[dst] += edge_attr * x[src]
    src = edge_indices[0]
    dst = edge_indices[1]
    msgs = edge_attr[:, None] * jnp.take(x, src, axis=0)
    out = jnp.zeros_like(x).at[dst].add(msgs)
    return out


def setup_inputs(seed: int = 0) -> dict:
    key = jax.random.key(seed)
    k1, k2, k3, k4 = jax.random.split(key, 4)
    x = jax.random.normal(k1, (N_NODES, D_FEAT), dtype=jnp.float32)
    edge_indices = jax.random.randint(k2, (2, N_EDGES), 0, N_NODES).astype(jnp.int64)
    edge_attr = jax.random.uniform(k3, (N_EDGES,), dtype=jnp.float32)
    # Dense layer params (flax nn.Dense: y = x @ W + b)
    W = jax.random.normal(k4, (D_FEAT, OUT_CHANNELS), dtype=jnp.float32) * 0.05
    b = jnp.zeros((OUT_CHANNELS,), dtype=jnp.float32)
    return {"x": x, "edge_indices": edge_indices, "edge_attr": edge_attr, "W": W, "b": b}


def reference(x, edge_indices, edge_attr, W, b):
    orig_feature = x
    sum_feature = x
    for _ in range(ORDER):
        features = (1.0 - ALPHA) * spmm_scatter(x, edge_indices, edge_attr)
        sum_feature = sum_feature + features
    feature = sum_feature / ORDER + ALPHA * orig_feature
    out = feature @ W + b
    return out

if __name__ == "__main__":
    import jax
    _d = setup_inputs()
    print(jax.jit(kernel)(*tuple(_d.values())))

</pallas_src>

<mosaic_0001>
#map = affine_map<(d0, d1) -> (0, 0)>
#map1 = affine_map<(d0, d1) -> (0, 0, 0)>
module attributes {stable_mosaic.version = 14 : i64} {
  func.func @k(%arg0: i32, %arg1: i32, %arg2: memref<10000x128xf32, #tpu.memory_space<hbm>>, %arg3: memref<2528x3x128xi32, #tpu.memory_space<hbm>>, %arg4: memref<2x10112x128xf32, #tpu.memory_space<hbm>>, %arg5: memref<3x128xi32, #tpu.memory_space<vmem>>, %arg6: memref<128x128xf32, #tpu.memory_space<vmem>>, %arg7: memref<10112x128xf32, #tpu.memory_space<vmem_shared>>, %arg8: memref<!tpu.dma_semaphore, #tpu.memory_space<semaphore_mem>>, %arg9: memref<!tpu.dma_semaphore, #tpu.memory_space<semaphore_mem>>, %arg10: memref<!tpu.dma_semaphore, #tpu.memory_space<semaphore_mem>>, %arg11: memref<!tpu.dma_semaphore, #tpu.memory_space<semaphore_mem>>) attributes {dimension_semantics = [#tpu.dimension_semantics<core_parallel>, #tpu.dimension_semantics<subcore_parallel>], iteration_bounds = array<i64: 2, 16>, scalar_prefetch = 0 : i64, scratch_operands = 7 : i64, tpu.core_type = #tpu.core_type<sc_vector_subcore>, window_params = [{transform_indices = #map}, {transform_indices = #map1}, {transform_indices = #map1}]} {
    %mul3A = arith.constant 2 : i32
    %mul3A_0 = arith.muli %arg1, %mul3A : i32
    %add3A = arith.addi %mul3A_0, %arg0 : i32
    %mul3A_1 = arith.constant 79 : i32
    %mul3A_2 = arith.muli %add3A, %mul3A_1 : i32
    %broadcast_in_dim3A = arith.constant 0.000000e+00 : f32
    %broadcast_in_dim3A_3 = vector.broadcast %broadcast_in_dim3A : f32 to vector<16xf32>
    %scan3A = arith.constant 0 : i32
    %scan3A_4 = arith.constant 0 : i32
    %scan3A_5 = arith.constant 128 : i32
    %scan3A_6 = arith.addi %scan3A_4, %scan3A_5 : i32
    %scan3A_7 = arith.constant 1 : i32
    %scan3A_8 = scf.for %scan3A_42 = %scan3A_4 to %scan3A_6 step %scan3A_7 iter_args(%scan3A_43 = %scan3A) -> (i32)  : i32 {
      %swap3A = arith.index_cast %scan3A_42 : i32 to index
      %swap3A_44 = arith.constant 0 : index
      %swap3A_45 = tpu.vector_load %arg6[%swap3A, %swap3A_44] {strides = array<i32>} : memref<128x128xf32, #tpu.memory_space<vmem>>, vector<1x16xf32>,
      %swap3A_46 = vector.shape_cast %swap3A_45 : vector<1x16xf32> to vector<16xf32>
      %swap3A_47 = vector.shape_cast %broadcast_in_dim3A_3 : vector<16xf32> to vector<1x16xf32>
      tpu.vector_store %arg6[%swap3A, %swap3A_44], %swap3A_47 {strides = array<i32>} : memref<128x128xf32, #tpu.memory_space<vmem>>, vector<1x16xf32>,
      %swap3A_48 = arith.index_cast %scan3A_42 : i32 to index
      %swap3A_49 = arith.constant 16 : index
      %swap3A_50 = tpu.vector_load %arg6[%swap3A_48, %swap3A_49] {strides = array<i32>} : memref<128x128xf32, #tpu.memory_space<vmem>>, vector<1x16xf32>,
      %swap3A_51 = vector.shape_cast %swap3A_50 : vector<1x16xf32> to vector<16xf32>
      %swap3A_52 = vector.shape_cast %broadcast_in_dim3A_3 : vector<16xf32> to vector<1x16xf32>
      tpu.vector_store %arg6[%swap3A_48, %swap3A_49], %swap3A_52 {strides = array<i32>} : memref<128x128xf32, #tpu.memory_space<vmem>>, vector<1x16xf32>,
      %swap3A_53 = arith.index_cast %scan3A_42 : i32 to index
      %swap3A_54 = arith.constant 32 : index
      %swap3A_55 = tpu.vector_load %arg6[%swap3A_53, %swap3A_54] {strides = array<i32>} : memref<128x128xf32, #tpu.memory_space<vmem>>, vector<1x16xf32>,
      %swap3A_56 = vector.shape_cast %swap3A_55 : vector<1x16xf32> to vector<16xf32>
      %swap3A_57 = vector.shape_cast %broadcast_in_dim3A_3 : vector<16xf32> to vector<1x16xf32>
      tpu.vector_store %arg6[%swap3A_53, %swap3A_54], %swap3A_57 {strides = array<i32>} : memref<128x128xf32, #tpu.memory_space<vmem>>, vector<1x16xf32>,
      %swap3A_58 = arith.index_cast %scan3A_42 : i32 to index
      %swap3A_59 = arith.constant 48 : index
      %swap3A_60 = tpu.vector_load %arg6[%swap3A_58, %swap3A_59] {strides = array<i32>} : memref<128x128xf32, #tpu.memory_space<vmem>>, vector<1x16xf32>,
      %swap3A_61 = vector.shape_cast %swap3A_60 : vector<1x16xf32> to vector<16xf32>
      %swap3A_62 = vector.shape_cast %broadcast_in_dim3A_3 : vector<16xf32> to vector<1x16xf32>
      tpu.vector_store %arg6[%swap3A_58, %swap3A_59], %swap3A_62 {strides = array<i32>} : memref<128x128xf32, #tpu.memory_space<vmem>>, vector<1x16xf32>,
      %swap3A_63 = arith.index_cast %scan3A_42 : i32 to index
      %swap3A_64 = arith.constant 64 : index
      %swap3A_65 = tpu.vector_load %arg6[%swap3A_63, %swap3A_64] {strides = array<i32>} : memref<128x128xf32, #tpu.memory_space<vmem>>, vector<1x16xf32>,
      %swap3A_66 = vector.shape_cast %swap3A_65 : vector<1x16xf32> to vector<16xf32>
      %swap3A_67 = vector.shape_cast %broadcast_in_dim3A_3 : vector<16xf32> to vector<1x16xf32>
      tpu.vector_store %arg6[%swap3A_63, %swap3A_64], %swap3A_67 {strides = array<i32>} : memref<128x128xf32, #tpu.memory_space<vmem>>, vector<1x16xf32>,
      %swap3A_68 = arith.index_cast %scan3A_42 : i32 to index
      %swap3A_69 = arith.constant 80 : index
      %swap3A_70 = tpu.vector_load %arg6[%swap3A_68, %swap3A_69] {strides = array<i32>} : memref<128x128xf32, #tpu.memory_space<vmem>>, vector<1x16xf32>,
      %swap3A_71 = vector.shape_cast %swap3A_70 : vector<1x16xf32> to vector<16xf32>
      %swap3A_72 = vector.shape_cast %broadcast_in_dim3A_3 : vector<16xf32> to vector<1x16xf32>
      tpu.vector_store %arg6[%swap3A_68, %swap3A_69], %swap3A_72 {strides = array<i32>} : memref<128x128xf32, #tpu.memory_space<vmem>>, vector<1x16xf32>,
      %swap3A_73 = arith.index_cast %scan3A_42 : i32 to index
      %swap3A_74 = arith.constant 96 : index
      %swap3A_75 = tpu.vector_load %arg6[%swap3A_73, %swap3A_74] {strides = array<i32>} : memref<128x128xf32, #tpu.memory_space<vmem>>, vector<1x16xf32>,
      %swap3A_76 = vector.shape_cast %swap3A_75 : vector<1x16xf32> to vector<16xf32>
      %swap3A_77 = vector.shape_cast %broadcast_in_dim3A_3 : vector<16xf32> to vector<1x16xf32>
      tpu.vector_store %arg6[%swap3A_73, %swap3A_74], %swap3A_77 {strides = array<i32>} : memref<128x128xf32, #tpu.memory_space<vmem>>, vector<1x16xf32>,
      %swap3A_78 = arith.index_cast %scan3A_42 : i32 to index
      %swap3A_79 = arith.constant 112 : index
      %swap3A_80 = tpu.vector_load %arg6[%swap3A_78, %swap3A_79] {strides = array<i32>} : memref<128x128xf32, #tpu.memory_space<vmem>>, vector<1x16xf32>,
      %swap3A_81 = vector.shape_cast %swap3A_80 : vector<1x16xf32> to vector<16xf32>
      %swap3A_82 = vector.shape_cast %broadcast_in_dim3A_3 : vector<16xf32> to vector<1x16xf32>
      tpu.vector_store %arg6[%swap3A_78, %swap3A_79], %swap3A_82 {strides = array<i32>} : memref<128x128xf32, #tpu.memory_space<vmem>>, vector<1x16xf32>,
      %scan3A_83 = arith.constant 0 : i32
      scf.yield %scan3A_83 : i32
    }
    %scan3A_9 = arith.constant 128 : i32
    %mul3A_10 = arith.constant 632 : i32
    %mul3A_11 = arith.muli %arg1, %mul3A_10 : i32
    %add3A_12 = arith.constant 0 : i32
    %add3A_13 = arith.addi %mul3A_11, %add3A_12 : i32
    "tpu.region"() ({
      %run_scoped3A = tpu.sem_alloc : memref<!tpu.dma_semaphore, #tpu.memory_space<semaphore_mem>>
      %dma_start3A = arith.constant 0 : i32
      %dma_start3A_42 = tpu.memref_slice %arg7[%add3A_13, %dma_start3A] : memref<10112x128xf32, #tpu.memory_space<vmem_shared>> -> memref<128x128xf32, #tpu.memory_space<vmem_shared>>
      %dma_start3A_43 = arith.constant 0 : i32
      %dma_start3A_44 = tpu.memref_slice %arg7[%add3A_13, %dma_start3A_43] : memref<10112x128xf32, #tpu.memory_space<vmem_shared>> -> memref<128x128xf32, #tpu.memory_space<vmem_shared>>
      tpu.enqueue_dma source(%arg6 : memref<128x128xf32, #tpu.memory_space<vmem>>) target(%dma_start3A_44 : memref<128x128xf32, #tpu.memory_space<vmem_shared>>) target_semaphore(%run_scoped3A : memref<!tpu.dma_semaphore, #tpu.memory_space<semaphore_mem>>)
      %dma_wait3A = arith.constant 0 : i32
      %dma_wait3A_45 = tpu.memref_slice %arg7[%add3A_13, %dma_wait3A] : memref<10112x128xf32, #tpu.memory_space<vmem_shared>> -> memref<128x128xf32, #tpu.memory_space<vmem_shared>>
      %dma_wait3A_46 = arith.constant 0 : i32
      %dma_wait3A_47 = tpu.memref_slice %arg7[%add3A_13, %dma_wait3A_46] : memref<10112x128xf32, #tpu.memory_space<vmem_shared>> -> memref<128x128xf32, #tpu.memory_space<vmem_shared>>
      tpu.wait_dma2 semaphore(%run_scoped3A : memref<!tpu.dma_semaphore, #tpu.memory_space<semaphore_mem>>) src(%arg6 : memref<128x128xf32, #tpu.memory_space<vmem>>) dst(%dma_wait3A_47 : memref<128x128xf32, #tpu.memory_space<vmem_shared>>)
      tpu.yield
    }) : () -> ()
    %mul3A_14 = arith.constant 632 : i32
    %mul3A_15 = arith.muli %arg1, %mul3A_14 : i32
    %add3A_16 = arith.constant 128 : i32
    %add3A_17 = arith.addi %mul3A_15, %add3A_16 : i32
    "tpu.region"() ({
      %run_scoped3A = tpu.sem_alloc : memref<!tpu.dma_semaphore, #tpu.memory_space<semaphore_mem>>
      %dma_start3A = arith.constant 0 : i32
      %dma_start3A_42 = tpu.memref_slice %arg7[%add3A_17, %dma_start3A] : memref<10112x128xf32, #tpu.memory_space<vmem_shared>> -> memref<128x128xf32, #tpu.memory_space<vmem_shared>>
      %dma_start3A_43 = arith.constant 0 : i32
      %dma_start3A_44 = tpu.memref_slice %arg7[%add3A_17, %dma_start3A_43] : memref<10112x128xf32, #tpu.memory_space<vmem_shared>> -> memref<128x128xf32, #tpu.memory_space<vmem_shared>>
      tpu.enqueue_dma source(%arg6 : memref<128x128xf32, #tpu.memory_space<vmem>>) target(%dma_start3A_44 : memref<128x128xf32, #tpu.memory_space<vmem_shared>>) target_semaphore(%run_scoped3A : memref<!tpu.dma_semaphore, #tpu.memory_space<semaphore_mem>>)
      %dma_wait3A = arith.constant 0 : i32
      %dma_wait3A_45 = tpu.memref_slice %arg7[%add3A_17, %dma_wait3A] : memref<10112x128xf32, #tpu.memory_space<vmem_shared>> -> memref<128x128xf32, #tpu.memory_space<vmem_shared>>
      %dma_wait3A_46 = arith.constant 0 : i32
      %dma_wait3A_47 = tpu.memref_slice %arg7[%add3A_17, %dma_wait3A_46] : memref<10112x128xf32, #tpu.memory_space<vmem_shared>> -> memref<128x128xf32, #tpu.memory_space<vmem_shared>>
      tpu.wait_dma2 semaphore(%run_scoped3A : memref<!tpu.dma_semaphore, #tpu.memory_space<semaphore_mem>>) src(%arg6 : memref<128x128xf32, #tpu.memory_space<vmem>>) dst(%dma_wait3A_47 : memref<128x128xf32, #tpu.memory_space<vmem_shared>>)
      tpu.yield
    }) : () -> ()
    %mul3A_18 = arith.constant 632 : i32
    %mul3A_19 = arith.muli %arg1, %mul3A_18 : i32
    %add3A_20 = arith.constant 256 : i32
    %add3A_21 = arith.addi %mul3A_19, %add3A_20 : i32
    "tpu.region"() ({
      %run_scoped3A = tpu.sem_alloc : memref<!tpu.dma_semaphore, #tpu.memory_space<semaphore_mem>>
      %dma_start3A = arith.constant 0 : i32
      %dma_start3A_42 = tpu.memref_slice %arg7[%add3A_21, %dma_start3A] : memref<10112x128xf32, #tpu.memory_space<vmem_shared>> -> memref<128x128xf32, #tpu.memory_space<vmem_shared>>
      %dma_start3A_43 = arith.constant 0 : i32
      %dma_start3A_44 = tpu.memref_slice %arg7[%add3A_21, %dma_start3A_43] : memref<10112x128xf32, #tpu.memory_space<vmem_shared>> -> memref<128x128xf32, #tpu.memory_space<vmem_shared>>
      tpu.enqueue_dma source(%arg6 : memref<128x128xf32, #tpu.memory_space<vmem>>) target(%dma_start3A_44 : memref<128x128xf32, #tpu.memory_space<vmem_shared>>) target_semaphore(%run_scoped3A : memref<!tpu.dma_semaphore, #tpu.memory_space<semaphore_mem>>)
      %dma_wait3A = arith.constant 0 : i32
      %dma_wait3A_45 = tpu.memref_slice %arg7[%add3A_21, %dma_wait3A] : memref<10112x128xf32, #tpu.memory_space<vmem_shared>> -> memref<128x128xf32, #tpu.memory_space<vmem_shared>>
      %dma_wait3A_46 = arith.constant 0 : i32
      %dma_wait3A_47 = tpu.memref_slice %arg7[%add3A_21, %dma_wait3A_46] : memref<10112x128xf32, #tpu.memory_space<vmem_shared>> -> memref<128x128xf32, #tpu.memory_space<vmem_shared>>
      tpu.wait_dma2 semaphore(%run_scoped3A : memref<!tpu.dma_semaphore, #tpu.memory_space<semaphore_mem>>) src(%arg6 : memref<128x128xf32, #tpu.memory_space<vmem>>) dst(%dma_wait3A_47 : memref<128x128xf32, #tpu.memory_space<vmem_shared>>)
      tpu.yield
    }) : () -> ()
    %mul3A_22 = arith.constant 632 : i32
    %mul3A_23 = arith.muli %arg1, %mul3A_22 : i32
    %add3A_24 = arith.constant 384 : i32
    %add3A_25 = arith.addi %mul3A_23, %add3A_24 : i32
    "tpu.region"() ({
      %run_scoped3A = tpu.sem_alloc : memref<!tpu.dma_semaphore, #tpu.memory_space<semaphore_mem>>
      %dma_start3A = arith.constant 0 : i32
      %dma_start3A_42 = tpu.memref_slice %arg7[%add3A_25, %dma_start3A] : memref<10112x128xf32, #tpu.memory_space<vmem_shared>> -> memref<128x128xf32, #tpu.memory_space<vmem_shared>>
      %dma_start3A_43 = arith.constant 0 : i32
      %dma_start3A_44 = tpu.memref_slice %arg7[%add3A_25, %dma_start3A_43] : memref<10112x128xf32, #tpu.memory_space<vmem_shared>> -> memref<128x128xf32, #tpu.memory_space<vmem_shared>>
      tpu.enqueue_dma source(%arg6 : memref<128x128xf32, #tpu.memory_space<vmem>>) target(%dma_start3A_44 : memref<128x128xf32, #tpu.memory_space<vmem_shared>>) target_semaphore(%run_scoped3A : memref<!tpu.dma_semaphore, #tpu.memory_space<semaphore_mem>>)
      %dma_wait3A = arith.constant 0 : i32
      %dma_wait3A_45 = tpu.memref_slice %arg7[%add3A_25, %dma_wait3A] : memref<10112x128xf32, #tpu.memory_space<vmem_shared>> -> memref<128x128xf32, #tpu.memory_space<vmem_shared>>
      %dma_wait3A_46 = arith.constant 0 : i32
      %dma_wait3A_47 = tpu.memref_slice %arg7[%add3A_25, %dma_wait3A_46] : memref<10112x128xf32, #tpu.memory_space<vmem_shared>> -> memref<128x128xf32, #tpu.memory_space<vmem_shared>>
      tpu.wait_dma2 semaphore(%run_scoped3A : memref<!tpu.dma_semaphore, #tpu.memory_space<semaphore_mem>>) src(%arg6 : memref<128x128xf32, #tpu.memory_space<vmem>>) dst(%dma_wait3A_47 : memref<128x128xf32, #tpu.memory_space<vmem_shared>>)
      tpu.yield
    }) : () -> ()
    %mul3A_26 = arith.constant 632 : i32
    %mul3A_27 = arith.muli %arg1, %mul3A_26 : i32
    %add3A_28 = arith.constant 512 : i32
    %add3A_29 = arith.addi %mul3A_27, %add3A_28 : i32
    "tpu.region"() ({
      %run_scoped3A = tpu.sem_alloc : memref<!tpu.dma_semaphore, #tpu.memory_space<semaphore_mem>>
      %dma_start3A = arith.constant 0 : i32
      %dma_start3A_42 = arith.constant 0 : i32
      %dma_start3A_43 = tpu.memref_slice %arg6[%dma_start3A, %dma_start3A_42] : memref<128x128xf32, #tpu.memory_space<vmem>> -> memref<120x128xf32, #tpu.memory_space<vmem>>
      %dma_start3A_44 = arith.constant 0 : i32
      %dma_start3A_45 = tpu.memref_slice %arg7[%add3A_29, %dma_start3A_44] : memref<10112x128xf32, #tpu.memory_space<vmem_shared>> -> memref<120x128xf32, #tpu.memory_space<vmem_shared>>
      %dma_start3A_46 = arith.constant 0 : i32
      %dma_start3A_47 = tpu.memref_slice %arg7[%add3A_29, %dma_start3A_46] : memref<10112x128xf32, #tpu.memory_space<vmem_shared>> -> memref<120x128xf32, #tpu.memory_space<vmem_shared>>
      %dma_start3A_48 = arith.constant 0 : i32
      %dma_start3A_49 = arith.constant 0 : i32
      %dma_start3A_50 = tpu.memref_slice %arg6[%dma_start3A_48, %dma_start3A_49] : memref<128x128xf32, #tpu.memory_space<vmem>> -> memref<120x128xf32, #tpu.memory_space<vmem>>
      tpu.enqueue_dma source(%dma_start3A_50 : memref<120x128xf32, #tpu.memory_space<vmem>>) target(%dma_start3A_47 : memref<120x128xf32, #tpu.memory_space<vmem_shared>>) target_semaphore(%run_scoped3A : memref<!tpu.dma_semaphore, #tpu.memory_space<semaphore_mem>>)
      %dma_wait3A = arith.constant 0 : i32
      %dma_wait3A_51 = arith.constant 0 : i32
      %dma_wait3A_52 = tpu.memref_slice %arg6[%dma_wait3A, %dma_wait3A_51] : memref<128x128xf32, #tpu.memory_space<vmem>> -> memref<120x128xf32, #tpu.memory_space<vmem>>
      %dma_wait3A_53 = arith.constant 0 : i32
      %dma_wait3A_54 = tpu.memref_slice %arg7[%add3A_29, %dma_wait3A_53] : memref<10112x128xf32, #tpu.memory_space<vmem_shared>> -> memref<120x128xf32, #tpu.memory_space<vmem_shared>>
      %dma_wait3A_55 = arith.constant 0 : i32
      %dma_wait3A_56 = tpu.memref_slice %arg7[%add3A_29, %dma_wait3A_55] : memref<10112x128xf32, #tpu.memory_space<vmem_shared>> -> memref<120x128xf32, #tpu.memory_space<vmem_shared>>
      %dma_wait3A_57 = arith.constant 0 : i32
      %dma_wait3A_58 = arith.constant 0 : i32
      %dma_wait3A_59 = tpu.memref_slice %arg6[%dma_wait3A_57, %dma_wait3A_58] : memref<128x128xf32, #tpu.memory_space<vmem>> -> memref<120x128xf32, #tpu.memory_space<vmem>>
      tpu.wait_dma2 semaphore(%run_scoped3A : memref<!tpu.dma_semaphore, #tpu.memory_space<semaphore_mem>>) src(%dma_wait3A_59 : memref<120x128xf32, #tpu.memory_space<vmem>>) dst(%dma_wait3A_56 : memref<120x128xf32, #tpu.memory_space<vmem_shared>>)
      tpu.yield
    }) : () -> ()
    %barrier3A = arith.constant 0 : index
    tpu.barrier barrier_id(%barrier3A)
    %scan3A_30 = arith.constant 0 : i32
    %scan3A_31 = arith.constant 0 : i32
    %scan3A_32 = arith.constant 79 : i32
    %scan3A_33 = arith.addi %scan3A_31, %scan3A_32 : i32
    %scan3A_34 = arith.constant 1 : i32
    %scan3A_35 = scf.for %scan3A_42 = %scan3A_31 to %scan3A_33 step %scan3A_34 iter_args(%scan3A_43 = %scan3A_30) -> (i32)  : i32 {
      %add3A_44 = arith.addi %mul3A_2, %scan3A_42 : i32
      "tpu.region"() ({
        %run_scoped3A_131 = tpu.sem_alloc : memref<!tpu.dma_semaphore, #tpu.memory_space<semaphore_mem>>
        %dma_start3A_132 = arith.constant 0 : i32
        %dma_start3A_133 = arith.constant 0 : i32
        %dma_start3A_134 = tpu.memref_slice %arg3[%add3A_44, %dma_start3A_132, %dma_start3A_133] : memref<2528x3x128xi32, #tpu.memory_space<hbm>> -> memref<1x3x128xi32, #tpu.memory_space<hbm>>
        %dma_start3A_135 = tpu.memref_squeeze %dma_start3A_134 : memref<1x3x128xi32, #tpu.memory_space<hbm>> -> memref<3x128xi32, #tpu.memory_space<hbm>>
        %dma_start3A_136 = arith.constant 0 : i32
        %dma_start3A_137 = arith.constant 0 : i32
        %dma_start3A_138 = tpu.memref_slice %arg3[%add3A_44, %dma_start3A_136, %dma_start3A_137] : memref<2528x3x128xi32, #tpu.memory_space<hbm>> -> memref<1x3x128xi32, #tpu.memory_space<hbm>>
        %dma_start3A_139 = tpu.memref_squeeze %dma_start3A_138 : memref<1x3x128xi32, #tpu.memory_space<hbm>> -> memref<3x128xi32, #tpu.memory_space<hbm>>
        tpu.enqueue_dma source(%dma_start3A_139 : memref<3x128xi32, #tpu.memory_space<hbm>>) target(%arg5 : memref<3x128xi32, #tpu.memory_space<vmem>>) target_semaphore(%run_scoped3A_131 : memref<!tpu.dma_semaphore, #tpu.memory_space<semaphore_mem>>)
        %dma_wait3A_140 = arith.constant 0 : i32
        %dma_wait3A_141 = arith.constant 0 : i32
        %dma_wait3A_142 = tpu.memref_slice %arg3[%add3A_44, %dma_wait3A_140, %dma_wait3A_141] : memref<2528x3x128xi32, #tpu.memory_space<hbm>> -> memref<1x3x128xi32, #tpu.memory_space<hbm>>
        %dma_wait3A_143 = tpu.memref_squeeze %dma_wait3A_142 : memref<1x3x128xi32, #tpu.memory_space<hbm>> -> memref<3x128xi32, #tpu.memory_space<hbm>>
        %dma_wait3A_144 = arith.constant 0 : i32
        %dma_wait3A_145 = arith.constant 0 : i32
        %dma_wait3A_146 = tpu.memref_slice %arg3[%add3A_44, %dma_wait3A_144, %dma_wait3A_145] : memref<2528x3x128xi32, #tpu.memory_space<hbm>> -> memref<1x3x128xi32, #tpu.memory_space<hbm>>
        %dma_wait3A_147 = tpu.memref_squeeze %dma_wait3A_146 : memref<1x3x128xi32, #tpu.memory_space<hbm>> -> memref<3x128xi32, #tpu.memory_space<hbm>>
        tpu.wait_dma2 semaphore(%run_scoped3A_131 : memref<!tpu.dma_semaphore, #tpu.memory_space<semaphore_mem>>) src(%dma_wait3A_147 : memref<3x128xi32, #tpu.memory_space<hbm>>) dst(%arg5 : memref<3x128xi32, #tpu.memory_space<vmem>>)
        tpu.yield
      }) : () -> ()
      %dma_start3A = arith.constant 0 : i32
      %dma_start3A_45 = arith.constant 0 : i32
      %dma_start3A_46 = arith.constant 0 : i32
      %dma_start3A_47 = tpu.memref_slice %arg6[%dma_start3A_45, %dma_start3A_46] : memref<128x128xf32, #tpu.memory_space<vmem>> -> memref<32x128xf32, #tpu.memory_space<vmem>>
      %dma_start3A_48 = arith.constant 0 : i32
      %dma_start3A_49 = tpu.memref_slice %arg5[%dma_start3A, %dma_start3A_48] : memref<3x128xi32, #tpu.memory_space<vmem>> -> memref<1x32xi32, #tpu.memory_space<vmem>>
      %dma_start3A_50 = tpu.memref_squeeze %dma_start3A_49 : memref<1x32xi32, #tpu.memory_space<vmem>> -> memref<32xi32, #tpu.memory_space<vmem>>
      %dma_start3A_51 = arith.constant 0 : i32
      %dma_start3A_52 = arith.constant 0 : i32
      %dma_start3A_53 = tpu.memref_slice %arg2[%dma_start3A_51, %dma_start3A_52] : memref<10000x128xf32, #tpu.memory_space<hbm>> -> memref<10000x128xf32, #tpu.memory_space<hbm>>
      tpu.enqueue_indirect_dma source(%dma_start3A_53 : memref<10000x128xf32, #tpu.memory_space<hbm>>) target(%dma_start3A_47 : memref<32x128xf32, #tpu.memory_space<vmem>>) offsets(%dma_start3A_50 : memref<32xi32, #tpu.memory_space<vmem>>) semaphore(%arg8 : memref<!tpu.dma_semaphore, #tpu.memory_space<semaphore_mem>>)
      %dma_start3A_54 = arith.constant 0 : i32
      %dma_start3A_55 = arith.constant 32 : i32
      %dma_start3A_56 = arith.constant 0 : i32
      %dma_start3A_57 = tpu.memref_slice %arg6[%dma_start3A_55, %dma_start3A_56] : memref<128x128xf32, #tpu.memory_space<vmem>> -> memref<32x128xf32, #tpu.memory_space<vmem>>
      %dma_start3A_58 = arith.constant 32 : i32
      %dma_start3A_59 = tpu.memref_slice %arg5[%dma_start3A_54, %dma_start3A_58] : memref<3x128xi32, #tpu.memory_space<vmem>> -> memref<1x32xi32, #tpu.memory_space<vmem>>
      %dma_start3A_60 = tpu.memref_squeeze %dma_start3A_59 : memref<1x32xi32, #tpu.memory_space<vmem>> -> memref<32xi32, #tpu.memory_space<vmem>>
      %dma_start3A_61 = arith.constant 0 : i32
      %dma_start3A_62 = arith.constant 0 : i32
      %dma_start3A_63 = tpu.memref_slice %arg2[%dma_start3A_61, %dma_start3A_62] : memref<10000x128xf32, #tpu.memory_space<hbm>> -> memref<10000x128xf32, #tpu.memory_space<hbm>>
      tpu.enqueue_indirect_dma source(%dma_start3A_63 : memref<10000x128xf32, #tpu.memory_space<hbm>>) target(%dma_start3A_57 : memref<32x128xf32, #tpu.memory_space<vmem>>) offsets(%dma_start3A_60 : memref<32xi32, #tpu.memory_space<vmem>>) semaphore(%arg9 : memref<!tpu.dma_semaphore, #tpu.memory_space<semaphore_mem>>)
      %dma_start3A_64 = arith.constant 0 : i32
      %dma_start3A_65 = arith.constant 64 : i32
      %dma_start3A_66 = arith.constant 0 : i32
      %dma_start3A_67 = tpu.memref_slice %arg6[%dma_start3A_65, %dma_start3A_66] : memref<128x128xf32, #tpu.memory_space<vmem>> -> memref<32x128xf32, #tpu.memory_space<vmem>>
      %dma_start3A_68 = arith.constant 64 : i32
      %dma_start3A_69 = tpu.memref_slice %arg5[%dma_start3A_64, %dma_start3A_68] : memref<3x128xi32, #tpu.memory_space<vmem>> -> memref<1x32xi32, #tpu.memory_space<vmem>>
      %dma_start3A_70 = tpu.memref_squeeze %dma_start3A_69 : memref<1x32xi32, #tpu.memory_space<vmem>> -> memref<32xi32, #tpu.memory_space<vmem>>
      %dma_start3A_71 = arith.constant 0 : i32
      %dma_start3A_72 = arith.constant 0 : i32
      %dma_start3A_73 = tpu.memref_slice %arg2[%dma_start3A_71, %dma_start3A_72] : memref<10000x128xf32, #tpu.memory_space<hbm>> -> memref<10000x128xf32, #tpu.memory_space<hbm>>
      tpu.enqueue_indirect_dma source(%dma_start3A_73 : memref<10000x128xf32, #tpu.memory_space<hbm>>) target(%dma_start3A_67 : memref<32x128xf32, #tpu.memory_space<vmem>>) offsets(%dma_start3A_70 : memref<32xi32, #tpu.memory_space<vmem>>) semaphore(%arg10 : memref<!tpu.dma_semaphore, #tpu.memory_space<semaphore_mem>>)
      %dma_start3A_74 = arith.constant 0 : i32
      %dma_start3A_75 = arith.constant 96 : i32
      %dma_start3A_76 = arith.constant 0 : i32
      %dma_start3A_77 = tpu.memref_slice %arg6[%dma_start3A_75, %dma_start3A_76] : memref<128x128xf32, #tpu.memory_space<vmem>> -> memref<32x128xf32, #tpu.memory_space<vmem>>
      %dma_start3A_78 = arith.constant 96 : i32
      %dma_start3A_79 = tpu.memref_slice %arg5[%dma_start3A_74, %dma_start3A_78] : memref<3x128xi32, #tpu.memory_space<vmem>> -> memref<1x32xi32, #tpu.memory_space<vmem>>
      %dma_start3A_80 = tpu.memref_squeeze %dma_start3A_79 : memref<1x32xi32, #tpu.memory_space<vmem>> -> memref<32xi32, #tpu.memory_space<vmem>>
      %dma_start3A_81 = arith.constant 0 : i32
      %dma_start3A_82 = arith.constant 0 : i32
      %dma_start3A_83 = tpu.memref_slice %arg2[%dma_start3A_81, %dma_start3A_82] : memref<10000x128xf32, #tpu.memory_space<hbm>> -> memref<10000x128xf32, #tpu.memory_space<hbm>>
      tpu.enqueue_indirect_dma source(%dma_start3A_83 : memref<10000x128xf32, #tpu.memory_space<hbm>>) target(%dma_start3A_77 : memref<32x128xf32, #tpu.memory_space<vmem>>) offsets(%dma_start3A_80 : memref<32xi32, #tpu.memory_space<vmem>>) semaphore(%arg11 : memref<!tpu.dma_semaphore, #tpu.memory_space<semaphore_mem>>)
      %dma_wait3A = arith.constant 0 : i32
      %dma_wait3A_84 = arith.constant 0 : i32
      %dma_wait3A_85 = arith.constant 0 : i32
      %dma_wait3A_86 = tpu.memref_slice %arg6[%dma_wait3A_84, %dma_wait3A_85] : memref<128x128xf32, #tpu.memory_space<vmem>> -> memref<32x128xf32, #tpu.memory_space<vmem>>
      %dma_wait3A_87 = arith.constant 0 : i32
      %dma_wait3A_88 = tpu.memref_slice %arg5[%dma_wait3A, %dma_wait3A_87] : memref<3x128xi32, #tpu.memory_space<vmem>> -> memref<1x32xi32, #tpu.memory_space<vmem>>
      %dma_wait3A_89 = tpu.memref_squeeze %dma_wait3A_88 : memref<1x32xi32, #tpu.memory_space<vmem>> -> memref<32xi32, #tpu.memory_space<vmem>>
      %dma_wait3A_90 = arith.constant 0 : i32
      %dma_wait3A_91 = arith.constant 0 : i32
      %dma_wait3A_92 = tpu.memref_slice %arg2[%dma_wait3A_90, %dma_wait3A_91] : memref<10000x128xf32, #tpu.memory_space<hbm>> -> memref<10000x128xf32, #tpu.memory_space<hbm>>
      tpu.wait_indirect_dma semaphore(%arg8 : memref<!tpu.dma_semaphore, #tpu.memory_space<semaphore_mem>>) src(%dma_wait3A_92 : memref<10000x128xf32, #tpu.memory_space<hbm>>) dst(%dma_wait3A_86 : memref<32x128xf32, #tpu.memory_space<vmem>>)
      %dma_wait3A_93 = arith.constant 0 : i32
      %dma_wait3A_94 = arith.constant 32 : i32
      %dma_wait3A_95 = arith.constant 0 : i32
      %dma_wait3A_96 = tpu.memref_slice %arg6[%dma_wait3A_94, %dma_wait3A_95] : memref<128x128xf32, #tpu.memory_space<vmem>> -> memref<32x128xf32, #tpu.memory_space<vmem>>
      %dma_wait3A_97 = arith.constant 32 : i32
      %dma_wait3A_98 = tpu.memref_slice %arg5[%dma_wait3A_93, %dma_wait3A_97] : memref<3x128xi32, #tpu.memory_space<vmem>> -> memref<1x32xi32, #tpu.memory_space<vmem>>
      %dma_wait3A_99 = tpu.memref_squeeze %dma_wait3A_98 : memref<1x32xi32, #tpu.memory_space<vmem>> -> memref<32xi32, #tpu.memory_space<vmem>>
      %dma_wait3A_100 = arith.constant 0 : i32
      %dma_wait3A_101 = arith.constant 0 : i32
      %dma_wait3A_102 = tpu.memref_slice %arg2[%dma_wait3A_100, %dma_wait3A_101] : memref<10000x128xf32, #tpu.memory_space<hbm>> -> memref<10000x128xf32, #tpu.memory_space<hbm>>
      tpu.wait_indirect_dma semaphore(%arg9 : memref<!tpu.dma_semaphore, #tpu.memory_space<semaphore_mem>>) src(%dma_wait3A_102 : memref<10000x128xf32, #tpu.memory_space<hbm>>) dst(%dma_wait3A_96 : memref<32x128xf32, #tpu.memory_space<vmem>>)
      %dma_wait3A_103 = arith.constant 0 : i32
      %dma_wait3A_104 = arith.constant 64 : i32
      %dma_wait3A_105 = arith.constant 0 : i32
      %dma_wait3A_106 = tpu.memref_slice %arg6[%dma_wait3A_104, %dma_wait3A_105] : memref<128x128xf32, #tpu.memory_space<vmem>> -> memref<32x128xf32, #tpu.memory_space<vmem>>
      %dma_wait3A_107 = arith.constant 64 : i32
      %dma_wait3A_108 = tpu.memref_slice %arg5[%dma_wait3A_103, %dma_wait3A_107] : memref<3x128xi32, #tpu.memory_space<vmem>> -> memref<1x32xi32, #tpu.memory_space<vmem>>
      %dma_wait3A_109 = tpu.memref_squeeze %dma_wait3A_108 : memref<1x32xi32, #tpu.memory_space<vmem>> -> memref<32xi32, #tpu.memory_space<vmem>>
      %dma_wait3A_110 = arith.constant 0 : i32
      %dma_wait3A_111 = arith.constant 0 : i32
      %dma_wait3A_112 = tpu.memref_slice %arg2[%dma_wait3A_110, %dma_wait3A_111] : memref<10000x128xf32, #tpu.memory_space<hbm>> -> memref<10000x128xf32, #tpu.memory_space<hbm>>
      tpu.wait_indirect_dma semaphore(%arg10 : memref<!tpu.dma_semaphore, #tpu.memory_space<semaphore_mem>>) src(%dma_wait3A_112 : memref<10000x128xf32, #tpu.memory_space<hbm>>) dst(%dma_wait3A_106 : memref<32x128xf32, #tpu.memory_space<vmem>>)
      %dma_wait3A_113 = arith.constant 0 : i32
      %dma_wait3A_114 = arith.constant 96 : i32
      %dma_wait3A_115 = arith.constant 0 : i32
      %dma_wait3A_116 = tpu.memref_slice %arg6[%dma_wait3A_114, %dma_wait3A_115] : memref<128x128xf32, #tpu.memory_space<vmem>> -> memref<32x128xf32, #tpu.memory_space<vmem>>
      %dma_wait3A_117 = arith.constant 96 : i32
      %dma_wait3A_118 = tpu.memref_slice %arg5[%dma_wait3A_113, %dma_wait3A_117] : memref<3x128xi32, #tpu.memory_space<vmem>> -> memref<1x32xi32, #tpu.memory_space<vmem>>
      %dma_wait3A_119 = tpu.memref_squeeze %dma_wait3A_118 : memref<1x32xi32, #tpu.memory_space<vmem>> -> memref<32xi32, #tpu.memory_space<vmem>>
      %dma_wait3A_120 = arith.constant 0 : i32
      %dma_wait3A_121 = arith.constant 0 : i32
      %dma_wait3A_122 = tpu.memref_slice %arg2[%dma_wait3A_120, %dma_wait3A_121] : memref<10000x128xf32, #tpu.memory_space<hbm>> -> memref<10000x128xf32, #tpu.memory_space<hbm>>
      tpu.wait_indirect_dma semaphore(%arg11 : memref<!tpu.dma_semaphore, #tpu.memory_space<semaphore_mem>>) src(%dma_wait3A_122 : memref<10000x128xf32, #tpu.memory_space<hbm>>) dst(%dma_wait3A_116 : memref<32x128xf32, #tpu.memory_space<vmem>>)
      %scan3A_123 = arith.constant 0 : i32
      %scan3A_124 = arith.constant 0 : i32
      %scan3A_125 = arith.constant 8 : i32
      %scan3A_126 = arith.addi %scan3A_124, %scan3A_125 : i32
      %scan3A_127 = arith.constant 1 : i32
      %scan3A_128 = scf.for %scan3A_131 = %scan3A_124 to %scan3A_126 step %scan3A_127 iter_args(%scan3A_132 = %scan3A_123) -> (i32)  : i32 {
        %mul3A_133 = arith.constant 16 : i32
        %mul3A_134 = arith.muli %scan3A_131, %mul3A_133 : i32
        %get3A = arith.constant 2 : i32
        %get3A_135 = arith.index_cast %get3A : i32 to index
        %get3A_136 = arith.index_cast %mul3A_134 : i32 to index
        %get3A_137 = tpu.vector_load %arg5[%get3A_135, %get3A_136] {strides = array<i32>} : memref<3x128xi32, #tpu.memory_space<vmem>>, vector<1x16xi32>,
        %get3A_138 = vector.shape_cast %get3A_137 : vector<1x16xi32> to vector<16xi32>
        %bitcast_convert_type3A = tpu.bitcast %get3A_138 : vector<16xi32> -> vector<16xf32>
        %broadcast_in_dim3A_139 = arith.constant 0 : i32
        %broadcast_in_dim3A_140 = vector.broadcast %broadcast_in_dim3A_139 : i32 to vector<16x1xi32>
        %gather3A = vector.shape_cast %broadcast_in_dim3A_140 : vector<16x1xi32> to vector<16xi32>
        %gather3A_141 = tpu.dynamic_gather %bitcast_convert_type3A[%gather3A] in [0] : vector<16xf32>, vector<16xi32> -> vector<16xf32>
        %mul3A_142 = arith.constant 16 : i32
        %mul3A_143 = arith.muli %scan3A_131, %mul3A_142 : i32
        %add3A_144 = arith.constant 0 : i32
        %add3A_145 = arith.addi %mul3A_143, %add3A_144 : i32
        %get3A_146 = arith.index_cast %add3A_145 : i32 to index
        %get3A_147 = arith.constant 0 : index
        %get3A_148 = tpu.vector_load %arg6[%get3A_146, %get3A_147] {strides = array<i32>} : memref<128x128xf32, #tpu.memory_space<vmem>>, vector<1x16xf32>,
        %get3A_149 = vector.shape_cast %get3A_148 : vector<1x16xf32> to vector<16xf32>
        %mul3A_150 = arith.mulf %get3A_149, %gather3A_141 : vector<16xf32>
        %swap3A = arith.index_cast %add3A_145 : i32 to index
        %swap3A_151 = arith.constant 0 : index
        %swap3A_152 = tpu.vector_load %arg6[%swap3A, %swap3A_151] {strides = array<i32>} : memref<128x128xf32, #tpu.memory_space<vmem>>, vector<1x16xf32>,
        %swap3A_153 = vector.shape_cast %swap3A_152 : vector<1x16xf32> to vector<16xf32>
        %swap3A_154 = vector.shape_cast %mul3A_150 : vector<16xf32> to vector<1x16xf32>
        tpu.vector_store %arg6[%swap3A, %swap3A_151], %swap3A_154 {strides = array<i32>} : memref<128x128xf32, #tpu.memory_space<vmem>>, vector<1x16xf32>,
        %get3A_155 = arith.index_cast %add3A_145 : i32 to index
        %get3A_156 = arith.constant 16 : index
        %get3A_157 = tpu.vector_load %arg6[%get3A_155, %get3A_156] {strides = array<i32>} : memref<128x128xf32, #tpu.memory_space<vmem>>, vector<1x16xf32>,
        %get3A_158 = vector.shape_cast %get3A_157 : vector<1x16xf32> to vector<16xf32>
        %mul3A_159 = arith.mulf %get3A_158, %gather3A_141 : vector<16xf32>
        %swap3A_160 = arith.index_cast %add3A_145 : i32 to index
        %swap3A_161 = arith.constant 16 : index
        %swap3A_162 = tpu.vector_load %arg6[%swap3A_160, %swap3A_161] {strides = array<i32>} : memref<128x128xf32, #tpu.memory_space<vmem>>, vector<1x16xf32>,
        %swap3A_163 = vector.shape_cast %swap3A_162 : vector<1x16xf32> to vector<16xf32>
        %swap3A_164 = vector.shape_cast %mul3A_159 : vector<16xf32> to vector<1x16xf32>
        tpu.vector_store %arg6[%swap3A_160, %swap3A_161], %swap3A_164 {strides = array<i32>} : memref<128x128xf32, #tpu.memory_space<vmem>>, vector<1x16xf32>,
        %get3A_165 = arith.index_cast %add3A_145 : i32 to index
        %get3A_166 = arith.constant 32 : index
        %get3A_167 = tpu.vector_load %arg6[%get3A_165, %get3A_166] {strides = array<i32>} : memref<128x128xf32, #tpu.memory_space<vmem>>, vector<1x16xf32>,
        %get3A_168 = vector.shape_cast %get3A_167 : vector<1x16xf32> to vector<16xf32>
        %mul3A_169 = arith.mulf %get3A_168, %gather3A_141 : vector<16xf32>
        %swap3A_170 = arith.index_cast %add3A_145 : i32 to index
        %swap3A_171 = arith.constant 32 : index
        %swap3A_172 = tpu.vector_load %arg6[%swap3A_170, %swap3A_171] {strides = array<i32>} : memref<128x128xf32, #tpu.memory_space<vmem>>, vector<1x16xf32>,
        %swap3A_173 = vector.shape_cast %swap3A_172 : vector<1x16xf32> to vector<16xf32>
        %swap3A_174 = vector.shape_cast %mul3A_169 : vector<16xf32> to vector<1x16xf32>
        tpu.vector_store %arg6[%swap3A_170, %swap3A_171], %swap3A_174 {strides = array<i32>} : memref<128x128xf32, #tpu.memory_space<vmem>>, vector<1x16xf32>,
        %get3A_175 = arith.index_cast %add3A_145 : i32 to index
        %get3A_176 = arith.constant 48 : index
        %get3A_177 = tpu.vector_load %arg6[%get3A_175, %get3A_176] {strides = array<i32>} : memref<128x128xf32, #tpu.memory_space<vmem>>, vector<1x16xf32>,
        %get3A_178 = vector.shape_cast %get3A_177 : vector<1x16xf32> to vector<16xf32>
        %mul3A_179 = arith.mulf %get3A_178, %gather3A_141 : vector<16xf32>
        %swap3A_180 = arith.index_cast %add3A_145 : i32 to index
        %swap3A_181 = arith.constant 48 : index
        %swap3A_182 = tpu.vector_load %arg6[%swap3A_180, %swap3A_181] {strides = array<i32>} : memref<128x128xf32, #tpu.memory_space<vmem>>, vector<1x16xf32>,
        %swap3A_183 = vector.shape_cast %swap3A_182 : vector<1x16xf32> to vector<16xf32>
        %swap3A_184 = vector.shape_cast %mul3A_179 : vector<16xf32> to vector<1x16xf32>
        tpu.vector_store %arg6[%swap3A_180, %swap3A_181], %swap3A_184 {strides = array<i32>} : memref<128x128xf32, #tpu.memory_space<vmem>>, vector<1x16xf32>,
        %get3A_185 = arith.index_cast %add3A_145 : i32 to index
        %get3A_186 = arith.constant 64 : index
        %get3A_187 = tpu.vector_load %arg6[%get3A_185, %get3A_186] {strides = array<i32>} : memref<128x128xf32, #tpu.memory_space<vmem>>, vector<1x16xf32>,
        %get3A_188 = vector.shape_cast %get3A_187 : vector<1x16xf32> to vector<16xf32>
        %mul3A_189 = arith.mulf %get3A_188, %gather3A_141 : vector<16xf32>
        %swap3A_190 = arith.index_cast %add3A_145 : i32 to index
        %swap3A_191 = arith.constant 64 : index
        %swap3A_192 = tpu.vector_load %arg6[%swap3A_190, %swap3A_191] {strides = array<i32>} : memref<128x128xf32, #tpu.memory_space<vmem>>, vector<1x16xf32>,
        %swap3A_193 = vector.shape_cast %swap3A_192 : vector<1x16xf32> to vector<16xf32>
        %swap3A_194 = vector.shape_cast %mul3A_189 : vector<16xf32> to vector<1x16xf32>
        tpu.vector_store %arg6[%swap3A_190, %swap3A_191], %swap3A_194 {strides = array<i32>} : memref<128x128xf32, #tpu.memory_space<vmem>>, vector<1x16xf32>,
        %get3A_195 = arith.index_cast %add3A_145 : i32 to index
        %get3A_196 = arith.constant 80 : index
        %get3A_197 = tpu.vector_load %arg6[%get3A_195, %get3A_196] {strides = array<i32>} : memref<128x128xf32, #tpu.memory_space<vmem>>, vector<1x16xf32>,
        %get3A_198 = vector.shape_cast %get3A_197 : vector<1x16xf32> to vector<16xf32>
        %mul3A_199 = arith.mulf %get3A_198, %gather3A_141 : vector<16xf32>
        %swap3A_200 = arith.index_cast %add3A_145 : i32 to index
        %swap3A_201 = arith.constant 80 : index
        %swap3A_202 = tpu.vector_load %arg6[%swap3A_200, %swap3A_201] {strides = array<i32>} : memref<128x128xf32, #tpu.memory_space<vmem>>, vector<1x16xf32>,
        %swap3A_203 = vector.shape_cast %swap3A_202 : vector<1x16xf32> to vector<16xf32>
        %swap3A_204 = vector.shape_cast %mul3A_199 : vector<16xf32> to vector<1x16xf32>
        tpu.vector_store %arg6[%swap3A_200, %swap3A_201], %swap3A_204 {strides = array<i32>} : memref<128x128xf32, #tpu.memory_space<vmem>>, vector<1x16xf32>,
        %get3A_205 = arith.index_cast %add3A_145 : i32 to index
        %get3A_206 = arith.constant 96 : index
        %get3A_207 = tpu.vector_load %arg6[%get3A_205, %get3A_206] {strides = array<i32>} : memref<128x128xf32, #tpu.memory_space<vmem>>, vector<1x16xf32>,
        %get3A_208 = vector.shape_cast %get3A_207 : vector<1x16xf32> to vector<16xf32>
        %mul3A_209 = arith.mulf %get3A_208, %gather3A_141 : vector<16xf32>
        %swap3A_210 = arith.index_cast %add3A_145 : i32 to index
        %swap3A_211 = arith.constant 96 : index
        %swap3A_212 = tpu.vector_load %arg6[%swap3A_210, %swap3A_211] {strides = array<i32>} : memref<128x128xf32, #tpu.memory_space<vmem>>, vector<1x16xf32>,
        %swap3A_213 = vector.shape_cast %swap3A_212 : vector<1x16xf32> to vector<16xf32>
        %swap3A_214 = vector.shape_cast %mul3A_209 : vector<16xf32> to vector<1x16xf32>
        tpu.vector_store %arg6[%swap3A_210, %swap3A_211], %swap3A_214 {strides = array<i32>} : memref<128x128xf32, #tpu.memory_space<vmem>>, vector<1x16xf32>,
        %get3A_215 = arith.index_cast %add3A_145 : i32 to index
        %get3A_216 = arith.constant 112 : index
        %get3A_217 = tpu.vector_load %arg6[%get3A_215, %get3A_216] {strides = array<i32>} : memref<128x128xf32, #tpu.memory_space<vmem>>, vector<1x16xf32>,
        %get3A_218 = vector.shape_cast %get3A_217 : vector<1x16xf32> to vector<16xf32>
        %mul3A_219 = arith.mulf %get3A_218, %gather3A_141 : vector<16xf32>
        %swap3A_220 = arith.index_cast %add3A_145 : i32 to index
        %swap3A_221 = arith.constant 112 : index
        %swap3A_222 = tpu.vector_load %arg6[%swap3A_220, %swap3A_221] {strides = array<i32>} : memref<128x128xf32, #tpu.memory_space<vmem>>, vector<1x16xf32>,
        %swap3A_223 = vector.shape_cast %swap3A_222 : vector<1x16xf32> to vector<16xf32>
        %swap3A_224 = vector.shape_cast %mul3A_219 : vector<16xf32> to vector<1x16xf32>
        tpu.vector_store %arg6[%swap3A_220, %swap3A_221], %swap3A_224 {strides = array<i32>} : memref<128x128xf32, #tpu.memory_space<vmem>>, vector<1x16xf32>,
        %broadcast_in_dim3A_225 = arith.constant 1 : i32
        %broadcast_in_dim3A_226 = vector.broadcast %broadcast_in_dim3A_225 : i32 to vector<16x1xi32>
        %gather3A_227 = vector.shape_cast %broadcast_in_dim3A_226 : vector<16x1xi32> to vector<16xi32>
        %gather3A_228 = tpu.dynamic_gather %bitcast_convert_type3A[%gather3A_227] in [0] : vector<16xf32>, vector<16xi32> -> vector<16xf32>
        %mul3A_229 = arith.constant 16 : i32
        %mul3A_230 = arith.muli %scan3A_131, %mul3A_229 : i32
        %add3A_231 = arith.constant 1 : i32
        %add3A_232 = arith.addi %mul3A_230, %add3A_231 : i32
        %get3A_233 = arith.index_cast %add3A_232 : i32 to index
        %get3A_234 = arith.constant 0 : index
        %get3A_235 = tpu.vector_load %arg6[%get3A_233, %get3A_234] {strides = array<i32>} : memref<128x128xf32, #tpu.memory_space<vmem>>, vector<1x16xf32>,
        %get3A_236 = vector.shape_cast %get3A_235 : vector<1x16xf32> to vector<16xf32>
        %mul3A_237 = arith.mulf %get3A_236, %gather3A_228 : vector<16xf32>
        %swap3A_238 = arith.index_cast %add3A_232 : i32 to index
        %swap3A_239 = arith.constant 0 : index
        %swap3A_240 = tpu.vector_load %arg6[%swap3A_238, %swap3A_239] {strides = array<i32>} : memref<128x128xf32, #tpu.memory_space<vmem>>, vector<1x16xf32>,
        %swap3A_241 = vector.shape_cast %swap3A_240 : vector<1x16xf32> to vector<16xf32>
        %swap3A_242 = vector.shape_cast %mul3A_237 : vector<16xf32> to vector<1x16xf32>
        tpu.vector_store %arg6[%swap3A_238, %swap3A_239], %swap3A_242 {strides = array<i32>} : memref<128x128xf32, #tpu.memory_space<vmem>>, vector<1x16xf32>,
        %get3A_243 = arith.index_cast %add3A_232 : i32 to index
        %get3A_244 = arith.constant 16 : index
        %get3A_245 = tpu.vector_load %arg6[%get3A_243, %get3A_244] {strides = array<i32>} : memref<128x128xf32, #tpu.memory_space<vmem>>, vector<1x16xf32>,
        %get3A_246 = vector.shape_cast %get3A_245 : vector<1x16xf32> to vector<16xf32>
        %mul3A_247 = arith.mulf %get3A_246, %gather3A_228 : vector<16xf32>
        %swap3A_248 = arith.index_cast %add3A_232 : i32 to index
        %swap3A_249 = arith.constant 16 : index
        %swap3A_250 = tpu.vector_load %arg6[%swap3A_248, %swap3A_249] {strides = array<i32>} : memref<128x128xf32, #tpu.memory_space<vmem>>, vector<1x16xf32>,
        %swap3A_251 = vector.shape_cast %swap3A_250 : vector<1x16xf32> to vector<16xf32>
        %swap3A_252 = vector.shape_cast %mul3A_247 : vector<16xf32> to vector<1x16xf32>
        tpu.vector_store %arg6[%swap3A_248, %swap3A_249], %swap3A_252 {strides = array<i32>} : memref<128x128xf32, #tpu.memory_space<vmem>>, vector<1x16xf32>,
        %get3A_253 = arith.index_cast %add3A_232 : i32 to index
        %get3A_254 = arith.constant 32 : index
        %get3A_255 = tpu.vector_load %arg6[%get3A_253, %get3A_254] {strides = array<i32>} : memref<128x128xf32, #tpu.memory_space<vmem>>, vector<1x16xf32>,
        %get3A_256 = vector.shape_cast %get3A_255 : vector<1x16xf32> to vector<16xf32>
        %mul3A_257 = arith.mulf %get3A_256, %gather3A_228 : vector<16xf32>
        %swap3A_258 = arith.index_cast %add3A_232 : i32 to index
        %swap3A_259 = arith.constant 32 : index
        %swap3A_260 = tpu.vector_load %arg6[%swap3A_258, %swap3A_259] {strides = array<i32>} : memref<128x128xf32, #tpu.memory_space<vmem>>, vector<1x16xf32>,
        %swap3A_261 = vector.shape_cast %swap3A_260 : vector<1x16xf32> to vector<16xf32>
        %swap3A_262 = vector.shape_cast %mul3A_257 : vector<16xf32> to vector<1x16xf32>
        tpu.vector_store %arg6[%swap3A_258, %swap3A_259], %swap3A_262 {strides = array<i32>} : memref<128x128xf32, #tpu.memory_space<vmem>>, vector<1x16xf32>,
        %get3A_263 = arith.index_cast %add3A_232 : i32 to index
        %get3A_264 = arith.constant 48 : index
        %get3A_265 = tpu.vector_load %arg6[%get3A_263, %get3A_264] {strides = array<i32>} : memref<128x128xf32, #tpu.memory_space<vmem>>, vector<1x16xf32>,
        %get3A_266 = vector.shape_cast %get3A_265 : vector<1x16xf32> to vector<16xf32>
        %mul3A_267 = arith.mulf %get3A_266, %gather3A_228 : vector<16xf32>
        %swap3A_268 = arith.index_cast %add3A_232 : i32 to index
        %swap3A_269 = arith.constant 48 : index
        %swap3A_270 = tpu.vector_load %arg6[%swap3A_268, %swap3A_269] {strides = array<i32>} : memref<128x128xf32, #tpu.memory_space<vmem>>, vector<1x16xf32>,
        %swap3A_271 = vector.shape_cast %swap3A_270 : vector<1x16xf32> to vector<16xf32>
        %swap3A_272 = vector.shape_cast %mul3A_267 : vector<16xf32> to vector<1x16xf32>
        tpu.vector_store %arg6[%swap3A_268, %swap3A_269], %swap3A_272 {strides = array<i32>} : memref<128x128xf32, #tpu.memory_space<vmem>>, vector<1x16xf32>,
        %get3A_273 = arith.index_cast %add3A_232 : i32 to index
        %get3A_274 = arith.constant 64 : index
        %get3A_275 = tpu.vector_load %arg6[%get3A_273, %get3A_274] {strides = array<i32>} : memref<128x128xf32, #tpu.memory_space<vmem>>, vector<1x16xf32>,
        %get3A_276 = vector.shape_cast %get3A_275 : vector<1x16xf32> to vector<16xf32>
        %mul3A_277 = arith.mulf %get3A_276, %gather3A_228 : vector<16xf32>
        %swap3A_278 = arith.index_cast %add3A_232 : i32 to index
        %swap3A_279 = arith.constant 64 : index
        %swap3A_280 = tpu.vector_load %arg6[%swap3A_278, %swap3A_279] {strides = array<i32>} : memref<128x128xf32, #tpu.memory_space<vmem>>, vector<1x16xf32>,
        %swap3A_281 = vector.shape_cast %swap3A_280 : vector<1x16xf32> to vector<16xf32>
        %swap3A_282 = vector.shape_cast %mul3A_277 : vector<16xf32> to vector<1x16xf32>
        tpu.vector_store %arg6[%swap3A_278, %swap3A_279], %swap3A_282 {strides = array<i32>} : memref<128x128xf32, #tpu.memory_space<vmem>>, vector<1x16xf32>,
        %get3A_283 = arith.index_cast %add3A_232 : i32 to index
        %get3A_284 = arith.constant 80 : index
        %get3A_285 = tpu.vector_load %arg6[%get3A_283, %get3A_284] {strides = array<i32>} : memref<128x128xf32, #tpu.memory_space<vmem>>, vector<1x16xf32>,
        %get3A_286 = vector.shape_cast %get3A_285 : vector<1x16xf32> to vector<16xf32>
        %mul3A_287 = arith.mulf %get3A_286, %gather3A_228 : vector<16xf32>
        %swap3A_288 = arith.index_cast %add3A_232 : i32 to index
        %swap3A_289 = arith.constant 80 : index
        %swap3A_290 = tpu.vector_load %arg6[%swap3A_288, %swap3A_289] {strides = array<i32>} : memref<128x128xf32, #tpu.memory_space<vmem>>, vector<1x16xf32>,
        %swap3A_291 = vector.shape_cast %swap3A_290 : vector<1x16xf32> to vector<16xf32>
        %swap3A_292 = vector.shape_cast %mul3A_287 : vector<16xf32> to vector<1x16xf32>
        tpu.vector_store %arg6[%swap3A_288, %swap3A_289], %swap3A_292 {strides = array<i32>} : memref<128x128xf32, #tpu.memory_space<vmem>>, vector<1x16xf32>,
        %get3A_293 = arith.index_cast %add3A_232 : i32 to index
        %get3A_294 = arith.constant 96 : index
        %get3A_295 = tpu.vector_load %arg6[%get3A_293, %get3A_294] {strides = array<i32>} : memref<128x128xf32, #tpu.memory_space<vmem>>, vector<1x16xf32>,
        %get3A_296 = vector.shape_cast %get3A_295 : vector<1x16xf32> to vector<16xf32>
        %mul3A_297 = arith.mulf %get3A_296, %gather3A_228 : vector<16xf32>
        %swap3A_298 = arith.index_cast %add3A_232 : i32 to index
        %swap3A_299 = arith.constant 96 : index
        %swap3A_300 = tpu.vector_load %arg6[%swap3A_298, %swap3A_299] {strides = array<i32>} : memref<128x128xf32, #tpu.memory_space<vmem>>, vector<1x16xf32>,
        %swap3A_301 = vector.shape_cast %swap3A_300 : vector<1x16xf32> to vector<16xf32>
        %swap3A_302 = vector.shape_cast %mul3A_297 : vector<16xf32> to vector<1x16xf32>
        tpu.vector_store %arg6[%swap3A_298, %swap3A_299], %swap3A_302 {strides = array<i32>} : memref<128x128xf32, #tpu.memory_space<vmem>>, vector<1x16xf32>,
        %get3A_303 = arith.index_cast %add3A_232 : i32 to index
        %get3A_304 = arith.constant 112 : index
        %get3A_305 = tpu.vector_load %arg6[%get3A_303, %get3A_304] {strides = array<i32>} : memref<128x128xf32, #tpu.memory_space<vmem>>, vector<1x16xf32>,
        %get3A_306 = vector.shape_cast %get3A_305 : vector<1x16xf32> to vector<16xf32>
        %mul3A_307 = arith.mulf %get3A_306, %gather3A_228 : vector<16xf32>
        %swap3A_308 = arith.index_cast %add3A_232 : i32 to index
        %swap3A_309 = arith.constant 112 : index
        %swap3A_310 = tpu.vector_load %arg6[%swap3A_308, %swap3A_309] {strides = array<i32>} : memref<128x128xf32, #tpu.memory_space<vmem>>, vector<1x16xf32>,
        %swap3A_311 = vector.shape_cast %swap3A_310 : vector<1x16xf32> to vector<16xf32>
        %swap3A_312 = vector.shape_cast %mul3A_307 : vector<16xf32> to vector<1x16xf32>
        tpu.vector_store %arg6[%swap3A_308, %swap3A_309], %swap3A_312 {strides = array<i32>} : memref<128x128xf32, #tpu.memory_space<vmem>>, vector<1x16xf32>,
        %broadcast_in_dim3A_313 = arith.constant 2 : i32
        %broadcast_in_dim3A_314 = vector.broadcast %broadcast_in_dim3A_313 : i32 to vector<16x1xi32>
        %gather3A_315 = vector.shape_cast %broadcast_in_dim3A_314 : vector<16x1xi32> to vector<16xi32>
        %gather3A_316 = tpu.dynamic_gather %bitcast_convert_type3A[%gather3A_315] in [0] : vector<16xf32>, vector<16xi32> -> vector<16xf32>
        %mul3A_317 = arith.constant 16 : i32
        %mul3A_318 = arith.muli %scan3A_131, %mul3A_317 : i32
        %add3A_319 = arith.constant 2 : i32
        %add3A_320 = arith.addi %mul3A_318, %add3A_319 : i32
        %get3A_321 = arith.index_cast %add3A_320 : i32 to index
        %get3A_322 = arith.constant 0 : index
        %get3A_323 = tpu.vector_load %arg6[%get3A_321, %get3A_322] {strides = array<i32>} : memref<128x128xf32, #tpu.memory_space<vmem>>, vector<1x16xf32>,
        %get3A_324 = vector.shape_cast %get3A_323 : vector<1x16xf32> to vector<16xf32>
        %mul3A_325 = arith.mulf %get3A_324, %gather3A_316 : vector<16xf32>
        %swap3A_326 = arith.index_cast %add3A_320 : i32 to index
        %swap3A_327 = arith.constant 0 : index
        %swap3A_328 = tpu.vector_load %arg6[%swap3A_326, %swap3A_327] {strides = array<i32>} : memref<128x128xf32, #tpu.memory_space<vmem>>, vector<1x16xf32>,
        %swap3A_329 = vector.shape_cast %swap3A_328 : vector<1x16xf32> to vector<16xf32>
        %swap3A_330 = vector.shape_cast %mul3A_325 : vector<16xf32> to vector<1x16xf32>
        tpu.vector_store %arg6[%swap3A_326, %swap3A_327], %swap3A_330 {strides = array<i32>} : memref<128x128xf32, #tpu.memory_space<vmem>>, vector<1x16xf32>,
        %get3A_331 = arith.index_cast %add3A_320 : i32 to index
        %get3A_332 = arith.constant 16 : index
        %get3A_333 = tpu.vector_load %arg6[%get3A_331, %get3A_332] {strides = array<i32>} : memref<128x128xf32, #tpu.memory_space<vmem>>, vector<1x16xf32>,
        %get3A_334 = vector.shape_cast %get3A_333 : vector<1x16xf32> to vector<16xf32>
        %mul3A_335 = arith.mulf %get3A_334, %gather3A_316 : vector<16xf32>
        %swap3A_336 = arith.index_cast %add3A_320 : i32 to index
        %swap3A_337 = arith.constant 16 : index
        %swap3A_338 = tpu.vector_load %arg6[%swap3A_336, %swap3A_337] {strides = array<i32>} : memref<128x128xf32, #tpu.memory_space<vmem>>, vector<1x16xf32>,
        %swap3A_339 = vector.shape_cast %swap3A_338 : vector<1x16xf32> to vector<16xf32>
        %swap3A_340 = vector.shape_cast %mul3A_335 : vector<16xf32> to vector<1x16xf32>
        tpu.vector_store %arg6[%swap3A_336, %swap3A_337], %swap3A_340 {strides = array<i32>} : memref<128x128xf32, #tpu.memory_space<vmem>>, vector<1x16xf32>,
        %get3A_341 = arith.index_cast %add3A_320 : i32 to index
        %get3A_342 = arith.constant 32 : index
        %get3A_343 = tpu.vector_load %arg6[%get3A_341, %get3A_342] {strides = array<i32>} : memref<128x128xf32, #tpu.memory_space<vmem>>, vector<1x16xf32>,
        %get3A_344 = vector.shape_cast %get3A_343 : vector<1x16xf32> to vector<16xf32>
        %mul3A_345 = arith.mulf %get3A_344, %gather3A_316 : vector<16xf32>
        %swap3A_346 = arith.index_cast %add3A_320 : i32 to index
        %swap3A_347 = arith.constant 32 : index
        %swap3A_348 = tpu.vector_load %arg6[%swap3A_346, %swap3A_347] {strides = array<i32>} : memref<128x128xf32, #tpu.memory_space<vmem>>, vector<1x16xf32>,
        %swap3A_349 = vector.shape_cast %swap3A_348 : vector<1x16xf32> to vector<16xf32>
        %swap3A_350 = vector.shape_cast %mul3A_345 : vector<16xf32> to vector<1x16xf32>
        tpu.vector_store %arg6[%swap3A_346, %swap3A_347], %swap3A_350 {strides = array<i32>} : memref<128x128xf32, #tpu.memory_space<vmem>>, vector<1x16xf32>,
        %get3A_351 = arith.index_cast %add3A_320 : i32 to index
        %get3A_352 = arith.constant 48 : index
        %get3A_353 = tpu.vector_load %arg6[%get3A_351, %get3A_352] {strides = array<i32>} : memref<128x128xf32, #tpu.memory_space<vmem>>, vector<1x16xf32>,
        %get3A_354 = vector.shape_cast %get3A_353 : vector<1x16xf32> to vector<16xf32>
        %mul3A_355 = arith.mulf %get3A_354, %gather3A_316 : vector<16xf32>
        %swap3A_356 = arith.index_cast %add3A_320 : i32 to index
        %swap3A_357 = arith.constant 48 : index
        %swap3A_358 = tpu.vector_load %arg6[%swap3A_356, %swap3A_357] {strides = array<i32>} : memref<128x128xf32, #tpu.memory_space<vmem>>, vector<1x16xf32>,
        %swap3A_359 = vector.shape_cast %swap3A_358 : vector<1x16xf32> to vector<16xf32>
        %swap3A_360 = vector.shape_cast %mul3A_355 : vector<16xf32> to vector<1x16xf32>
        tpu.vector_store %arg6[%swap3A_356, %swap3A_357], %swap3A_360 {strides = array<i32>} : memref<128x128xf32, #tpu.memory_space<vmem>>, vector<1x16xf32>,
        %get3A_361 = arith.index_cast %add3A_320 : i32 to index
        %get3A_362 = arith.constant 64 : index
        %get3A_363 = tpu.vector_load %arg6[%get3A_361, %get3A_362] {strides = array<i32>} : memref<128x128xf32, #tpu.memory_space<vmem>>, vector<1x16xf32>,
        %get3A_364 = vector.shape_cast %get3A_363 : vector<1x16xf32> to vector<16xf32>
        %mul3A_365 = arith.mulf %get3A_364, %gather3A_316 : vector<16xf32>
        %swap3A_366 = arith.index_cast %add3A_320 : i32 to index
        %swap3A_367 = arith.constant 64 : index
        %swap3A_368 = tpu.vector_load %arg6[%swap3A_366, %swap3A_367] {strides = array<i32>} : memref<128x128xf32, #tpu.memory_space<vmem>>, vector<1x16xf32>,
        %swap3A_369 = vector.shape_cast %swap3A_368 : vector<1x16xf32> to vector<16xf32>
        %swap3A_370 = vector.shape_cast %mul3A_365 : vector<16xf32> to vector<1x16xf32>
        tpu.vector_store %arg6[%swap3A_366, %swap3A_367], %swap3A_370 {strides = array<i32>} : memref<128x128xf32, #tpu.memory_space<vmem>>, vector<1x16xf32>,
        %get3A_371 = arith.index_cast %add3A_320 : i32 to index
        %get3A_372 = arith.constant 80 : index
        %get3A_373 = tpu.vector_load %arg6[%get3A_371, %get3A_372] {strides = array<i32>} : memref<128x128xf32, #tpu.memory_space<vmem>>, vector<1x16xf32>,
        %get3A_374 = vector.shape_cast %get3A_373 : vector<1x16xf32> to vector<16xf32>
        %mul3A_375 = arith.mulf %get3A_374, %gather3A_316 : vector<16xf32>
        %swap3A_376 = arith.index_cast %add3A_320 : i32 to index
        %swap3A_377 = arith.constant 80 : index
        %swap3A_378 = tpu.vector_load %arg6[%swap3A_376, %swap3A_377] {strides = array<i32>} : memref<128x128xf32, #tpu.memory_space<vmem>>, vector<1x16xf32>,
        %swap3A_379 = vector.shape_cast %swap3A_378 : vector<1x16xf32> to vector<16xf32>
        %swap3A_380 = vector.shape_cast %mul3A_375 : vector<16xf32> to vector<1x16xf32>
        tpu.vector_store %arg6[%swap3A_376, %swap3A_377], %swap3A_380 {strides = array<i32>} : memref<128x128xf32, #tpu.memory_space<vmem>>, vector<1x16xf32>,
        %get3A_381 = arith.index_cast %add3A_320 : i32 to index
        %get3A_382 = arith.constant 96 : index
        %get3A_383 = tpu.vector_load %arg6[%get3A_381, %get3A_382] {strides = array<i32>} : memref<128x128xf32, #tpu.memory_space<vmem>>, vector<1x16xf32>,
        %get3A_384 = vector.shape_cast %get3A_383 : vector<1x16xf32> to vector<16xf32>
        %mul3A_385 = arith.mulf %get3A_384, %gather3A_316 : vector<16xf32>
        %swap3A_386 = arith.index_cast %add3A_320 : i32 to index
        %swap3A_387 = arith.constant 96 : index
        %swap3A_388 = tpu.vector_load %arg6[%swap3A_386, %swap3A_387] {strides = array<i32>} : memref<128x128xf32, #tpu.memory_space<vmem>>, vector<1x16xf32>,
        %swap3A_389 = vector.shape_cast %swap3A_388 : vector<1x16xf32> to vector<16xf32>
        %swap3A_390 = vector.shape_cast %mul3A_385 : vector<16xf32> to vector<1x16xf32>
        tpu.vector_store %arg6[%swap3A_386, %swap3A_387], %swap3A_390 {strides = array<i32>} : memref<128x128xf32, #tpu.memory_space<vmem>>, vector<1x16xf32>,
        %get3A_391 = arith.index_cast %add3A_320 : i32 to index
        %get3A_392 = arith.constant 112 : index
        %get3A_393 = tpu.vector_load %arg6[%get3A_391, %get3A_392] {strides = array<i32>} : memref<128x128xf32, #tpu.memory_space<vmem>>, vector<1x16xf32>,
        %get3A_394 = vector.shape_cast %get3A_393 : vector<1x16xf32> to vector<16xf32>
        %mul3A_395 = arith.mulf %get3A_394, %gather3A_316 : vector<16xf32>
        %swap3A_396 = arith.index_cast %add3A_320 : i32 to index
        %swap3A_397 = arith.constant 112 : index
        %swap3A_398 = tpu.vector_load %arg6[%swap3A_396, %swap3A_397] {strides = array<i32>} : memref<128x128xf32, #tpu.memory_space<vmem>>, vector<1x16xf32>,
        %swap3A_399 = vector.shape_cast %swap3A_398 : vector<1x16xf32> to vector<16xf32>
        %swap3A_400 = vector.shape_cast %mul3A_395 : vector<16xf32> to vector<1x16xf32>
        tpu.vector_store %arg6[%swap3A_396, %swap3A_397], %swap3A_400 {strides = array<i32>} : memref<128x128xf32, #tpu.memory_space<vmem>>, vector<1x16xf32>,
        %broadcast_in_dim3A_401 = arith.constant 3 : i32
        %broadcast_in_dim3A_402 = vector.broadcast %broadcast_in_dim3A_401 : i32 to vector<16x1xi32>
        %gather3A_403 = vector.shape_cast %broadcast_in_dim3A_402 : vector<16x1xi32> to vector<16xi32>
        %gather3A_404 = tpu.dynamic_gather %bitcast_convert_type3A[%gather3A_403] in [0] : vector<16xf32>, vector<16xi32> -> vector<16xf32>
        %mul3A_405 = arith.constant 16 : i32
        %mul3A_406 = arith.muli %scan3A_131, %mul3A_405 : i32
        %add3A_407 = arith.constant 3 : i32
        %add3A_408 = arith.addi %mul3A_406, %add3A_407 : i32
        %get3A_409 = arith.index_cast %add3A_408 : i32 to index
        %get3A_410 = arith.constant 0 : index
        %get3A_411 = tpu.vector_load %arg6[%get3A_409, %get3A_410] {strides = array<i32>} : memref<128x128xf32, #tpu.memory_space<vmem>>, vector<1x16xf32>,
        %get3A_412 = vector.shape_cast %get3A_411 : vector<1x16xf32> to vector<16xf32>
        %mul3A_413 = arith.mulf %get3A_412, %gather3A_404 : vector<16xf32>
        %swap3A_414 = arith.index_cast %add3A_408 : i32 to index
        %swap3A_415 = arith.constant 0 : index
        %swap3A_416 = tpu.vector_load %arg6[%swap3A_414, %swap3A_415] {strides = array<i32>} : memref<128x128xf32, #tpu.memory_space<vmem>>, vector<1x16xf32>,
        %swap3A_417 = vector.shape_cast %swap3A_416 : vector<1x16xf32> to vector<16xf32>
        %swap3A_418 = vector.shape_cast %mul3A_413 : vector<16xf32> to vector<1x16xf32>
        tpu.vector_store %arg6[%swap3A_414, %swap3A_415], %swap3A_418 {strides = array<i32>} : memref<128x128xf32, #tpu.memory_space<vmem>>, vector<1x16xf32>,
        %get3A_419 = arith.index_cast %add3A_408 : i32 to index
        %get3A_420 = arith.constant 16 : index
        %get3A_421 = tpu.vector_load %arg6[%get3A_419, %get3A_420] {strides = array<i32>} : memref<128x128xf32, #tpu.memory_space<vmem>>, vector<1x16xf32>,
        %get3A_422 = vector.shape_cast %get3A_421 : vector<1x16xf32> to vector<16xf32>
        %mul3A_423 = arith.mulf %get3A_422, %gather3A_404 : vector<16xf32>
        %swap3A_424 = arith.index_cast %add3A_408 : i32 to index
        %swap3A_425 = arith.constant 16 : index
        %swap3A_426 = tpu.vector_load %arg6[%swap3A_424, %swap3A_425] {strides = array<i32>} : memref<128x128xf32, #tpu.memory_space<vmem>>, vector<1x16xf32>,
        %swap3A_427 = vector.shape_cast %swap3A_426 : vector<1x16xf32> to vector<16xf32>
        %swap3A_428 = vector.shape_cast %mul3A_423 : vector<16xf32> to vector<1x16xf32>
        tpu.vector_store %arg6[%swap3A_424, %swap3A_425], %swap3A_428 {strides = array<i32>} : memref<128x128xf32, #tpu.memory_space<vmem>>, vector<1x16xf32>,
        %get3A_429 = arith.index_cast %add3A_408 : i32 to index
        %get3A_430 = arith.constant 32 : index
        %get3A_431 = tpu.vector_load %arg6[%get3A_429, %get3A_430] {strides = array<i32>} : memref<128x128xf32, #tpu.memory_space<vmem>>, vector<1x16xf32>,
        %get3A_432 = vector.shape_cast %get3A_431 : vector<1x16xf32> to vector<16xf32>
        %mul3A_433 = arith.mulf %get3A_432, %gather3A_404 : vector<16xf32>
        %swap3A_434 = arith.index_cast %add3A_408 : i32 to index
        %swap3A_435 = arith.constant 32 : index
        %swap3A_436 = tpu.vector_load %arg6[%swap3A_434, %swap3A_435] {strides = array<i32>} : memref<128x128xf32, #tpu.memory_space<vmem>>, vector<1x16xf32>,
        %swap3A_437 = vector.shape_cast %swap3A_436 : vector<1x16xf32> to vector<16xf32>
        %swap3A_438 = vector.shape_cast %mul3A_433 : vector<16xf32> to vector<1x16xf32>
        tpu.vector_store %arg6[%swap3A_434, %swap3A_435], %swap3A_438 {strides = array<i32>} : memref<128x128xf32, #tpu.memory_space<vmem>>, vector<1x16xf32>,
        %get3A_439 = arith.index_cast %add3A_408 : i32 to index
        %get3A_440 = arith.constant 48 : index
        %get3A_441 = tpu.vector_load %arg6[%get3A_439, %get3A_440] {strides = array<i32>} : memref<128x128xf32, #tpu.memory_space<vmem>>, vector<1x16xf32>,
        %get3A_442 = vector.shape_cast %get3A_441 : vector<1x16xf32> to vector<16xf32>
        %mul3A_443 = arith.mulf %get3A_442, %gather3A_404 : vector<16xf32>
        %swap3A_444 = arith.index_cast %add3A_408 : i32 to index
        %swap3A_445 = arith.constant 48 : index
        %swap3A_446 = tpu.vector_load %arg6[%swap3A_444, %swap3A_445] {strides = array<i32>} : memref<128x128xf32, #tpu.memory_space<vmem>>, vector<1x16xf32>,
        %swap3A_447 = vector.shape_cast %swap3A_446 : vector<1x16xf32> to vector<16xf32>
        %swap3A_448 = vector.shape_cast %mul3A_443 : vector<16xf32> to vector<1x16xf32>
        tpu.vector_store %arg6[%swap3A_444, %swap3A_445], %swap3A_448 {strides = array<i32>} : memref<128x128xf32, #tpu.memory_space<vmem>>, vector<1x16xf32>,
        %get3A_449 = arith.index_cast %add3A_408 : i32 to index
        %get3A_450 = arith.constant 64 : index
        %get3A_451 = tpu.vector_load %arg6[%get3A_449, %get3A_450] {strides = array<i32>} : memref<128x128xf32, #tpu.memory_space<vmem>>, vector<1x16xf32>,
        %get3A_452 = vector.shape_cast %get3A_451 : vector<1x16xf32> to vector<16xf32>
        %mul3A_453 = arith.mulf %get3A_452, %gather3A_404 : vector<16xf32>
        %swap3A_454 = arith.index_cast %add3A_408 : i32 to index
        %swap3A_455 = arith.constant 64 : index
        %swap3A_456 = tpu.vector_load %arg6[%swap3A_454, %swap3A_455] {strides = array<i32>} : memref<128x128xf32, #tpu.memory_space<vmem>>, vector<1x16xf32>,
        %swap3A_457 = vector.shape_cast %swap3A_456 : vector<1x16xf32> to vector<16xf32>
        %swap3A_458 = vector.shape_cast %mul3A_453 : vector<16xf32> to vector<1x16xf32>
        tpu.vector_store %arg6[%swap3A_454, %swap3A_455], %swap3A_458 {strides = array<i32>} : memref<128x128xf32, #tpu.memory_space<vmem>>, vector<1x16xf32>,
        %get3A_459 = arith.index_cast %add3A_408 : i32 to index
        %get3A_460 = arith.constant 80 : index
        %get3A_461 = tpu.vector_load %arg6[%get3A_459, %get3A_460] {strides = array<i32>} : memref<128x128xf32, #tpu.memory_space<vmem>>, vector<1x16xf32>,
        %get3A_462 = vector.shape_cast %get3A_461 : vector<1x16xf32> to vector<16xf32>
        %mul3A_463 = arith.mulf %get3A_462, %gather3A_404 : vector<16xf32>
        %swap3A_464 = arith.index_cast %add3A_408 : i32 to index
        %swap3A_465 = arith.constant 80 : index
        %swap3A_466 = tpu.vector_load %arg6[%swap3A_464, %swap3A_465] {strides = array<i32>} : memref<128x128xf32, #tpu.memory_space<vmem>>, vector<1x16xf32>,
        %swap3A_467 = vector.shape_cast %swap3A_466 : vector<1x16xf32> to vector<16xf32>
        %swap3A_468 = vector.shape_cast %mul3A_463 : vector<16xf32> to vector<1x16xf32>
        tpu.vector_store %arg6[%swap3A_464, %swap3A_465], %swap3A_468 {strides = array<i32>} : memref<128x128xf32, #tpu.memory_space<vmem>>, vector<1x16xf32>,
        %get3A_469 = arith.index_cast %add3A_408 : i32 to index
        %get3A_470 = arith.constant 96 : index
        %get3A_471 = tpu.vector_load %arg6[%get3A_469, %get3A_470] {strides = array<i32>} : memref<128x128xf32, #tpu.memory_space<vmem>>, vector<1x16xf32>,
        %get3A_472 = vector.shape_cast %get3A_471 : vector<1x16xf32> to vector<16xf32>
        %mul3A_473 = arith.mulf %get3A_472, %gather3A_404 : vector<16xf32>
        %swap3A_474 = arith.index_cast %add3A_408 : i32 to index
        %swap3A_475 = arith.constant 96 : index
        %swap3A_476 = tpu.vector_load %arg6[%swap3A_474, %swap3A_475] {strides = array<i32>} : memref<128x128xf32, #tpu.memory_space<vmem>>, vector<1x16xf32>,
        %swap3A_477 = vector.shape_cast %swap3A_476 : vector<1x16xf32> to vector<16xf32>
        %swap3A_478 = vector.shape_cast %mul3A_473 : vector<16xf32> to vector<1x16xf32>
        tpu.vector_store %arg6[%swap3A_474, %swap3A_475], %swap3A_478 {strides = array<i32>} : memref<128x128xf32, #tpu.memory_space<vmem>>, vector<1x16xf32>,
        %get3A_479 = arith.index_cast %add3A_408 : i32 to index
        %get3A_480 = arith.constant 112 : index
        %get3A_481 = tpu.vector_load %arg6[%get3A_479, %get3A_480] {strides = array<i32>} : memref<128x128xf32, #tpu.memory_space<vmem>>, vector<1x16xf32>,
        %get3A_482 = vector.shape_cast %get3A_481 : vector<1x16xf32> to vector<16xf32>
        %mul3A_483 = arith.mulf %get3A_482, %gather3A_404 : vector<16xf32>
        %swap3A_484 = arith.index_cast %add3A_408 : i32 to index
        %swap3A_485 = arith.constant 112 : index
        %swap3A_486 = tpu.vector_load %arg6[%swap3A_484, %swap3A_485] {strides = array<i32>} : memref<128x128xf32, #tpu.memory_space<vmem>>, vector<1x16xf32>,
        %swap3A_487 = vector.shape_cast %swap3A_486 : vector<1x16xf32> to vector<16xf32>
        %swap3A_488 = vector.shape_cast %mul3A_483 : vector<16xf32> to vector<1x16xf32>
        tpu.vector_store %arg6[%swap3A_484, %swap3A_485], %swap3A_488 {strides = array<i32>} : memref<128x128xf32, #tpu.memory_space<vmem>>, vector<1x16xf32>,
        %broadcast_in_dim3A_489 = arith.constant 4 : i32
        %broadcast_in_dim3A_490 = vector.broadcast %broadcast_in_dim3A_489 : i32 to vector<16x1xi32>
        %gather3A_491 = vector.shape_cast %broadcast_in_dim3A_490 : vector<16x1xi32> to vector<16xi32>
        %gather3A_492 = tpu.dynamic_gather %bitcast_convert_type3A[%gather3A_491] in [0] : vector<16xf32>, vector<16xi32> -> vector<16xf32>
        %mul3A_493 = arith.constant 16 : i32
        %mul3A_494 = arith.muli %scan3A_131, %mul3A_493 : i32
        %add3A_495 = arith.constant 4 : i32
        %add3A_496 = arith.addi %mul3A_494, %add3A_495 : i32
        %get3A_497 = arith.index_cast %add3A_496 : i32 to index
        %get3A_498 = arith.constant 0 : index
        %get3A_499 = tpu.vector_load %arg6[%get3A_497, %get3A_498] {strides = array<i32>} : memref<128x128xf32, #tpu.memory_space<vmem>>, vector<1x16xf32>,
        %get3A_500 = vector.shape_cast %get3A_499 : vector<1x16xf32> to vector<16xf32>
        %mul3A_501 = arith.mulf %get3A_500, %gather3A_492 : vector<16xf32>
        %swap3A_502 = arith.index_cast %add3A_496 : i32 to index
        %swap3A_503 = arith.constant 0 : index
        %swap3A_504 = tpu.vector_load %arg6[%swap3A_502, %swap3A_503] {strides = array<i32>} : memref<128x128xf32, #tpu.memory_space<vmem>>, vector<1x16xf32>,
        %swap3A_505 = vector.shape_cast %swap3A_504 : vector<1x16xf32> to vector<16xf32>
        %swap3A_506 = vector.shape_cast %mul3A_501 : vector<16xf32> to vector<1x16xf32>
        tpu.vector_store %arg6[%swap3A_502, %swap3A_503], %swap3A_506 {strides = array<i32>} : memref<128x128xf32, #tpu.memory_space<vmem>>, vector<1x16xf32>,
        %get3A_507 = arith.index_cast %add3A_496 : i32 to index
        %get3A_508 = arith.constant 16 : index
        %get3A_509 = tpu.vector_load %arg6[%get3A_507, %get3A_508] {strides = array<i32>} : memref<128x128xf32, #tpu.memory_space<vmem>>, vector<1x16xf32>,
        %get3A_510 = vector.shape_cast %get3A_509 : vector<1x16xf32> to vector<16xf32>
        %mul3A_511 = arith.mulf %get3A_510, %gather3A_492 : vector<16xf32>
        %swap3A_512 = arith.index_cast %add3A_496 : i32 to index
        %swap3A_513 = arith.constant 16 : index
        %swap3A_514 = tpu.vector_load %arg6[%swap3A_512, %swap3A_513] {strides = array<i32>} : memref<128x128xf32, #tpu.memory_space<vmem>>, vector<1x16xf32>,
        %swap3A_515 = vector.shape_cast %swap3A_514 : vector<1x16xf32> to vector<16xf32>
        %swap3A_516 = vector.shape_cast %mul3A_511 : vector<16xf32> to vector<1x16xf32>
        tpu.vector_store %arg6[%swap3A_512, %swap3A_513], %swap3A_516 {strides = array<i32>} : memref<128x128xf32, #tpu.memory_space<vmem>>, vector<1x16xf32>,
        %get3A_517 = arith.index_cast %add3A_496 : i32 to index
        %get3A_518 = arith.constant 32 : index
        %get3A_519 = tpu.vector_load %arg6[%get3A_517, %get3A_518] {strides = array<i32>} : memref<128x128xf32, #tpu.memory_space<vmem>>, vector<1x16xf32>,
        %get3A_520 = vector.shape_cast %get3A_519 : vector<1x16xf32> to vector<16xf32>
        %mul3A_521 = arith.mulf %get3A_520, %gather3A_492 : vector<16xf32>
        %swap3A_522 = arith.index_cast %add3A_496 : i32 to index
        %swap3A_523 = arith.constant 32 : index
        %swap3A_524 = tpu.vector_load %arg6[%swap3A_522, %swap3A_523] {strides = array<i32>} : memref<128x128xf32, #tpu.memory_space<vmem>>, vector<1x16xf32>,
        %swap3A_525 = vector.shape_cast %swap3A_524 : vector<1x16xf32> to vector<16xf32>
        %swap3A_526 = vector.shape_cast %mul3A_521 : vector<16xf32> to vector<1x16xf32>
        tpu.vector_store %arg6[%swap3A_522, %swap3A_523], %swap3A_526 {strides = array<i32>} : memref<128x128xf32, #tpu.memory_space<vmem>>, vector<1x16xf32>,
        %get3A_527 = arith.index_cast %add3A_496 : i32 to index
        %get3A_528 = arith.constant 48 : index
        %get3A_529 = tpu.vector_load %arg6[%get3A_527, %get3A_528] {strides = array<i32>} : memref<128x128xf32, #tpu.memory_space<vmem>>, vector<1x16xf32>,
        %get3A_530 = vector.shape_cast %get3A_529 : vector<1x16xf32> to vector<16xf32>
        %mul3A_531 = arith.mulf %get3A_530, %gather3A_492 : vector<16xf32>
        %swap3A_532 = arith.index_cast %add3A_496 : i32 to index
        %swap3A_533 = arith.constant 48 : index
        %swap3A_534 = tpu.vector_load %arg6[%swap3A_532, %swap3A_533] {strides = array<i32>} : memref<128x128xf32, #tpu.memory_space<vmem>>, vector<1x16xf32>,
        %swap3A_535 = vector.shape_cast %swap3A_534 : vector<1x16xf32> to vector<16xf32>
        %swap3A_536 = vector.shape_cast %mul3A_531 : vector<16xf32> to vector<1x16xf32>
        tpu.vector_store %arg6[%swap3A_532, %swap3A_533], %swap3A_536 {strides = array<i32>} : memref<128x128xf32, #tpu.memory_space<vmem>>, vector<1x16xf32>,
        %get3A_537 = arith.index_cast %add3A_496 : i32 to index
        %get3A_538 = arith.constant 64 : index
        %get3A_539 = tpu.vector_load %arg6[%get3A_537, %get3A_538] {strides = array<i32>} : memref<128x128xf32, #tpu.memory_space<vmem>>, vector<1x16xf32>,
        %get3A_540 = vector.shape_cast %get3A_539 : vector<1x16xf32> to vector<16xf32>
        %mul3A_541 = arith.mulf %get3A_540, %gather3A_492 : vector<16xf32>
        %swap3A_542 = arith.index_cast %add3A_496 : i32 to index
        %swap3A_543 = arith.constant 64 : index
        %swap3A_544 = tpu.vector_load %arg6[%swap3A_542, %swap3A_543] {strides = array<i32>} : memref<128x128xf32, #tpu.memory_space<vmem>>, vector<1x16xf32>,
        %swap3A_545 = vector.shape_cast %swap3A_544 : vector<1x16xf32> to vector<16xf32>
        %swap3A_546 = vector.shape_cast %mul3A_541 : vector<16xf32> to vector<1x16xf32>
        tpu.vector_store %arg6[%swap3A_542, %swap3A_543], %swap3A_546 {strides = array<i32>} : memref<128x128xf32, #tpu.memory_space<vmem>>, vector<1x16xf32>,
        %get3A_547 = arith.index_cast %add3A_496 : i32 to index
        %get3A_548 = arith.constant 80 : index
        %get3A_549 = tpu.vector_load %arg6[%get3A_547, %get3A_548] {strides = array<i32>} : memref<128x128xf32, #tpu.memory_space<vmem>>, vector<1x16xf32>,
        %get3A_550 = vector.shape_cast %get3A_549 : vector<1x16xf32> to vector<16xf32>
        %mul3A_551 = arith.mulf %get3A_550, %gather3A_492 : vector<16xf32>
        %swap3A_552 = arith.index_cast %add3A_496 : i32 to index
        %swap3A_553 = arith.constant 80 : index
        %swap3A_554 = tpu.vector_load %arg6[%swap3A_552, %swap3A_553] {strides = array<i32>} : memref<128x128xf32, #tpu.memory_space<vmem>>, vector<1x16xf32>,
        %swap3A_555 = vector.shape_cast %swap3A_554 : vector<1x16xf32> to vector<16xf32>
        %swap3A_556 = vector.shape_cast %mul3A_551 : vector<16xf32> to vector<1x16xf32>
        tpu.vector_store %arg6[%swap3A_552, %swap3A_553], %swap3A_556 {strides = array<i32>} : memref<128x128xf32, #tpu.memory_space<vmem>>, vector<1x16xf32>,
        %get3A_557 = arith.index_cast %add3A_496 : i32 to index
        %get3A_558 = arith.constant 96 : index
        %get3A_559 = tpu.vector_load %arg6[%get3A_557, %get3A_558] {strides = array<i32>} : memref<128x128xf32, #tpu.memory_space<vmem>>, vector<1x16xf32>,
        %get3A_560 = vector.shape_cast %get3A_559 : vector<1x16xf32> to vector<16xf32>
        %mul3A_561 = arith.mulf %get3A_560, %gather3A_492 : vector<16xf32>
        %swap3A_562 = arith.index_cast %add3A_496 : i32 to index
        %swap3A_563 = arith.constant 96 : index
        %swap3A_564 = tpu.vector_load %arg6[%swap3A_562, %swap3A_563] {strides = array<i32>} : memref<128x128xf32, #tpu.memory_space<vmem>>, vector<1x16xf32>,
        %swap3A_565 = vector.shape_cast %swap3A_564 : vector<1x16xf32> to vector<16xf32>
        %swap3A_566 = vector.shape_cast %mul3A_561 : vector<16xf32> to vector<1x16xf32>
        tpu.vector_store %arg6[%swap3A_562, %swap3A_563], %swap3A_566 {strides = array<i32>} : memref<128x128xf32, #tpu.memory_space<vmem>>, vector<1x16xf32>,
        %get3A_567 = arith.index_cast %add3A_496 : i32 to index
        %get3A_568 = arith.constant 112 : index
        %get3A_569 = tpu.vector_load %arg6[%get3A_567, %get3A_568] {strides = array<i32>} : memref<128x128xf32, #tpu.memory_space<vmem>>, vector<1x16xf32>,
        %get3A_570 = vector.shape_cast %get3A_569 : vector<1x16xf32> to vector<16xf32>
        %mul3A_571 = arith.mulf %get3A_570, %gather3A_492 : vector<16xf32>
        %swap3A_572 = arith.index_cast %add3A_496 : i32 to index
        %swap3A_573 = arith.constant 112 : index
        %swap3A_574 = tpu.vector_load %arg6[%swap3A_572, %swap3A_573] {strides = array<i32>} : memref<128x128xf32, #tpu.memory_space<vmem>>, vector<1x16xf32>,
        %swap3A_575 = vector.shape_cast %swap3A_574 : vector<1x16xf32> to vector<16xf32>
        %swap3A_576 = vector.shape_cast %mul3A_571 : vector<16xf32> to vector<1x16xf32>
        tpu.vector_store %arg6[%swap3A_572, %swap3A_573], %swap3A_576 {strides = array<i32>} : memref<128x128xf32, #tpu.memory_space<vmem>>, vector<1x16xf32>,
        %broadcast_in_dim3A_577 = arith.constant 5 : i32
        %broadcast_in_dim3A_578 = vector.broadcast %broadcast_in_dim3A_577 : i32 to vector<16x1xi32>
        %gather3A_579 = vector.shape_cast %broadcast_in_dim3A_578 : vector<16x1xi32> to vector<16xi32>
        %gather3A_580 = tpu.dynamic_gather %bitcast_convert_type3A[%gather3A_579] in [0] : vector<16xf32>, vector<16xi32> -> vector<16xf32>
        %mul3A_581 = arith.constant 16 : i32
        %mul3A_582 = arith.muli %scan3A_131, %mul3A_581 : i32
        %add3A_583 = arith.constant 5 : i32
        %add3A_584 = arith.addi %mul3A_582, %add3A_583 : i32
        %get3A_585 = arith.index_cast %add3A_584 : i32 to index
        %get3A_586 = arith.constant 0 : index
        %get3A_587 = tpu.vector_load %arg6[%get3A_585, %get3A_586] {strides = array<i32>} : memref<128x128xf32, #tpu.memory_space<vmem>>, vector<1x16xf32>,
        %get3A_588 = vector.shape_cast %get3A_587 : vector<1x16xf32> to vector<16xf32>
        %mul3A_589 = arith.mulf %get3A_588, %gather3A_580 : vector<16xf32>
        %swap3A_590 = arith.index_cast %add3A_584 : i32 to index
        %swap3A_591 = arith.constant 0 : index
        %swap3A_592 = tpu.vector_load %arg6[%swap3A_590, %swap3A_591] {strides = array<i32>} : memref<128x128xf32, #tpu.memory_space<vmem>>, vector<1x16xf32>,
        %swap3A_593 = vector.shape_cast %swap3A_592 : vector<1x16xf32> to vector<16xf32>
        %swap3A_594 = vector.shape_cast %mul3A_589 : vector<16xf32> to vector<1x16xf32>
        tpu.vector_store %arg6[%swap3A_590, %swap3A_591], %swap3A_594 {strides = array<i32>} : memref<128x128xf32, #tpu.memory_space<vmem>>, vector<1x16xf32>,
        %get3A_595 = arith.index_cast %add3A_584 : i32 to index
        %get3A_596 = arith.constant 16 : index
        %get3A_597 = tpu.vector_load %arg6[%get3A_595, %get3A_596] {strides = array<i32>} : memref<128x128xf32, #tpu.memory_space<vmem>>, vector<1x16xf32>,
        %get3A_598 = vector.shape_cast %get3A_597 : vector<1x16xf32> to vector<16xf32>
        %mul3A_599 = arith.mulf %get3A_598, %gather3A_580 : vector<16xf32>
        %swap3A_600 = arith.index_cast %add3A_584 : i32 to index
        %swap3A_601 = arith.constant 16 : index
        %swap3A_602 = tpu.vector_load %arg6[%swap3A_600, %swap3A_601] {strides = array<i32>} : memref<128x128xf32, #tpu.memory_space<vmem>>, vector<1x16xf32>,
        %swap3A_603 = vector.shape_cast %swap3A_602 : vector<1x16xf32> to vector<16xf32>
        %swap3A_604 = vector.shape_cast %mul3A_599 : vector<16xf32> to vector<1x16xf32>
        tpu.vector_store %arg6[%swap3A_600, %swap3A_601], %swap3A_604 {strides = array<i32>} : memref<128x128xf32, #tpu.memory_space<vmem>>, vector<1x16xf32>,
        %get3A_605 = arith.index_cast %add3A_584 : i32 to index
        %get3A_606 = arith.constant 32 : index
        %get3A_607 = tpu.vector_load %arg6[%get3A_605, %get3A_606] {strides = array<i32>} : memref<128x128xf32, #tpu.memory_space<vmem>>, vector<1x16xf32>,
        %get3A_608 = vector.shape_cast %get3A_607 : vector<1x16xf32> to vector<16xf32>
        %mul3A_609 = arith.mulf %get3A_608, %gather3A_580 : vector<16xf32>
        %swap3A_610 = arith.index_cast %add3A_584 : i32 to index
        %swap3A_611 = arith.constant 32 : index
        %swap3A_612 = tpu.vector_load %arg6[%swap3A_610, %swap3A_611] {strides = array<i32>} : memref<128x128xf32, #tpu.memory_space<vmem>>, vector<1x16xf32>,
        %swap3A_613 = vector.shape_cast %swap3A_612 : vector<1x16xf32> to vector<16xf32>
        %swap3A_614 = vector.shape_cast %mul3A_609 : vector<16xf32> to vector<1x16xf32>
        tpu.vector_store %arg6[%swap3A_610, %swap3A_611], %swap3A_614 {strides = array<i32>} : memref<128x128xf32, #tpu.memory_space<vmem>>, vector<1x16xf32>,
        %get3A_615 = arith.index_cast %add3A_584 : i32 to index
        %get3A_616 = arith.constant 48 : index
        %get3A_617 = tpu.vector_load %arg6[%get3A_615, %get3A_616] {strides = array<i32>} : memref<128x128xf32, #tpu.memory_space<vmem>>, vector<1x16xf32>,
        %get3A_618 = vector.shape_cast %get3A_617 : vector<1x16xf32> to vector<16xf32>
        %mul3A_619 = arith.mulf %get3A_618, %gather3A_580 : vector<16xf32>
        %swap3A_620 = arith.index_cast %add3A_584 : i32 to index
        %swap3A_621 = arith.constant 48 : index
        %swap3A_622 = tpu.vector_load %arg6[%swap3A_620, %swap3A_621] {strides = array<i32>} : memref<128x128xf32, #tpu.memory_space<vmem>>, vector<1x16xf32>,
        %swap3A_623 = vector.shape_cast %swap3A_622 : vector<1x16xf32> to vector<16xf32>
        %swap3A_624 = vector.shape_cast %mul3A_619 : vector<16xf32> to vector<1x16xf32>
        tpu.vector_store %arg6[%swap3A_620, %swap3A_621], %swap3A_624 {strides = array<i32>} : memref<128x128xf32, #tpu.memory_space<vmem>>, vector<1x16xf32>,
        %get3A_625 = arith.index_cast %add3A_584 : i32 to index
        %get3A_626 = arith.constant 64 : index
        %get3A_627 = tpu.vector_load %arg6[%get3A_625, %get3A_626] {strides = array<i32>} : memref<128x128xf32, #tpu.memory_space<vmem>>, vector<1x16xf32>,
        %get3A_628 = vector.shape_cast %get3A_627 : vector<1x16xf32> to vector<16xf32>
        %mul3A_629 = arith.mulf %get3A_628, %gather3A_580 : vector<16xf32>
        %swap3A_630 = arith.index_cast %add3A_584 : i32 to index
        %swap3A_631 = arith.constant 64 : index
        %swap3A_632 = tpu.vector_load %arg6[%swap3A_630, %swap3A_631] {strides = array<i32>} : memref<128x128xf32, #tpu.memory_space<vmem>>, vector<1x16xf32>,
        %swap3A_633 = vector.shape_cast %swap3A_632 : vector<1x16xf32> to vector<16xf32>
        %swap3A_634 = vector.shape_cast %mul3A_629 : vector<16xf32> to vector<1x16xf32>
        tpu.vector_store %arg6[%swap3A_630, %swap3A_631], %swap3A_634 {strides = array<i32>} : memref<128x128xf32, #tpu.memory_space<vmem>>, vector<1x16xf32>,
        %get3A_635 = arith.index_cast %add3A_584 : i32 to index
        %get3A_636 = arith.constant 80 : index
        %get3A_637 = tpu.vector_load %arg6[%get3A_635, %get3A_636] {strides = array<i32>} : memref<128x128xf32, #tpu.memory_space<vmem>>, vector<1x16xf32>,
        %get3A_638 = vector.shape_cast %get3A_637 : vector<1x16xf32> to vector<16xf32>
        %mul3A_639 = arith.mulf %get3A_638, %gather3A_580 : vector<16xf32>
        %swap3A_640 = arith.index_cast %add3A_584 : i32 to index
        %swap3A_641 = arith.constant 80 : index
        %swap3A_642 = tpu.vector_load %arg6[%swap3A_640, %swap3A_641] {strides = array<i32>} : memref<128x128xf32, #tpu.memory_space<vmem>>, vector<1x16xf32>,
        %swap3A_643 = vector.shape_cast %swap3A_642 : vector<1x16xf32> to vector<16xf32>
        %swap3A_644 = vector.shape_cast %mul3A_639 : vector<16xf32> to vector<1x16xf32>
        tpu.vector_store %arg6[%swap3A_640, %swap3A_641], %swap3A_644 {strides = array<i32>} : memref<128x128xf32, #tpu.memory_space<vmem>>, vector<1x16xf32>,
        %get3A_645 = arith.index_cast %add3A_584 : i32 to index
        %get3A_646 = arith.constant 96 : index
        %get3A_647 = tpu.vector_load %arg6[%get3A_645, %get3A_646] {strides = array<i32>} : memref<128x128xf32, #tpu.memory_space<vmem>>, vector<1x16xf32>,
        %get3A_648 = vector.shape_cast %get3A_647 : vector<1x16xf32> to vector<16xf32>
        %mul3A_649 = arith.mulf %get3A_648, %gather3A_580 : vector<16xf32>
        %swap3A_650 = arith.index_cast %add3A_584 : i32 to index
        %swap3A_651 = arith.constant 96 : index
        %swap3A_652 = tpu.vector_load %arg6[%swap3A_650, %swap3A_651] {strides = array<i32>} : memref<128x128xf32, #tpu.memory_space<vmem>>, vector<1x16xf32>,
        %swap3A_653 = vector.shape_cast %swap3A_652 : vector<1x16xf32> to vector<16xf32>
        %swap3A_654 = vector.shape_cast %mul3A_649 : vector<16xf32> to vector<1x16xf32>
        tpu.vector_store %arg6[%swap3A_650, %swap3A_651], %swap3A_654 {strides = array<i32>} : memref<128x128xf32, #tpu.memory_space<vmem>>, vector<1x16xf32>,
        %get3A_655 = arith.index_cast %add3A_584 : i32 to index
        %get3A_656 = arith.constant 112 : index
        %get3A_657 = tpu.vector_load %arg6[%get3A_655, %get3A_656] {strides = array<i32>} : memref<128x128xf32, #tpu.memory_space<vmem>>, vector<1x16xf32>,
        %get3A_658 = vector.shape_cast %get3A_657 : vector<1x16xf32> to vector<16xf32>
        %mul3A_659 = arith.mulf %get3A_658, %gather3A_580 : vector<16xf32>
        %swap3A_660 = arith.index_cast %add3A_584 : i32 to index
        %swap3A_661 = arith.constant 112 : index
        %swap3A_662 = tpu.vector_load %arg6[%swap3A_660, %swap3A_661] {strides = array<i32>} : memref<128x128xf32, #tpu.memory_space<vmem>>, vector<1x16xf32>,
        %swap3A_663 = vector.shape_cast %swap3A_662 : vector<1x16xf32> to vector<16xf32>
        %swap3A_664 = vector.shape_cast %mul3A_659 : vector<16xf32> to vector<1x16xf32>
        tpu.vector_store %arg6[%swap3A_660, %swap3A_661], %swap3A_664 {strides = array<i32>} : memref<128x128xf32, #tpu.memory_space<vmem>>, vector<1x16xf32>,
        %broadcast_in_dim3A_665 = arith.constant 6 : i32
        %broadcast_in_dim3A_666 = vector.broadcast %broadcast_in_dim3A_665 : i32 to vector<16x1xi32>
        %gather3A_667 = vector.shape_cast %broadcast_in_dim3A_666 : vector<16x1xi32> to vector<16xi32>
        %gather3A_668 = tpu.dynamic_gather %bitcast_convert_type3A[%gather3A_667] in [0] : vector<16xf32>, vector<16xi32> -> vector<16xf32>
        %mul3A_669 = arith.constant 16 : i32
        %mul3A_670 = arith.muli %scan3A_131, %mul3A_669 : i32
        %add3A_671 = arith.constant 6 : i32
        %add3A_672 = arith.addi %mul3A_670, %add3A_671 : i32
        %get3A_673 = arith.index_cast %add3A_672 : i32 to index
        %get3A_674 = arith.constant 0 : index
        %get3A_675 = tpu.vector_load %arg6[%get3A_673, %get3A_674] {strides = array<i32>} : memref<128x128xf32, #tpu.memory_space<vmem>>, vector<1x16xf32>,
        %get3A_676 = vector.shape_cast %get3A_675 : vector<1x16xf32> to vector<16xf32>
        %mul3A_677 = arith.mulf %get3A_676, %gather3A_668 : vector<16xf32>
        %swap3A_678 = arith.index_cast %add3A_672 : i32 to index
        %swap3A_679 = arith.constant 0 : index
        %swap3A_680 = tpu.vector_load %arg6[%swap3A_678, %swap3A_679] {strides = array<i32>} : memref<128x128xf32, #tpu.memory_space<vmem>>, vector<1x16xf32>,
        %swap3A_681 = vector.shape_cast %swap3A_680 : vector<1x16xf32> to vector<16xf32>
        %swap3A_682 = vector.shape_cast %mul3A_677 : vector<16xf32> to vector<1x16xf32>
        tpu.vector_store %arg6[%swap3A_678, %swap3A_679], %swap3A_682 {strides = array<i32>} : memref<128x128xf32, #tpu.memory_space<vmem>>, vector<1x16xf32>,
        %get3A_683 = arith.index_cast %add3A_672 : i32 to index
        %get3A_684 = arith.constant 16 : index
        %get3A_685 = tpu.vector_load %arg6[%get3A_683, %get3A_684] {strides = array<i32>} : memref<128x128xf32, #tpu.memory_space<vmem>>, vector<1x16xf32>,
        %get3A_686 = vector.shape_cast %get3A_685 : vector<1x16xf32> to vector<16xf32>
        %mul3A_687 = arith.mulf %get3A_686, %gather3A_668 : vector<16xf32>
        %swap3A_688 = arith.index_cast %add3A_672 : i32 to index
        %swap3A_689 = arith.constant 16 : index
        %swap3A_690 = tpu.vector_load %arg6[%swap3A_688, %swap3A_689] {strides = array<i32>} : memref<128x128xf32, #tpu.memory_space<vmem>>, vector<1x16xf32>,
        %swap3A_691 = vector.shape_cast %swap3A_690 : vector<1x16xf32> to vector<16xf32>
        %swap3A_692 = vector.shape_cast %mul3A_687 : vector<16xf32> to vector<1x16xf32>
        tpu.vector_store %arg6[%swap3A_688, %swap3A_689], %swap3A_692 {strides = array<i32>} : memref<128x128xf32, #tpu.memory_space<vmem>>, vector<1x16xf32>,
        %get3A_693 = arith.index_cast %add3A_672 : i32 to index
        %get3A_694 = arith.constant 32 : index
        %get3A_695 = tpu.vector_load %arg6[%get3A_693, %get3A_694] {strides = array<i32>} : memref<128x128xf32, #tpu.memory_space<vmem>>, vector<1x16xf32>,
        %get3A_696 = vector.shape_cast %get3A_695 : vector<1x16xf32> to vector<16xf32>
        %mul3A_697 = arith.mulf %get3A_696, %gather3A_668 : vector<16xf32>
        %swap3A_698 = arith.index_cast %add3A_672 : i32 to index
        %swap3A_699 = arith.constant 32 : index
        %swap3A_700 = tpu.vector_load %arg6[%swap3A_698, %swap3A_699] {strides = array<i32>} : memref<128x128xf32, #tpu.memory_space<vmem>>, vector<1x16xf32>,
        %swap3A_701 = vector.shape_cast %swap3A_700 : vector<1x16xf32> to vector<16xf32>
        %swap3A_702 = vector.shape_cast %mul3A_697 : vector<16xf32> to vector<1x16xf32>
        tpu.vector_store %arg6[%swap3A_698, %swap3A_699], %swap3A_702 {strides = array<i32>} : memref<128x128xf32, #tpu.memory_space<vmem>>, vector<1x16xf32>,
        %get3A_703 = arith.index_cast %add3A_672 : i32 to index
        %get3A_704 = arith.constant 48 : index
        %get3A_705 = tpu.vector_load %arg6[%get3A_703, %get3A_704] {strides = array<i32>} : memref<128x128xf32, #tpu.memory_space<vmem>>, vector<1x16xf32>,
        %get3A_706 = vector.shape_cast %get3A_705 : vector<1x16xf32> to vector<16xf32>
        %mul3A_707 = arith.mulf %get3A_706, %gather3A_668 : vector<16xf32>
        %swap3A_708 = arith.index_cast %add3A_672 : i32 to index
        %swap3A_709 = arith.constant 48 : index
        %swap3A_710 = tpu.vector_load %arg6[%swap3A_708, %swap3A_709] {strides = array<i32>} : memref<128x128xf32, #tpu.memory_space<vmem>>, vector<1x16xf32>,
        %swap3A_711 = vector.shape_cast %swap3A_710 : vector<1x16xf32> to vector<16xf32>
        %swap3A_712 = vector.shape_cast %mul3A_707 : vector<16xf32> to vector<1x16xf32>
        tpu.vector_store %arg6[%swap3A_708, %swap3A_709], %swap3A_712 {strides = array<i32>} : memref<128x128xf32, #tpu.memory_space<vmem>>, vector<1x16xf32>,
        %get3A_713 = arith.index_cast %add3A_672 : i32 to index
        %get3A_714 = arith.constant 64 : index
        %get3A_715 = tpu.vector_load %arg6[%get3A_713, %get3A_714] {strides = array<i32>} : memref<128x128xf32, #tpu.memory_space<vmem>>, vector<1x16xf32>,
        %get3A_716 = vector.shape_cast %get3A_715 : vector<1x16xf32> to vector<16xf32>
        %mul3A_717 = arith.mulf %get3A_716, %gather3A_668 : vector<16xf32>
        %swap3A_718 = arith.index_cast %add3A_672 : i32 to index
        %swap3A_719 = arith.constant 64 : index
        %swap3A_720 = tpu.vector_load %arg6[%swap3A_718, %swap3A_719] {strides = array<i32>} : memref<128x128xf32, #tpu.memory_space<vmem>>, vector<1x16xf32>,
        %swap3A_721 = vector.shape_cast %swap3A_720 : vector<1x16xf32> to vector<16xf32>
        %swap3A_722 = vector.shape_cast %mul3A_717 : vector<16xf32> to vector<1x16xf32>
        tpu.vector_store %arg6[%swap3A_718, %swap3A_719], %swap3A_722 {strides = array<i32>} : memref<128x128xf32, #tpu.memory_space<vmem>>, vector<1x16xf32>,
        %get3A_723 = arith.index_cast %add3A_672 : i32 to index
        %get3A_724 = arith.constant 80 : index
        %get3A_725 = tpu.vector_load %arg6[%get3A_723, %get3A_724] {strides = array<i32>} : memref<128x128xf32, #tpu.memory_space<vmem>>, vector<1x16xf32>,
        %get3A_726 = vector.shape_cast %get3A_725 : vector<1x16xf32> to vector<16xf32>
        %mul3A_727 = arith.mulf %get3A_726, %gather3A_668 : vector<16xf32>
        %swap3A_728 = arith.index_cast %add3A_672 : i32 to index
        %swap3A_729 = arith.constant 80 : index
        %swap3A_730 = tpu.vector_load %arg6[%swap3A_728, %swap3A_729] {strides = array<i32>} : memref<128x128xf32, #tpu.memory_space<vmem>>, vector<1x16xf32>,
        %swap3A_731 = vector.shape_cast %swap3A_730 : vector<1x16xf32> to vector<16xf32>
        %swap3A_732 = vector.shape_cast %mul3A_727 : vector<16xf32> to vector<1x16xf32>
        tpu.vector_store %arg6[%swap3A_728, %swap3A_729], %swap3A_732 {strides = array<i32>} : memref<128x128xf32, #tpu.memory_space<vmem>>, vector<1x16xf32>,
        %get3A_733 = arith.index_cast %add3A_672 : i32 to index
        %get3A_734 = arith.constant 96 : index
        %get3A_735 = tpu.vector_load %arg6[%get3A_733, %get3A_734] {strides = array<i32>} : memref<128x128xf32, #tpu.memory_space<vmem>>, vector<1x16xf32>,
        %get3A_736 = vector.shape_cast %get3A_735 : vector<1x16xf32> to vector<16xf32>
        %mul3A_737 = arith.mulf %get3A_736, %gather3A_668 : vector<16xf32>
        %swap3A_738 = arith.index_cast %add3A_672 : i32 to index
        %swap3A_739 = arith.constant 96 : index
        %swap3A_740 = tpu.vector_load %arg6[%swap3A_738, %swap3A_739] {strides = array<i32>} : memref<128x128xf32, #tpu.memory_space<vmem>>, vector<1x16xf32>,
        %swap3A_741 = vector.shape_cast %swap3A_740 : vector<1x16xf32> to vector<16xf32>
        %swap3A_742 = vector.shape_cast %mul3A_737 : vector<16xf32> to vector<1x16xf32>
        tpu.vector_store %arg6[%swap3A_738, %swap3A_739], %swap3A_742 {strides = array<i32>} : memref<128x128xf32, #tpu.memory_space<vmem>>, vector<1x16xf32>,
        %get3A_743 = arith.index_cast %add3A_672 : i32 to index
        %get3A_744 = arith.constant 112 : index
        %get3A_745 = tpu.vector_load %arg6[%get3A_743, %get3A_744] {strides = array<i32>} : memref<128x128xf32, #tpu.memory_space<vmem>>, vector<1x16xf32>,
        %get3A_746 = vector.shape_cast %get3A_745 : vector<1x16xf32> to vector<16xf32>
        %mul3A_747 = arith.mulf %get3A_746, %gather3A_668 : vector<16xf32>
        %swap3A_748 = arith.index_cast %add3A_672 : i32 to index
        %swap3A_749 = arith.constant 112 : index
        %swap3A_750 = tpu.vector_load %arg6[%swap3A_748, %swap3A_749] {strides = array<i32>} : memref<128x128xf32, #tpu.memory_space<vmem>>, vector<1x16xf32>,
        %swap3A_751 = vector.shape_cast %swap3A_750 : vector<1x16xf32> to vector<16xf32>
        %swap3A_752 = vector.shape_cast %mul3A_747 : vector<16xf32> to vector<1x16xf32>
        tpu.vector_store %arg6[%swap3A_748, %swap3A_749], %swap3A_752 {strides = array<i32>} : memref<128x128xf32, #tpu.memory_space<vmem>>, vector<1x16xf32>,
        %broadcast_in_dim3A_753 = arith.constant 7 : i32
        %broadcast_in_dim3A_754 = vector.broadcast %broadcast_in_dim3A_753 : i32 to vector<16x1xi32>
        %gather3A_755 = vector.shape_cast %broadcast_in_dim3A_754 : vector<16x1xi32> to vector<16xi32>
        %gather3A_756 = tpu.dynamic_gather %bitcast_convert_type3A[%gather3A_755] in [0] : vector<16xf32>, vector<16xi32> -> vector<16xf32>
        %mul3A_757 = arith.constant 16 : i32
        %mul3A_758 = arith.muli %scan3A_131, %mul3A_757 : i32
        %add3A_759 = arith.constant 7 : i32
        %add3A_760 = arith.addi %mul3A_758, %add3A_759 : i32
        %get3A_761 = arith.index_cast %add3A_760 : i32 to index
        %get3A_762 = arith.constant 0 : index
        %get3A_763 = tpu.vector_load %arg6[%get3A_761, %get3A_762] {strides = array<i32>} : memref<128x128xf32, #tpu.memory_space<vmem>>, vector<1x16xf32>,
        %get3A_764 = vector.shape_cast %get3A_763 : vector<1x16xf32> to vector<16xf32>
        %mul3A_765 = arith.mulf %get3A_764, %gather3A_756 : vector<16xf32>
        %swap3A_766 = arith.index_cast %add3A_760 : i32 to index
        %swap3A_767 = arith.constant 0 : index
        %swap3A_768 = tpu.vector_load %arg6[%swap3A_766, %swap3A_767] {strides = array<i32>} : memref<128x128xf32, #tpu.memory_space<vmem>>, vector<1x16xf32>,
        %swap3A_769 = vector.shape_cast %swap3A_768 : vector<1x16xf32> to vector<16xf32>
        %swap3A_770 = vector.shape_cast %mul3A_765 : vector<16xf32> to vector<1x16xf32>
        tpu.vector_store %arg6[%swap3A_766, %swap3A_767], %swap3A_770 {strides = array<i32>} : memref<128x128xf32, #tpu.memory_space<vmem>>, vector<1x16xf32>,
        %get3A_771 = arith.index_cast %add3A_760 : i32 to index
        %get3A_772 = arith.constant 16 : index
        %get3A_773 = tpu.vector_load %arg6[%get3A_771, %get3A_772] {strides = array<i32>} : memref<128x128xf32, #tpu.memory_space<vmem>>, vector<1x16xf32>,
        %get3A_774 = vector.shape_cast %get3A_773 : vector<1x16xf32> to vector<16xf32>
        %mul3A_775 = arith.mulf %get3A_774, %gather3A_756 : vector<16xf32>
        %swap3A_776 = arith.index_cast %add3A_760 : i32 to index
        %swap3A_777 = arith.constant 16 : index
        %swap3A_778 = tpu.vector_load %arg6[%swap3A_776, %swap3A_777] {strides = array<i32>} : memref<128x128xf32, #tpu.memory_space<vmem>>, vector<1x16xf32>,
        %swap3A_779 = vector.shape_cast %swap3A_778 : vector<1x16xf32> to vector<16xf32>
        %swap3A_780 = vector.shape_cast %mul3A_775 : vector<16xf32> to vector<1x16xf32>
        tpu.vector_store %arg6[%swap3A_776, %swap3A_777], %swap3A_780 {strides = array<i32>} : memref<128x128xf32, #tpu.memory_space<vmem>>, vector<1x16xf32>,
        %get3A_781 = arith.index_cast %add3A_760 : i32 to index
        %get3A_782 = arith.constant 32 : index
        %get3A_783 = tpu.vector_load %arg6[%get3A_781, %get3A_782] {strides = array<i32>} : memref<128x128xf32, #tpu.memory_space<vmem>>, vector<1x16xf32>,
        %get3A_784 = vector.shape_cast %get3A_783 : vector<1x16xf32> to vector<16xf32>
        %mul3A_785 = arith.mulf %get3A_784, %gather3A_756 : vector<16xf32>
        %swap3A_786 = arith.index_cast %add3A_760 : i32 to index
        %swap3A_787 = arith.constant 32 : index
        %swap3A_788 = tpu.vector_load %arg6[%swap3A_786, %swap3A_787] {strides = array<i32>} : memref<128x128xf32, #tpu.memory_space<vmem>>, vector<1x16xf32>,
        %swap3A_789 = vector.shape_cast %swap3A_788 : vector<1x16xf32> to vector<16xf32>
        %swap3A_790 = vector.shape_cast %mul3A_785 : vector<16xf32> to vector<1x16xf32>
        tpu.vector_store %arg6[%swap3A_786, %swap3A_787], %swap3A_790 {strides = array<i32>} : memref<128x128xf32, #tpu.memory_space<vmem>>, vector<1x16xf32>,
        %get3A_791 = arith.index_cast %add3A_760 : i32 to index
        %get3A_792 = arith.constant 48 : index
        %get3A_793 = tpu.vector_load %arg6[%get3A_791, %get3A_792] {strides = array<i32>} : memref<128x128xf32, #tpu.memory_space<vmem>>, vector<1x16xf32>,
        %get3A_794 = vector.shape_cast %get3A_793 : vector<1x16xf32> to vector<16xf32>
        %mul3A_795 = arith.mulf %get3A_794, %gather3A_756 : vector<16xf32>
        %swap3A_796 = arith.index_cast %add3A_760 : i32 to index
        %swap3A_797 = arith.constant 48 : index
        %swap3A_798 = tpu.vector_load %arg6[%swap3A_796, %swap3A_797] {strides = array<i32>} : memref<128x128xf32, #tpu.memory_space<vmem>>, vector<1x16xf32>,
        %swap3A_799 = vector.shape_cast %swap3A_798 : vector<1x16xf32> to vector<16xf32>
        %swap3A_800 = vector.shape_cast %mul3A_795 : vector<16xf32> to vector<1x16xf32>
        tpu.vector_store %arg6[%swap3A_796, %swap3A_797], %swap3A_800 {strides = array<i32>} : memref<128x128xf32, #tpu.memory_space<vmem>>, vector<1x16xf32>,
        %get3A_801 = arith.index_cast %add3A_760 : i32 to index
        %get3A_802 = arith.constant 64 : index
        %get3A_803 = tpu.vector_load %arg6[%get3A_801, %get3A_802] {strides = array<i32>} : memref<128x128xf32, #tpu.memory_space<vmem>>, vector<1x16xf32>,
        %get3A_804 = vector.shape_cast %get3A_803 : vector<1x16xf32> to vector<16xf32>
        %mul3A_805 = arith.mulf %get3A_804, %gather3A_756 : vector<16xf32>
        %swap3A_806 = arith.index_cast %add3A_760 : i32 to index
        %swap3A_807 = arith.constant 64 : index
        %swap3A_808 = tpu.vector_load %arg6[%swap3A_806, %swap3A_807] {strides = array<i32>} : memref<128x128xf32, #tpu.memory_space<vmem>>, vector<1x16xf32>,
        %swap3A_809 = vector.shape_cast %swap3A_808 : vector<1x16xf32> to vector<16xf32>
        %swap3A_810 = vector.shape_cast %mul3A_805 : vector<16xf32> to vector<1x16xf32>
        tpu.vector_store %arg6[%swap3A_806, %swap3A_807], %swap3A_810 {strides = array<i32>} : memref<128x128xf32, #tpu.memory_space<vmem>>, vector<1x16xf32>,
        %get3A_811 = arith.index_cast %add3A_760 : i32 to index
        %get3A_812 = arith.constant 80 : index
        %get3A_813 = tpu.vector_load %arg6[%get3A_811, %get3A_812] {strides = array<i32>} : memref<128x128xf32, #tpu.memory_space<vmem>>, vector<1x16xf32>,
        %get3A_814 = vector.shape_cast %get3A_813 : vector<1x16xf32> to vector<16xf32>
        %mul3A_815 = arith.mulf %get3A_814, %gather3A_756 : vector<16xf32>
        %swap3A_816 = arith.index_cast %add3A_760 : i32 to index
        %swap3A_817 = arith.constant 80 : index
        %swap3A_818 = tpu.vector_load %arg6[%swap3A_816, %swap3A_817] {strides = array<i32>} : memref<128x128xf32, #tpu.memory_space<vmem>>, vector<1x16xf32>,
        %swap3A_819 = vector.shape_cast %swap3A_818 : vector<1x16xf32> to vector<16xf32>
        %swap3A_820 = vector.shape_cast %mul3A_815 : vector<16xf32> to vector<1x16xf32>
        tpu.vector_store %arg6[%swap3A_816, %swap3A_817], %swap3A_820 {strides = array<i32>} : memref<128x128xf32, #tpu.memory_space<vmem>>, vector<1x16xf32>,
        %get3A_821 = arith.index_cast %add3A_760 : i32 to index
        %get3A_822 = arith.constant 96 : index
        %get3A_823 = tpu.vector_load %arg6[%get3A_821, %get3A_822] {strides = array<i32>} : memref<128x128xf32, #tpu.memory_space<vmem>>, vector<1x16xf32>,
        %get3A_824 = vector.shape_cast %get3A_823 : vector<1x16xf32> to vector<16xf32>
        %mul3A_825 = arith.mulf %get3A_824, %gather3A_756 : vector<16xf32>
        %swap3A_826 = arith.index_cast %add3A_760 : i32 to index
        %swap3A_827 = arith.constant 96 : index
        %swap3A_828 = tpu.vector_load %arg6[%swap3A_826, %swap3A_827] {strides = array<i32>} : memref<128x128xf32, #tpu.memory_space<vmem>>, vector<1x16xf32>,
        %swap3A_829 = vector.shape_cast %swap3A_828 : vector<1x16xf32> to vector<16xf32>
        %swap3A_830 = vector.shape_cast %mul3A_825 : vector<16xf32> to vector<1x16xf32>
        tpu.vector_store %arg6[%swap3A_826, %swap3A_827], %swap3A_830 {strides = array<i32>} : memref<128x128xf32, #tpu.memory_space<vmem>>, vector<1x16xf32>,
        %get3A_831 = arith.index_cast %add3A_760 : i32 to index
        %get3A_832 = arith.constant 112 : index
        %get3A_833 = tpu.vector_load %arg6[%get3A_831, %get3A_832] {strides = array<i32>} : memref<128x128xf32, #tpu.memory_space<vmem>>, vector<1x16xf32>,
        %get3A_834 = vector.shape_cast %get3A_833 : vector<1x16xf32> to vector<16xf32>
        %mul3A_835 = arith.mulf %get3A_834, %gather3A_756 : vector<16xf32>
        %swap3A_836 = arith.index_cast %add3A_760 : i32 to index
        %swap3A_837 = arith.constant 112 : index
        %swap3A_838 = tpu.vector_load %arg6[%swap3A_836, %swap3A_837] {strides = array<i32>} : memref<128x128xf32, #tpu.memory_space<vmem>>, vector<1x16xf32>,
        %swap3A_839 = vector.shape_cast %swap3A_838 : vector<1x16xf32> to vector<16xf32>
        %swap3A_840 = vector.shape_cast %mul3A_835 : vector<16xf32> to vector<1x16xf32>
        tpu.vector_store %arg6[%swap3A_836, %swap3A_837], %swap3A_840 {strides = array<i32>} : memref<128x128xf32, #tpu.memory_space<vmem>>, vector<1x16xf32>,
        %broadcast_in_dim3A_841 = arith.constant 8 : i32
        %broadcast_in_dim3A_842 = vector.broadcast %broadcast_in_dim3A_841 : i32 to vector<16x1xi32>
        %gather3A_843 = vector.shape_cast %broadcast_in_dim3A_842 : vector<16x1xi32> to vector<16xi32>
        %gather3A_844 = tpu.dynamic_gather %bitcast_convert_type3A[%gather3A_843] in [0] : vector<16xf32>, vector<16xi32> -> vector<16xf32>
        %mul3A_845 = arith.constant 16 : i32
        %mul3A_846 = arith.muli %scan3A_131, %mul3A_845 : i32
        %add3A_847 = arith.constant 8 : i32
        %add3A_848 = arith.addi %mul3A_846, %add3A_847 : i32
        %get3A_849 = arith.index_cast %add3A_848 : i32 to index
        %get3A_850 = arith.constant 0 : index
        %get3A_851 = tpu.vector_load %arg6[%get3A_849, %get3A_850] {strides = array<i32>} : memref<128x128xf32, #tpu.memory_space<vmem>>, vector<1x16xf32>,
        %get3A_852 = vector.shape_cast %get3A_851 : vector<1x16xf32> to vector<16xf32>
        %mul3A_853 = arith.mulf %get3A_852, %gather3A_844 : vector<16xf32>
        %swap3A_854 = arith.index_cast %add3A_848 : i32 to index
        %swap3A_855 = arith.constant 0 : index
        %swap3A_856 = tpu.vector_load %arg6[%swap3A_854, %swap3A_855] {strides = array<i32>} : memref<128x128xf32, #tpu.memory_space<vmem>>, vector<1x16xf32>,
        %swap3A_857 = vector.shape_cast %swap3A_856 : vector<1x16xf32> to vector<16xf32>
        %swap3A_858 = vector.shape_cast %mul3A_853 : vector<16xf32> to vector<1x16xf32>
        tpu.vector_store %arg6[%swap3A_854, %swap3A_855], %swap3A_858 {strides = array<i32>} : memref<128x128xf32, #tpu.memory_space<vmem>>, vector<1x16xf32>,
        %get3A_859 = arith.index_cast %add3A_848 : i32 to index
        %get3A_860 = arith.constant 16 : index
        %get3A_861 = tpu.vector_load %arg6[%get3A_859, %get3A_860] {strides = array<i32>} : memref<128x128xf32, #tpu.memory_space<vmem>>, vector<1x16xf32>,
        %get3A_862 = vector.shape_cast %get3A_861 : vector<1x16xf32> to vector<16xf32>
        %mul3A_863 = arith.mulf %get3A_862, %gather3A_844 : vector<16xf32>
        %swap3A_864 = arith.index_cast %add3A_848 : i32 to index
        %swap3A_865 = arith.constant 16 : index
        %swap3A_866 = tpu.vector_load %arg6[%swap3A_864, %swap3A_865] {strides = array<i32>} : memref<128x128xf32, #tpu.memory_space<vmem>>, vector<1x16xf32>,
        %swap3A_867 = vector.shape_cast %swap3A_866 : vector<1x16xf32> to vector<16xf32>
        %swap3A_868 = vector.shape_cast %mul3A_863 : vector<16xf32> to vector<1x16xf32>
        tpu.vector_store %arg6[%swap3A_864, %swap3A_865], %swap3A_868 {strides = array<i32>} : memref<128x128xf32, #tpu.memory_space<vmem>>, vector<1x16xf32>,
        %get3A_869 = arith.index_cast %add3A_848 : i32 to index
        %get3A_870 = arith.constant 32 : index
        %get3A_871 = tpu.vector_load %arg6[%get3A_869, %get3A_870] {strides = array<i32>} : memref<128x128xf32, #tpu.memory_space<vmem>>, vector<1x16xf32>,
        %get3A_872 = vector.shape_cast %get3A_871 : vector<1x16xf32> to vector<16xf32>
        %mul3A_873 = arith.mulf %get3A_872, %gather3A_844 : vector<16xf32>
        %swap3A_874 = arith.index_cast %add3A_848 : i32 to index
        %swap3A_875 = arith.constant 32 : index
        %swap3A_876 = tpu.vector_load %arg6[%swap3A_874, %swap3A_875] {strides = array<i32>} : memref<128x128xf32, #tpu.memory_space<vmem>>, vector<1x16xf32>,
        %swap3A_877 = vector.shape_cast %swap3A_876 : vector<1x16xf32> to vector<16xf32>
        %swap3A_878 = vector.shape_cast %mul3A_873 : vector<16xf32> to vector<1x16xf32>
        tpu.vector_store %arg6[%swap3A_874, %swap3A_875], %swap3A_878 {strides = array<i32>} : memref<128x128xf32, #tpu.memory_space<vmem>>, vector<1x16xf32>,
        %get3A_879 = arith.index_cast %add3A_848 : i32 to index
        %get3A_880 = arith.constant 48 : index
        %get3A_881 = tpu.vector_load %arg6[%get3A_879, %get3A_880] {strides = array<i32>} : memref<128x128xf32, #tpu.memory_space<vmem>>, vector<1x16xf32>,
        %get3A_882 = vector.shape_cast %get3A_881 : vector<1x16xf32> to vector<16xf32>
        %mul3A_883 = arith.mulf %get3A_882, %gather3A_844 : vector<16xf32>
        %swap3A_884 = arith.index_cast %add3A_848 : i32 to index
        %swap3A_885 = arith.constant 48 : index
        %swap3A_886 = tpu.vector_load %arg6[%swap3A_884, %swap3A_885] {strides = array<i32>} : memref<128x128xf32, #tpu.memory_space<vmem>>, vector<1x16xf32>,
        %swap3A_887 = vector.shape_cast %swap3A_886 : vector<1x16xf32> to vector<16xf32>
        %swap3A_888 = vector.shape_cast %mul3A_883 : vector<16xf32> to vector<1x16xf32>
        tpu.vector_store %arg6[%swap3A_884, %swap3A_885], %swap3A_888 {strides = array<i32>} : memref<128x128xf32, #tpu.memory_space<vmem>>, vector<1x16xf32>,
        %get3A_889 = arith.index_cast %add3A_848 : i32 to index
        %get3A_890 = arith.constant 64 : index
        %get3A_891 = tpu.vector_load %arg6[%get3A_889, %get3A_890] {strides = array<i32>} : memref<128x128xf32, #tpu.memory_space<vmem>>, vector<1x16xf32>,
        %get3A_892 = vector.shape_cast %get3A_891 : vector<1x16xf32> to vector<16xf32>
        %mul3A_893 = arith.mulf %get3A_892, %gather3A_844 : vector<16xf32>
        %swap3A_894 = arith.index_cast %add3A_848 : i32 to index
        %swap3A_895 = arith.constant 64 : index
        %swap3A_896 = tpu.vector_load %arg6[%swap3A_894, %swap3A_895] {strides = array<i32>} : memref<128x128xf32, #tpu.memory_space<vmem>>, vector<1x16xf32>,
        %swap3A_897 = vector.shape_cast %swap3A_896 : vector<1x16xf32> to vector<16xf32>
        %swap3A_898 = vector.shape_cast %mul3A_893 : vector<16xf32> to vector<1x16xf32>
        tpu.vector_store %arg6[%swap3A_894, %swap3A_895], %swap3A_898 {strides = array<i32>} : memref<128x128xf32, #tpu.memory_space<vmem>>, vector<1x16xf32>,
        %get3A_899 = arith.index_cast %add3A_848 : i32 to index
        %get3A_900 = arith.constant 80 : index
        %get3A_901 = tpu.vector_load %arg6[%get3A_899, %get3A_900] {strides = array<i32>} : memref<128x128xf32, #tpu.memory_space<vmem>>, vector<1x16xf32>,
        %get3A_902 = vector.shape_cast %get3A_901 : vector<1x16xf32> to vector<16xf32>
        %mul3A_903 = arith.mulf %get3A_902, %gather3A_844 : vector<16xf32>
        %swap3A_904 = arith.index_cast %add3A_848 : i32 to index
        %swap3A_905 = arith.constant 80 : index
        %swap3A_906 = tpu.vector_load %arg6[%swap3A_904, %swap3A_905] {strides = array<i32>} : memref<128x128xf32, #tpu.memory_space<vmem>>, vector<1x16xf32>,
        %swap3A_907 = vector.shape_cast %swap3A_906 : vector<1x16xf32> to vector<16xf32>
        %swap3A_908 = vector.shape_cast %mul3A_903 : vector<16xf32> to vector<1x16xf32>
        tpu.vector_store %arg6[%swap3A_904, %swap3A_905], %swap3A_908 {strides = array<i32>} : memref<128x128xf32, #tpu.memory_space<vmem>>, vector<1x16xf32>,
        %get3A_909 = arith.index_cast %add3A_848 : i32 to index
        %get3A_910 = arith.constant 96 : index
        %get3A_911 = tpu.vector_load %arg6[%get3A_909, %get3A_910] {strides = array<i32>} : memref<128x128xf32, #tpu.memory_space<vmem>>, vector<1x16xf32>,
        %get3A_912 = vector.shape_cast %get3A_911 : vector<1x16xf32> to vector<16xf32>
        %mul3A_913 = arith.mulf %get3A_912, %gather3A_844 : vector<16xf32>
        %swap3A_914 = arith.index_cast %add3A_848 : i32 to index
        %swap3A_915 = arith.constant 96 : index
        %swap3A_916 = tpu.vector_load %arg6[%swap3A_914, %swap3A_915] {strides = array<i32>} : memref<128x128xf32, #tpu.memory_space<vmem>>, vector<1x16xf32>,
        %swap3A_917 = vector.shape_cast %swap3A_916 : vector<1x16xf32> to vector<16xf32>
        %swap3A_918 = vector.shape_cast %mul3A_913 : vector<16xf32> to vector<1x16xf32>
        tpu.vector_store %arg6[%swap3A_914, %swap3A_915], %swap3A_918 {strides = array<i32>} : memref<128x128xf32, #tpu.memory_space<vmem>>, vector<1x16xf32>,
        %get3A_919 = arith.index_cast %add3A_848 : i32 to index
        %get3A_920 = arith.constant 112 : index
        %get3A_921 = tpu.vector_load %arg6[%get3A_919, %get3A_920] {strides = array<i32>} : memref<128x128xf32, #tpu.memory_space<vmem>>, vector<1x16xf32>,
        %get3A_922 = vector.shape_cast %get3A_921 : vector<1x16xf32> to vector<16xf32>
        %mul3A_923 = arith.mulf %get3A_922, %gather3A_844 : vector<16xf32>
        %swap3A_924 = arith.index_cast %add3A_848 : i32 to index
        %swap3A_925 = arith.constant 112 : index
        %swap3A_926 = tpu.vector_load %arg6[%swap3A_924, %swap3A_925] {strides = array<i32>} : memref<128x128xf32, #tpu.memory_space<vmem>>, vector<1x16xf32>,
        %swap3A_927 = vector.shape_cast %swap3A_926 : vector<1x16xf32> to vector<16xf32>
        %swap3A_928 = vector.shape_cast %mul3A_923 : vector<16xf32> to vector<1x16xf32>
        tpu.vector_store %arg6[%swap3A_924, %swap3A_925], %swap3A_928 {strides = array<i32>} : memref<128x128xf32, #tpu.memory_space<vmem>>, vector<1x16xf32>,
        %broadcast_in_dim3A_929 = arith.constant 9 : i32
        %broadcast_in_dim3A_930 = vector.broadcast %broadcast_in_dim3A_929 : i32 to vector<16x1xi32>
        %gather3A_931 = vector.shape_cast %broadcast_in_dim3A_930 : vector<16x1xi32> to vector<16xi32>
        %gather3A_932 = tpu.dynamic_gather %bitcast_convert_type3A[%gather3A_931] in [0] : vector<16xf32>, vector<16xi32> -> vector<16xf32>
        %mul3A_933 = arith.constant 16 : i32
        %mul3A_934 = arith.muli %scan3A_131, %mul3A_933 : i32
        %add3A_935 = arith.constant 9 : i32
        %add3A_936 = arith.addi %mul3A_934, %add3A_935 : i32
        %get3A_937 = arith.index_cast %add3A_936 : i32 to index
        %get3A_938 = arith.constant 0 : index
        %get3A_939 = tpu.vector_load %arg6[%get3A_937, %get3A_938] {strides = array<i32>} : memref<128x128xf32, #tpu.memory_space<vmem>>, vector<1x16xf32>,
        %get3A_940 = vector.shape_cast %get3A_939 : vector<1x16xf32> to vector<16xf32>
        %mul3A_941 = arith.mulf %get3A_940, %gather3A_932 : vector<16xf32>
        %swap3A_942 = arith.index_cast %add3A_936 : i32 to index
        %swap3A_943 = arith.constant 0 : index
        %swap3A_944 = tpu.vector_load %arg6[%swap3A_942, %swap3A_943] {strides = array<i32>} : memref<128x128xf32, #tpu.memory_space<vmem>>, vector<1x16xf32>,
        %swap3A_945 = vector.shape_cast %swap3A_944 : vector<1x16xf32> to vector<16xf32>
        %swap3A_946 = vector.shape_cast %mul3A_941 : vector<16xf32> to vector<1x16xf32>
        tpu.vector_store %arg6[%swap3A_942, %swap3A_943], %swap3A_946 {strides = array<i32>} : memref<128x128xf32, #tpu.memory_space<vmem>>, vector<1x16xf32>,
        %get3A_947 = arith.index_cast %add3A_936 : i32 to index
        %get3A_948 = arith.constant 16 : index
        %get3A_949 = tpu.vector_load %arg6[%get3A_947, %get3A_948] {strides = array<i32>} : memref<128x128xf32, #tpu.memory_space<vmem>>, vector<1x16xf32>,
        %get3A_950 = vector.shape_cast %get3A_949 : vector<1x16xf32> to vector<16xf32>
        %mul3A_951 = arith.mulf %get3A_950, %gather3A_932 : vector<16xf32>
        %swap3A_952 = arith.index_cast %add3A_936 : i32 to index
        %swap3A_953 = arith.constant 16 : index
        %swap3A_954 = tpu.vector_load %arg6[%swap3A_952, %swap3A_953] {strides = array<i32>} : memref<128x128xf32, #tpu.memory_space<vmem>>, vector<1x16xf32>,
        %swap3A_955 = vector.shape_cast %swap3A_954 : vector<1x16xf32> to vector<16xf32>
        %swap3A_956 = vector.shape_cast %mul3A_951 : vector<16xf32> to vector<1x16xf32>
        tpu.vector_store %arg6[%swap3A_952, %swap3A_953], %swap3A_956 {strides = array<i32>} : memref<128x128xf32, #tpu.memory_space<vmem>>, vector<1x16xf32>,
        %get3A_957 = arith.index_cast %add3A_936 : i32 to index
        %get3A_958 = arith.constant 32 : index
        %get3A_959 = tpu.vector_load %arg6[%get3A_957, %get3A_958] {strides = array<i32>} : memref<128x128xf32, #tpu.memory_space<vmem>>, vector<1x16xf32>,
        %get3A_960 = vector.shape_cast %get3A_959 : vector<1x16xf32> to vector<16xf32>
        %mul3A_961 = arith.mulf %get3A_960, %gather3A_932 : vector<16xf32>
        %swap3A_962 = arith.index_cast %add3A_936 : i32 to index
        %swap3A_963 = arith.constant 32 : index
        %swap3A_964 = tpu.vector_load %arg6[%swap3A_962, %swap3A_963] {strides = array<i32>} : memref<128x128xf32, #tpu.memory_space<vmem>>, vector<1x16xf32>,
        %swap3A_965 = vector.shape_cast %swap3A_964 : vector<1x16xf32> to vector<16xf32>
        %swap3A_966 = vector.shape_cast %mul3A_961 : vector<16xf32> to vector<1x16xf32>
        tpu.vector_store %arg6[%swap3A_962, %swap3A_963], %swap3A_966 {strides = array<i32>} : memref<128x128xf32, #tpu.memory_space<vmem>>, vector<1x16xf32>,
        %get3A_967 = arith.index_cast %add3A_936 : i32 to index
        %get3A_968 = arith.constant 48 : index
        %get3A_969 = tpu.vector_load %arg6[%get3A_967, %get3A_968] {strides = array<i32>} : memref<128x128xf32, #tpu.memory_space<vmem>>, vector<1x16xf32>,
        %get3A_970 = vector.shape_cast %get3A_969 : vector<1x16xf32> to vector<16xf32>
        %mul3A_971 = arith.mulf %get3A_970, %gather3A_932 : vector<16xf32>
        %swap3A_972 = arith.index_cast %add3A_936 : i32 to index
        %swap3A_973 = arith.constant 48 : index
        %swap3A_974 = tpu.vector_load %arg6[%swap3A_972, %swap3A_973] {strides = array<i32>} : memref<128x128xf32, #tpu.memory_space<vmem>>, vector<1x16xf32>,
        %swap3A_975 = vector.shape_cast %swap3A_974 : vector<1x16xf32> to vector<16xf32>
        %swap3A_976 = vector.shape_cast %mul3A_971 : vector<16xf32> to vector<1x16xf32>
        tpu.vector_store %arg6[%swap3A_972, %swap3A_973], %swap3A_976 {strides = array<i32>} : memref<128x128xf32, #tpu.memory_space<vmem>>, vector<1x16xf32>,
        %get3A_977 = arith.index_cast %add3A_936 : i32 to index
        %get3A_978 = arith.constant 64 : index
        %get3A_979 = tpu.vector_load %arg6[%get3A_977, %get3A_978] {strides = array<i32>} : memref<128x128xf32, #tpu.memory_space<vmem>>, vector<1x16xf32>,
        %get3A_980 = vector.shape_cast %get3A_979 : vector<1x16xf32> to vector<16xf32>
        %mul3A_981 = arith.mulf %get3A_980, %gather3A_932 : vector<16xf32>
        %swap3A_982 = arith.index_cast %add3A_936 : i32 to index
        %swap3A_983 = arith.constant 64 : index
        %swap3A_984 = tpu.vector_load %arg6[%swap3A_982, %swap3A_983] {strides = array<i32>} : memref<128x128xf32, #tpu.memory_space<vmem>>, vector<1x16xf32>,
        %swap3A_985 = vector.shape_cast %swap3A_984 : vector<1x16xf32> to vector<16xf32>
        %swap3A_986 = vector.shape_cast %mul3A_981 : vector<16xf32> to vector<1x16xf32>
        tpu.vector_store %arg6[%swap3A_982, %swap3A_983], %swap3A_986 {strides = array<i32>} : memref<128x128xf32, #tpu.memory_space<vmem>>, vector<1x16xf32>,
        %get3A_987 = arith.index_cast %add3A_936 : i32 to index
        %get3A_988 = arith.constant 80 : index
        %get3A_989 = tpu.vector_load %arg6[%get3A_987, %get3A_988] {strides = array<i32>} : memref<128x128xf32, #tpu.memory_space<vmem>>, vector<1x16xf32>,
        %get3A_990 = vector.shape_cast %get3A_989 : vector<1x16xf32> to vector<16xf32>
        %mul3A_991 = arith.mulf %get3A_990, %gather3A_932 : vector<16xf32>
        %swap3A_992 = arith.index_cast %add3A_936 : i32 to index
        %swap3A_993 = arith.constant 80 : index
        %swap3A_994 = tpu.vector_load %arg6[%swap3A_992, %swap3A_993] {strides = array<i32>} : memref<128x128xf32, #tpu.memory_space<vmem>>, vector<1x16xf32>,
        %swap3A_995 = vector.shape_cast %swap3A_994 : vector<1x16xf32> to vector<16xf32>
        %swap3A_996 = vector.shape_cast %mul3A_991 : vector<16xf32> to vector<1x16xf32>
        tpu.vector_store %arg6[%swap3A_992, %swap3A_993], %swap3A_996 {strides = array<i32>} : memref<128x128xf32, #tpu.memory_space<vmem>>, vector<1x16xf32>,
        %get3A_997 = arith.index_cast %add3A_936 : i32 to index
        %get3A_998 = arith.constant 96 : index
        %get3A_999 = tpu.vector_load %arg6[%get3A_997, %get3A_998] {strides = array<i32>} : memref<128x128xf32, #tpu.memory_space<vmem>>, vector<1x16xf32>,
        %get3A_1000 = vector.shape_cast %get3A_999 : vector<1x16xf32> to vector<16xf32>
        %mul3A_1001 = arith.mulf %get3A_1000, %gather3A_932 : vector<16xf32>
        %swap3A_1002 = arith.index_cast %add3A_936 : i32 to index
        %swap3A_1003 = arith.constant 96 : index
        %swap3A_1004 = tpu.vector_load %arg6[%swap3A_1002, %swap3A_1003] {strides = array<i32>} : memref<128x128xf32, #tpu.memory_space<vmem>>, vector<1x16xf32>,
        %swap3A_1005 = vector.shape_cast %swap3A_1004 : vector<1x16xf32> to vector<16xf32>
        %swap3A_1006 = vector.shape_cast %mul3A_1001 : vector<16xf32> to vector<1x16xf32>
        tpu.vector_store %arg6[%swap3A_1002, %swap3A_1003], %swap3A_1006 {strides = array<i32>} : memref<128x128xf32, #tpu.memory_space<vmem>>, vector<1x16xf32>,
        %get3A_1007 = arith.index_cast %add3A_936 : i32 to index
        %get3A_1008 = arith.constant 112 : index
        %get3A_1009 = tpu.vector_load %arg6[%get3A_1007, %get3A_1008] {strides = array<i32>} : memref<128x128xf32, #tpu.memory_space<vmem>>, vector<1x16xf32>,
        %get3A_1010 = vector.shape_cast %get3A_1009 : vector<1x16xf32> to vector<16xf32>
        %mul3A_1011 = arith.mulf %get3A_1010, %gather3A_932 : vector<16xf32>
        %swap3A_1012 = arith.index_cast %add3A_936 : i32 to index
        %swap3A_1013 = arith.constant 112 : index
        %swap3A_1014 = tpu.vector_load %arg6[%swap3A_1012, %swap3A_1013] {strides = array<i32>} : memref<128x128xf32, #tpu.memory_space<vmem>>, vector<1x16xf32>,
        %swap3A_1015 = vector.shape_cast %swap3A_1014 : vector<1x16xf32> to vector<16xf32>
        %swap3A_1016 = vector.shape_cast %mul3A_1011 : vector<16xf32> to vector<1x16xf32>
        tpu.vector_store %arg6[%swap3A_1012, %swap3A_1013], %swap3A_1016 {strides = array<i32>} : memref<128x128xf32, #tpu.memory_space<vmem>>, vector<1x16xf32>,
        %broadcast_in_dim3A_1017 = arith.constant 10 : i32
        %broadcast_in_dim3A_1018 = vector.broadcast %broadcast_in_dim3A_1017 : i32 to vector<16x1xi32>
        %gather3A_1019 = vector.shape_cast %broadcast_in_dim3A_1018 : vector<16x1xi32> to vector<16xi32>
        %gather3A_1020 = tpu.dynamic_gather %bitcast_convert_type3A[%gather3A_1019] in [0] : vector<16xf32>, vector<16xi32> -> vector<16xf32>
        %mul3A_1021 = arith.constant 16 : i32
        %mul3A_1022 = arith.muli %scan3A_131, %mul3A_1021 : i32
        %add3A_1023 = arith.constant 10 : i32
        %add3A_1024 = arith.addi %mul3A_1022, %add3A_1023 : i32
        %get3A_1025 = arith.index_cast %add3A_1024 : i32 to index
        %get3A_1026 = arith.constant 0 : index
        %get3A_1027 = tpu.vector_load %arg6[%get3A_1025, %get3A_1026] {strides = array<i32>} : memref<128x128xf32, #tpu.memory_space<vmem>>, vector<1x16xf32>,
        %get3A_1028 = vector.shape_cast %get3A_1027 : vector<1x16xf32> to vector<16xf32>
        %mul3A_1029 = arith.mulf %get3A_1028, %gather3A_1020 : vector<16xf32>
        %swap3A_1030 = arith.index_cast %add3A_1024 : i32 to index
        %swap3A_1031 = arith.constant 0 : index
        %swap3A_1032 = tpu.vector_load %arg6[%swap3A_1030, %swap3A_1031] {strides = array<i32>} : memref<128x128xf32, #tpu.memory_space<vmem>>, vector<1x16xf32>,
        %swap3A_1033 = vector.shape_cast %swap3A_1032 : vector<1x16xf32> to vector<16xf32>
        %swap3A_1034 = vector.shape_cast %mul3A_1029 : vector<16xf32> to vector<1x16xf32>
        tpu.vector_store %arg6[%swap3A_1030, %swap3A_1031], %swap3A_1034 {strides = array<i32>} : memref<128x128xf32, #tpu.memory_space<vmem>>, vector<1x16xf32>,
        %get3A_1035 = arith.index_cast %add3A_1024 : i32 to index
        %get3A_1036 = arith.constant 16 : index
        %get3A_1037 = tpu.vector_load %arg6[%get3A_1035, %get3A_1036] {strides = array<i32>} : memref<128x128xf32, #tpu.memory_space<vmem>>, vector<1x16xf32>,
        %get3A_1038 = vector.shape_cast %get3A_1037 : vector<1x16xf32> to vector<16xf32>
        %mul3A_1039 = arith.mulf %get3A_1038, %gather3A_1020 : vector<16xf32>
        %swap3A_1040 = arith.index_cast %add3A_1024 : i32 to index
        %swap3A_1041 = arith.constant 16 : index
        %swap3A_1042 = tpu.vector_load %arg6[%swap3A_1040, %swap3A_1041] {strides = array<i32>} : memref<128x128xf32, #tpu.memory_space<vmem>>, vector<1x16xf32>,
        %swap3A_1043 = vector.shape_cast %swap3A_1042 : vector<1x16xf32> to vector<16xf32>
        %swap3A_1044 = vector.shape_cast %mul3A_1039 : vector<16xf32> to vector<1x16xf32>
        tpu.vector_store %arg6[%swap3A_1040, %swap3A_1041], %swap3A_1044 {strides = array<i32>} : memref<128x128xf32, #tpu.memory_space<vmem>>, vector<1x16xf32>,
        %get3A_1045 = arith.index_cast %add3A_1024 : i32 to index
        %get3A_1046 = arith.constant 32 : index
        %get3A_1047 = tpu.vector_load %arg6[%get3A_1045, %get3A_1046] {strides = array<i32>} : memref<128x128xf32, #tpu.memory_space<vmem>>, vector<1x16xf32>,
        %get3A_1048 = vector.shape_cast %get3A_1047 : vector<1x16xf32> to vector<16xf32>
        %mul3A_1049 = arith.mulf %get3A_1048, %gather3A_1020 : vector<16xf32>
        %swap3A_1050 = arith.index_cast %add3A_1024 : i32 to index
        %swap3A_1051 = arith.constant 32 : index
        %swap3A_1052 = tpu.vector_load %arg6[%swap3A_1050, %swap3A_1051] {strides = array<i32>} : memref<128x128xf32, #tpu.memory_space<vmem>>, vector<1x16xf32>,
        %swap3A_1053 = vector.shape_cast %swap3A_1052 : vector<1x16xf32> to vector<16xf32>
        %swap3A_1054 = vector.shape_cast %mul3A_1049 : vector<16xf32> to vector<1x16xf32>
        tpu.vector_store %arg6[%swap3A_1050, %swap3A_1051], %swap3A_1054 {strides = array<i32>} : memref<128x128xf32, #tpu.memory_space<vmem>>, vector<1x16xf32>,
        %get3A_1055 = arith.index_cast %add3A_1024 : i32 to index
        %get3A_1056 = arith.constant 48 : index
        %get3A_1057 = tpu.vector_load %arg6[%get3A_1055, %get3A_1056] {strides = array<i32>} : memref<128x128xf32, #tpu.memory_space<vmem>>, vector<1x16xf32>,
        %get3A_1058 = vector.shape_cast %get3A_1057 : vector<1x16xf32> to vector<16xf32>
        %mul3A_1059 = arith.mulf %get3A_1058, %gather3A_1020 : vector<16xf32>
        %swap3A_1060 = arith.index_cast %add3A_1024 : i32 to index
        %swap3A_1061 = arith.constant 48 : index
        %swap3A_1062 = tpu.vector_load %arg6[%swap3A_1060, %swap3A_1061] {strides = array<i32>} : memref<128x128xf32, #tpu.memory_space<vmem>>, vector<1x16xf32>,
        %swap3A_1063 = vector.shape_cast %swap3A_1062 : vector<1x16xf32> to vector<16xf32>
        %swap3A_1064 = vector.shape_cast %mul3A_1059 : vector<16xf32> to vector<1x16xf32>
        tpu.vector_store %arg6[%swap3A_1060, %swap3A_1061], %swap3A_1064 {strides = array<i32>} : memref<128x128xf32, #tpu.memory_space<vmem>>, vector<1x16xf32>,
        %get3A_1065 = arith.index_cast %add3A_1024 : i32 to index
        %get3A_1066 = arith.constant 64 : index
        %get3A_1067 = tpu.vector_load %arg6[%get3A_1065, %get3A_1066] {strides = array<i32>} : memref<128x128xf32, #tpu.memory_space<vmem>>, vector<1x16xf32>,
        %get3A_1068 = vector.shape_cast %get3A_1067 : vector<1x16xf32> to vector<16xf32>
        %mul3A_1069 = arith.mulf %get3A_1068, %gather3A_1020 : vector<16xf32>
        %swap3A_1070 = arith.index_cast %add3A_1024 : i32 to index
        %swap3A_1071 = arith.constant 64 : index
        %swap3A_1072 = tpu.vector_load %arg6[%swap3A_1070, %swap3A_1071] {strides = array<i32>} : memref<128x128xf32, #tpu.memory_space<vmem>>, vector<1x16xf32>,
        %swap3A_1073 = vector.shape_cast %swap3A_1072 : vector<1x16xf32> to vector<16xf32>
        %swap3A_1074 = vector.shape_cast %mul3A_1069 : vector<16xf32> to vector<1x16xf32>
        tpu.vector_store %arg6[%swap3A_1070, %swap3A_1071], %swap3A_1074 {strides = array<i32>} : memref<128x128xf32, #tpu.memory_space<vmem>>, vector<1x16xf32>,
        %get3A_1075 = arith.index_cast %add3A_1024 : i32 to index
        %get3A_1076 = arith.constant 80 : index
        %get3A_1077 = tpu.vector_load %arg6[%get3A_1075, %get3A_1076] {strides = array<i32>} : memref<128x128xf32, #tpu.memory_space<vmem>>, vector<1x16xf32>,
        %get3A_1078 = vector.shape_cast %get3A_1077 : vector<1x16xf32> to vector<16xf32>
        %mul3A_1079 = arith.mulf %get3A_1078, %gather3A_1020 : vector<16xf32>
        %swap3A_1080 = arith.index_cast %add3A_1024 : i32 to index
        %swap3A_1081 = arith.constant 80 : index
        %swap3A_1082 = tpu.vector_load %arg6[%swap3A_1080, %swap3A_1081] {strides = array<i32>} : memref<128x128xf32, #tpu.memory_space<vmem>>, vector<1x16xf32>,
        %swap3A_1083 = vector.shape_cast %swap3A_1082 : vector<1x16xf32> to vector<16xf32>
        %swap3A_1084 = vector.shape_cast %mul3A_1079 : vector<16xf32> to vector<1x16xf32>
        tpu.vector_store %arg6[%swap3A_1080, %swap3A_1081], %swap3A_1084 {strides = array<i32>} : memref<128x128xf32, #tpu.memory_space<vmem>>, vector<1x16xf32>,
        %get3A_1085 = arith.index_cast %add3A_1024 : i32 to index
        %get3A_1086 = arith.constant 96 : index
        %get3A_1087 = tpu.vector_load %arg6[%get3A_1085, %get3A_1086] {strides = array<i32>} : memref<128x128xf32, #tpu.memory_space<vmem>>, vector<1x16xf32>,
        %get3A_1088 = vector.shape_cast %get3A_1087 : vector<1x16xf32> to vector<16xf32>
        %mul3A_1089 = arith.mulf %get3A_1088, %gather3A_1020 : vector<16xf32>
        %swap3A_1090 = arith.index_cast %add3A_1024 : i32 to index
        %swap3A_1091 = arith.constant 96 : index
        %swap3A_1092 = tpu.vector_load %arg6[%swap3A_1090, %swap3A_1091] {strides = array<i32>} : memref<128x128xf32, #tpu.memory_space<vmem>>, vector<1x16xf32>,
        %swap3A_1093 = vector.shape_cast %swap3A_1092 : vector<1x16xf32> to vector<16xf32>
        %swap3A_1094 = vector.shape_cast %mul3A_1089 : vector<16xf32> to vector<1x16xf32>
        tpu.vector_store %arg6[%swap3A_1090, %swap3A_1091], %swap3A_1094 {strides = array<i32>} : memref<128x128xf32, #tpu.memory_space<vmem>>, vector<1x16xf32>,
        %get3A_1095 = arith.index_cast %add3A_1024 : i32 to index
        %get3A_1096 = arith.constant 112 : index
        %get3A_1097 = tpu.vector_load %arg6[%get3A_1095, %get3A_1096] {strides = array<i32>} : memref<128x128xf32, #tpu.memory_space<vmem>>, vector<1x16xf32>,
        %get3A_1098 = vector.shape_cast %get3A_1097 : vector<1x16xf32> to vector<16xf32>
        %mul3A_1099 = arith.mulf %get3A_1098, %gather3A_1020 : vector<16xf32>
        %swap3A_1100 = arith.index_cast %add3A_1024 : i32 to index
        %swap3A_1101 = arith.constant 112 : index
        %swap3A_1102 = tpu.vector_load %arg6[%swap3A_1100, %swap3A_1101] {strides = array<i32>} : memref<128x128xf32, #tpu.memory_space<vmem>>, vector<1x16xf32>,
        %swap3A_1103 = vector.shape_cast %swap3A_1102 : vector<1x16xf32> to vector<16xf32>
        %swap3A_1104 = vector.shape_cast %mul3A_1099 : vector<16xf32> to vector<1x16xf32>
        tpu.vector_store %arg6[%swap3A_1100, %swap3A_1101], %swap3A_1104 {strides = array<i32>} : memref<128x128xf32, #tpu.memory_space<vmem>>, vector<1x16xf32>,
        %broadcast_in_dim3A_1105 = arith.constant 11 : i32
        %broadcast_in_dim3A_1106 = vector.broadcast %broadcast_in_dim3A_1105 : i32 to vector<16x1xi32>
        %gather3A_1107 = vector.shape_cast %broadcast_in_dim3A_1106 : vector<16x1xi32> to vector<16xi32>
        %gather3A_1108 = tpu.dynamic_gather %bitcast_convert_type3A[%gather3A_1107] in [0] : vector<16xf32>, vector<16xi32> -> vector<16xf32>
        %mul3A_1109 = arith.constant 16 : i32
        %mul3A_1110 = arith.muli %scan3A_131, %mul3A_1109 : i32
        %add3A_1111 = arith.constant 11 : i32
        %add3A_1112 = arith.addi %mul3A_1110, %add3A_1111 : i32
        %get3A_1113 = arith.index_cast %add3A_1112 : i32 to index
        %get3A_1114 = arith.constant 0 : index
        %get3A_1115 = tpu.vector_load %arg6[%get3A_1113, %get3A_1114] {strides = array<i32>} : memref<128x128xf32, #tpu.memory_space<vmem>>, vector<1x16xf32>,
        %get3A_1116 = vector.shape_cast %get3A_1115 : vector<1x16xf32> to vector<16xf32>
        %mul3A_1117 = arith.mulf %get3A_1116, %gather3A_1108 : vector<16xf32>
        %swap3A_1118 = arith.index_cast %add3A_1112 : i32 to index
        %swap3A_1119 = arith.constant 0 : index
        %swap3A_1120 = tpu.vector_load %arg6[%swap3A_1118, %swap3A_1119] {strides = array<i32>} : memref<128x128xf32, #tpu.memory_space<vmem>>, vector<1x16xf32>,
        %swap3A_1121 = vector.shape_cast %swap3A_1120 : vector<1x16xf32> to vector<16xf32>
        %swap3A_1122 = vector.shape_cast %mul3A_1117 : vector<16xf32> to vector<1x16xf32>
        tpu.vector_store %arg6[%swap3A_1118, %swap3A_1119], %swap3A_1122 {strides = array<i32>} : memref<128x128xf32, #tpu.memory_space<vmem>>, vector<1x16xf32>,
        %get3A_1123 = arith.index_cast %add3A_1112 : i32 to index
        %get3A_1124 = arith.constant 16 : index
        %get3A_1125 = tpu.vector_load %arg6[%get3A_1123, %get3A_1124] {strides = array<i32>} : memref<128x128xf32, #tpu.memory_space<vmem>>, vector<1x16xf32>,
        %get3A_1126 = vector.shape_cast %get3A_1125 : vector<1x16xf32> to vector<16xf32>
        %mul3A_1127 = arith.mulf %get3A_1126, %gather3A_1108 : vector<16xf32>
        %swap3A_1128 = arith.index_cast %add3A_1112 : i32 to index
        %swap3A_1129 = arith.constant 16 : index
        %swap3A_1130 = tpu.vector_load %arg6[%swap3A_1128, %swap3A_1129] {strides = array<i32>} : memref<128x128xf32, #tpu.memory_space<vmem>>, vector<1x16xf32>,
        %swap3A_1131 = vector.shape_cast %swap3A_1130 : vector<1x16xf32> to vector<16xf32>
        %swap3A_1132 = vector.shape_cast %mul3A_1127 : vector<16xf32> to vector<1x16xf32>
        tpu.vector_store %arg6[%swap3A_1128, %swap3A_1129], %swap3A_1132 {strides = array<i32>} : memref<128x128xf32, #tpu.memory_space<vmem>>, vector<1x16xf32>,
        %get3A_1133 = arith.index_cast %add3A_1112 : i32 to index
        %get3A_1134 = arith.constant 32 : index
        %get3A_1135 = tpu.vector_load %arg6[%get3A_1133, %get3A_1134] {strides = array<i32>} : memref<128x128xf32, #tpu.memory_space<vmem>>, vector<1x16xf32>,
        %get3A_1136 = vector.shape_cast %get3A_1135 : vector<1x16xf32> to vector<16xf32>
        %mul3A_1137 = arith.mulf %get3A_1136, %gather3A_1108 : vector<16xf32>
        %swap3A_1138 = arith.index_cast %add3A_1112 : i32 to index
        %swap3A_1139 = arith.constant 32 : index
        %swap3A_1140 = tpu.vector_load %arg6[%swap3A_1138, %swap3A_1139] {strides = array<i32>} : memref<128x128xf32, #tpu.memory_space<vmem>>, vector<1x16xf32>,
        %swap3A_1141 = vector.shape_cast %swap3A_1140 : vector<1x16xf32> to vector<16xf32>
        %swap3A_1142 = vector.shape_cast %mul3A_1137 : vector<16xf32> to vector<1x16xf32>
        tpu.vector_store %arg6[%swap3A_1138, %swap3A_1139], %swap3A_1142 {strides = array<i32>} : memref<128x128xf32, #tpu.memory_space<vmem>>, vector<1x16xf32>,
        %get3A_1143 = arith.index_cast %add3A_1112 : i32 to index
        %get3A_1144 = arith.constant 48 : index
        %get3A_1145 = tpu.vector_load %arg6[%get3A_1143, %get3A_1144] {strides = array<i32>} : memref<128x128xf32, #tpu.memory_space<vmem>>, vector<1x16xf32>,
        %get3A_1146 = vector.shape_cast %get3A_1145 : vector<1x16xf32> to vector<16xf32>
        %mul3A_1147 = arith.mulf %get3A_1146, %gather3A_1108 : vector<16xf32>
        %swap3A_1148 = arith.index_cast %add3A_1112 : i32 to index
        %swap3A_1149 = arith.constant 48 : index
        %swap3A_1150 = tpu.vector_load %arg6[%swap3A_1148, %swap3A_1149] {strides = array<i32>} : memref<128x128xf32, #tpu.memory_space<vmem>>, vector<1x16xf32>,
        %swap3A_1151 = vector.shape_cast %swap3A_1150 : vector<1x16xf32> to vector<16xf32>
        %swap3A_1152 = vector.shape_cast %mul3A_1147 : vector<16xf32> to vector<1x16xf32>
        tpu.vector_store %arg6[%swap3A_1148, %swap3A_1149], %swap3A_1152 {strides = array<i32>} : memref<128x128xf32, #tpu.memory_space<vmem>>, vector<1x16xf32>,
        %get3A_1153 = arith.index_cast %add3A_1112 : i32 to index
        %get3A_1154 = arith.constant 64 : index
        %get3A_1155 = tpu.vector_load %arg6[%get3A_1153, %get3A_1154] {strides = array<i32>} : memref<128x128xf32, #tpu.memory_space<vmem>>, vector<1x16xf32>,
        %get3A_1156 = vector.shape_cast %get3A_1155 : vector<1x16xf32> to vector<16xf32>
        %mul3A_1157 = arith.mulf %get3A_1156, %gather3A_1108 : vector<16xf32>
        %swap3A_1158 = arith.index_cast %add3A_1112 : i32 to index
        %swap3A_1159 = arith.constant 64 : index
        %swap3A_1160 = tpu.vector_load %arg6[%swap3A_1158, %swap3A_1159] {strides = array<i32>} : memref<128x128xf32, #tpu.memory_space<vmem>>, vector<1x16xf32>,
        %swap3A_1161 = vector.shape_cast %swap3A_1160 : vector<1x16xf32> to vector<16xf32>
        %swap3A_1162 = vector.shape_cast %mul3A_1157 : vector<16xf32> to vector<1x16xf32>
        tpu.vector_store %arg6[%swap3A_1158, %swap3A_1159], %swap3A_1162 {strides = array<i32>} : memref<128x128xf32, #tpu.memory_space<vmem>>, vector<1x16xf32>,
        %get3A_1163 = arith.index_cast %add3A_1112 : i32 to index
        %get3A_1164 = arith.constant 80 : index
        %get3A_1165 = tpu.vector_load %arg6[%get3A_1163, %get3A_1164] {strides = array<i32>} : memref<128x128xf32, #tpu.memory_space<vmem>>, vector<1x16xf32>,
        %get3A_1166 = vector.shape_cast %get3A_1165 : vector<1x16xf32> to vector<16xf32>
        %mul3A_1167 = arith.mulf %get3A_1166, %gather3A_1108 : vector<16xf32>
        %swap3A_1168 = arith.index_cast %add3A_1112 : i32 to index
        %swap3A_1169 = arith.constant 80 : index
        %swap3A_1170 = tpu.vector_load %arg6[%swap3A_1168, %swap3A_1169] {strides = array<i32>} : memref<128x128xf32, #tpu.memory_space<vmem>>, vector<1x16xf32>,
        %swap3A_1171 = vector.shape_cast %swap3A_1170 : vector<1x16xf32> to vector<16xf32>
        %swap3A_1172 = vector.shape_cast %mul3A_1167 : vector<16xf32> to vector<1x16xf32>
        tpu.vector_store %arg6[%swap3A_1168, %swap3A_1169], %swap3A_1172 {strides = array<i32>} : memref<128x128xf32, #tpu.memory_space<vmem>>, vector<1x16xf32>,
        %get3A_1173 = arith.index_cast %add3A_1112 : i32 to index
        %get3A_1174 = arith.constant 96 : index
        %get3A_1175 = tpu.vector_load %arg6[%get3A_1173, %get3A_1174] {strides = array<i32>} : memref<128x128xf32, #tpu.memory_space<vmem>>, vector<1x16xf32>,
        %get3A_1176 = vector.shape_cast %get3A_1175 : vector<1x16xf32> to vector<16xf32>
        %mul3A_1177 = arith.mulf %get3A_1176, %gather3A_1108 : vector<16xf32>
        %swap3A_1178 = arith.index_cast %add3A_1112 : i32 to index
        %swap3A_1179 = arith.constant 96 : index
        %swap3A_1180 = tpu.vector_load %arg6[%swap3A_1178, %swap3A_1179] {strides = array<i32>} : memref<128x128xf32, #tpu.memory_space<vmem>>, vector<1x16xf32>,
        %swap3A_1181 = vector.shape_cast %swap3A_1180 : vector<1x16xf32> to vector<16xf32>
        %swap3A_1182 = vector.shape_cast %mul3A_1177 : vector<16xf32> to vector<1x16xf32>
        tpu.vector_store %arg6[%swap3A_1178, %swap3A_1179], %swap3A_1182 {strides = array<i32>} : memref<128x128xf32, #tpu.memory_space<vmem>>, vector<1x16xf32>,
        %get3A_1183 = arith.index_cast %add3A_1112 : i32 to index
        %get3A_1184 = arith.constant 112 : index
        %get3A_1185 = tpu.vector_load %arg6[%get3A_1183, %get3A_1184] {strides = array<i32>} : memref<128x128xf32, #tpu.memory_space<vmem>>, vector<1x16xf32>,
        %get3A_1186 = vector.shape_cast %get3A_1185 : vector<1x16xf32> to vector<16xf32>
        %mul3A_1187 = arith.mulf %get3A_1186, %gather3A_1108 : vector<16xf32>
        %swap3A_1188 = arith.index_cast %add3A_1112 : i32 to index
        %swap3A_1189 = arith.constant 112 : index
        %swap3A_1190 = tpu.vector_load %arg6[%swap3A_1188, %swap3A_1189] {strides = array<i32>} : memref<128x128xf32, #tpu.memory_space<vmem>>, vector<1x16xf32>,
        %swap3A_1191 = vector.shape_cast %swap3A_1190 : vector<1x16xf32> to vector<16xf32>
        %swap3A_1192 = vector.shape_cast %mul3A_1187 : vector<16xf32> to vector<1x16xf32>
        tpu.vector_store %arg6[%swap3A_1188, %swap3A_1189], %swap3A_1192 {strides = array<i32>} : memref<128x128xf32, #tpu.memory_space<vmem>>, vector<1x16xf32>,
        %broadcast_in_dim3A_1193 = arith.constant 12 : i32
        %broadcast_in_dim3A_1194 = vector.broadcast %broadcast_in_dim3A_1193 : i32 to vector<16x1xi32>
        %gather3A_1195 = vector.shape_cast %broadcast_in_dim3A_1194 : vector<16x1xi32> to vector<16xi32>
        %gather3A_1196 = tpu.dynamic_gather %bitcast_convert_type3A[%gather3A_1195] in [0] : vector<16xf32>, vector<16xi32> -> vector<16xf32>
        %mul3A_1197 = arith.constant 16 : i32
        %mul3A_1198 = arith.muli %scan3A_131, %mul3A_1197 : i32
        %add3A_1199 = arith.constant 12 : i32
        %add3A_1200 = arith.addi %mul3A_1198, %add3A_1199 : i32
        %get3A_1201 = arith.index_cast %add3A_1200 : i32 to index
        %get3A_1202 = arith.constant 0 : index
        %get3A_1203 = tpu.vector_load %arg6[%get3A_1201, %get3A_1202] {strides = array<i32>} : memref<128x128xf32, #tpu.memory_space<vmem>>, vector<1x16xf32>,
        %get3A_1204 = vector.shape_cast %get3A_1203 : vector<1x16xf32> to vector<16xf32>
        %mul3A_1205 = arith.mulf %get3A_1204, %gather3A_1196 : vector<16xf32>
        %swap3A_1206 = arith.index_cast %add3A_1200 : i32 to index
        %swap3A_1207 = arith.constant 0 : index
        %swap3A_1208 = tpu.vector_load %arg6[%swap3A_1206, %swap3A_1207] {strides = array<i32>} : memref<128x128xf32, #tpu.memory_space<vmem>>, vector<1x16xf32>,
        %swap3A_1209 = vector.shape_cast %swap3A_1208 : vector<1x16xf32> to vector<16xf32>
        %swap3A_1210 = vector.shape_cast %mul3A_1205 : vector<16xf32> to vector<1x16xf32>
        tpu.vector_store %arg6[%swap3A_1206, %swap3A_1207], %swap3A_1210 {strides = array<i32>} : memref<128x128xf32, #tpu.memory_space<vmem>>, vector<1x16xf32>,
        %get3A_1211 = arith.index_cast %add3A_1200 : i32 to index
        %get3A_1212 = arith.constant 16 : index
        %get3A_1213 = tpu.vector_load %arg6[%get3A_1211, %get3A_1212] {strides = array<i32>} : memref<128x128xf32, #tpu.memory_space<vmem>>, vector<1x16xf32>,
        %get3A_1214 = vector.shape_cast %get3A_1213 : vector<1x16xf32> to vector<16xf32>
        %mul3A_1215 = arith.mulf %get3A_1214, %gather3A_1196 : vector<16xf32>
        %swap3A_1216 = arith.index_cast %add3A_1200 : i32 to index
        %swap3A_1217 = arith.constant 16 : index
        %swap3A_1218 = tpu.vector_load %arg6[%swap3A_1216, %swap3A_1217] {strides = array<i32>} : memref<128x128xf32, #tpu.memory_space<vmem>>, vector<1x16xf32>,
        %swap3A_1219 = vector.shape_cast %swap3A_1218 : vector<1x16xf32> to vector<16xf32>
        %swap3A_1220 = vector.shape_cast %mul3A_1215 : vector<16xf32> to vector<1x16xf32>
        tpu.vector_store %arg6[%swap3A_1216, %swap3A_1217], %swap3A_1220 {strides = array<i32>} : memref<128x128xf32, #tpu.memory_space<vmem>>, vector<1x16xf32>,
        %get3A_1221 = arith.index_cast %add3A_1200 : i32 to index
        %get3A_1222 = arith.constant 32 : index
        %get3A_1223 = tpu.vector_load %arg6[%get3A_1221, %get3A_1222] {strides = array<i32>} : memref<128x128xf32, #tpu.memory_space<vmem>>, vector<1x16xf32>,
        %get3A_1224 = vector.shape_cast %get3A_1223 : vector<1x16xf32> to vector<16xf32>
        %mul3A_1225 = arith.mulf %get3A_1224, %gather3A_1196 : vector<16xf32>
        %swap3A_1226 = arith.index_cast %add3A_1200 : i32 to index
        %swap3A_1227 = arith.constant 32 : index
        %swap3A_1228 = tpu.vector_load %arg6[%swap3A_1226, %swap3A_1227] {strides = array<i32>} : memref<128x128xf32, #tpu.memory_space<vmem>>, vector<1x16xf32>,
        %swap3A_1229 = vector.shape_cast %swap3A_1228 : vector<1x16xf32> to vector<16xf32>
        %swap3A_1230 = vector.shape_cast %mul3A_1225 : vector<16xf32> to vector<1x16xf32>
        tpu.vector_store %arg6[%swap3A_1226, %swap3A_1227], %swap3A_1230 {strides = array<i32>} : memref<128x128xf32, #tpu.memory_space<vmem>>, vector<1x16xf32>,
        %get3A_1231 = arith.index_cast %add3A_1200 : i32 to index
        %get3A_1232 = arith.constant 48 : index
        %get3A_1233 = tpu.vector_load %arg6[%get3A_1231, %get3A_1232] {strides = array<i32>} : memref<128x128xf32, #tpu.memory_space<vmem>>, vector<1x16xf32>,
        %get3A_1234 = vector.shape_cast %get3A_1233 : vector<1x16xf32> to vector<16xf32>
        %mul3A_1235 = arith.mulf %get3A_1234, %gather3A_1196 : vector<16xf32>
        %swap3A_1236 = arith.index_cast %add3A_1200 : i32 to index
        %swap3A_1237 = arith.constant 48 : index
        %swap3A_1238 = tpu.vector_load %arg6[%swap3A_1236, %swap3A_1237] {strides = array<i32>} : memref<128x128xf32, #tpu.memory_space<vmem>>, vector<1x16xf32>,
        %swap3A_1239 = vector.shape_cast %swap3A_1238 : vector<1x16xf32> to vector<16xf32>
        %swap3A_1240 = vector.shape_cast %mul3A_1235 : vector<16xf32> to vector<1x16xf32>
        tpu.vector_store %arg6[%swap3A_1236, %swap3A_1237], %swap3A_1240 {strides = array<i32>} : memref<128x128xf32, #tpu.memory_space<vmem>>, vector<1x16xf32>,
        %get3A_1241 = arith.index_cast %add3A_1200 : i32 to index
        %get3A_1242 = arith.constant 64 : index
        %get3A_1243 = tpu.vector_load %arg6[%get3A_1241, %get3A_1242] {strides = array<i32>} : memref<128x128xf32, #tpu.memory_space<vmem>>, vector<1x16xf32>,
        %get3A_1244 = vector.shape_cast %get3A_1243 : vector<1x16xf32> to vector<16xf32>
        %mul3A_1245 = arith.mulf %get3A_1244, %gather3A_1196 : vector<16xf32>
        %swap3A_1246 = arith.index_cast %add3A_1200 : i32 to index
        %swap3A_1247 = arith.constant 64 : index
        %swap3A_1248 = tpu.vector_load %arg6[%swap3A_1246, %swap3A_1247] {strides = array<i32>} : memref<128x128xf32, #tpu.memory_space<vmem>>, vector<1x16xf32>,
        %swap3A_1249 = vector.shape_cast %swap3A_1248 : vector<1x16xf32> to vector<16xf32>
        %swap3A_1250 = vector.shape_cast %mul3A_1245 : vector<16xf32> to vector<1x16xf32>
        tpu.vector_store %arg6[%swap3A_1246, %swap3A_1247], %swap3A_1250 {strides = array<i32>} : memref<128x128xf32, #tpu.memory_space<vmem>>, vector<1x16xf32>,
        %get3A_1251 = arith.index_cast %add3A_1200 : i32 to index
        %get3A_1252 = arith.constant 80 : index
        %get3A_1253 = tpu.vector_load %arg6[%get3A_1251, %get3A_1252] {strides = array<i32>} : memref<128x128xf32, #tpu.memory_space<vmem>>, vector<1x16xf32>,
        %get3A_1254 = vector.shape_cast %get3A_1253 : vector<1x16xf32> to vector<16xf32>
        %mul3A_1255 = arith.mulf %get3A_1254, %gather3A_1196 : vector<16xf32>
        %swap3A_1256 = arith.index_cast %add3A_1200 : i32 to index
        %swap3A_1257 = arith.constant 80 : index
        %swap3A_1258 = tpu.vector_load %arg6[%swap3A_1256, %swap3A_1257] {strides = array<i32>} : memref<128x128xf32, #tpu.memory_space<vmem>>, vector<1x16xf32>,
        %swap3A_1259 = vector.shape_cast %swap3A_1258 : vector<1x16xf32> to vector<16xf32>
        %swap3A_1260 = vector.shape_cast %mul3A_1255 : vector<16xf32> to vector<1x16xf32>
        tpu.vector_store %arg6[%swap3A_1256, %swap3A_1257], %swap3A_1260 {strides = array<i32>} : memref<128x128xf32, #tpu.memory_space<vmem>>, vector<1x16xf32>,
        %get3A_1261 = arith.index_cast %add3A_1200 : i32 to index
        %get3A_1262 = arith.constant 96 : index
        %get3A_1263 = tpu.vector_load %arg6[%get3A_1261, %get3A_1262] {strides = array<i32>} : memref<128x128xf32, #tpu.memory_space<vmem>>, vector<1x16xf32>,
        %get3A_1264 = vector.shape_cast %get3A_1263 : vector<1x16xf32> to vector<16xf32>
        %mul3A_1265 = arith.mulf %get3A_1264, %gather3A_1196 : vector<16xf32>
        %swap3A_1266 = arith.index_cast %add3A_1200 : i32 to index
        %swap3A_1267 = arith.constant 96 : index
        %swap3A_1268 = tpu.vector_load %arg6[%swap3A_1266, %swap3A_1267] {strides = array<i32>} : memref<128x128xf32, #tpu.memory_space<vmem>>, vector<1x16xf32>,
        %swap3A_1269 = vector.shape_cast %swap3A_1268 : vector<1x16xf32> to vector<16xf32>
        %swap3A_1270 = vector.shape_cast %mul3A_1265 : vector<16xf32> to vector<1x16xf32>
        tpu.vector_store %arg6[%swap3A_1266, %swap3A_1267], %swap3A_1270 {strides = array<i32>} : memref<128x128xf32, #tpu.memory_space<vmem>>, vector<1x16xf32>,
        %get3A_1271 = arith.index_cast %add3A_1200 : i32 to index
        %get3A_1272 = arith.constant 112 : index
        %get3A_1273 = tpu.vector_load %arg6[%get3A_1271, %get3A_1272] {strides = array<i32>} : memref<128x128xf32, #tpu.memory_space<vmem>>, vector<1x16xf32>,
        %get3A_1274 = vector.shape_cast %get3A_1273 : vector<1x16xf32> to vector<16xf32>
        %mul3A_1275 = arith.mulf %get3A_1274, %gather3A_1196 : vector<16xf32>
        %swap3A_1276 = arith.index_cast %add3A_1200 : i32 to index
        %swap3A_1277 = arith.constant 112 : index
        %swap3A_1278 = tpu.vector_load %arg6[%swap3A_1276, %swap3A_1277] {strides = array<i32>} : memref<128x128xf32, #tpu.memory_space<vmem>>, vector<1x16xf32>,
        %swap3A_1279 = vector.shape_cast %swap3A_1278 : vector<1x16xf32> to vector<16xf32>
        %swap3A_1280 = vector.shape_cast %mul3A_1275 : vector<16xf32> to vector<1x16xf32>
        tpu.vector_store %arg6[%swap3A_1276, %swap3A_1277], %swap3A_1280 {strides = array<i32>} : memref<128x128xf32, #tpu.memory_space<vmem>>, vector<1x16xf32>,
        %broadcast_in_dim3A_1281 = arith.constant 13 : i32
        %broadcast_in_dim3A_1282 = vector.broadcast %broadcast_in_dim3A_1281 : i32 to vector<16x1xi32>
        %gather3A_1283 = vector.shape_cast %broadcast_in_dim3A_1282 : vector<16x1xi32> to vector<16xi32>
        %gather3A_1284 = tpu.dynamic_gather %bitcast_convert_type3A[%gather3A_1283] in [0] : vector<16xf32>, vector<16xi32> -> vector<16xf32>
        %mul3A_1285 = arith.constant 16 : i32
        %mul3A_1286 = arith.muli %scan3A_131, %mul3A_1285 : i32
        %add3A_1287 = arith.constant 13 : i32
        %add3A_1288 = arith.addi %mul3A_1286, %add3A_1287 : i32
        %get3A_1289 = arith.index_cast %add3A_1288 : i32 to index
        %get3A_1290 = arith.constant 0 : index
        %get3A_1291 = tpu.vector_load %arg6[%get3A_1289, %get3A_1290] {strides = array<i32>} : memref<128x128xf32, #tpu.memory_space<vmem>>, vector<1x16xf32>,
        %get3A_1292 = vector.shape_cast %get3A_1291 : vector<1x16xf32> to vector<16xf32>
        %mul3A_1293 = arith.mulf %get3A_1292, %gather3A_1284 : vector<16xf32>
        %swap3A_1294 = arith.index_cast %add3A_1288 : i32 to index
        %swap3A_1295 = arith.constant 0 : index
        %swap3A_1296 = tpu.vector_load %arg6[%swap3A_1294, %swap3A_1295] {strides = array<i32>} : memref<128x128xf32, #tpu.memory_space<vmem>>, vector<1x16xf32>,
        %swap3A_1297 = vector.shape_cast %swap3A_1296 : vector<1x16xf32> to vector<16xf32>
        %swap3A_1298 = vector.shape_cast %mul3A_1293 : vector<16xf32> to vector<1x16xf32>
        tpu.vector_store %arg6[%swap3A_1294, %swap3A_1295], %swap3A_1298 {strides = array<i32>} : memref<128x128xf32, #tpu.memory_space<vmem>>, vector<1x16xf32>,
        %get3A_1299 = arith.index_cast %add3A_1288 : i32 to index
        %get3A_1300 = arith.constant 16 : index
        %get3A_1301 = tpu.vector_load %arg6[%get3A_1299, %get3A_1300] {strides = array<i32>} : memref<128x128xf32, #tpu.memory_space<vmem>>, vector<1x16xf32>,
        %get3A_1302 = vector.shape_cast %get3A_1301 : vector<1x16xf32> to vector<16xf32>
        %mul3A_1303 = arith.mulf %get3A_1302, %gather3A_1284 : vector<16xf32>
        %swap3A_1304 = arith.index_cast %add3A_1288 : i32 to index
        %swap3A_1305 = arith.constant 16 : index
        %swap3A_1306 = tpu.vector_load %arg6[%swap3A_1304, %swap3A_1305] {strides = array<i32>} : memref<128x128xf32, #tpu.memory_space<vmem>>, vector<1x16xf32>,
        %swap3A_1307 = vector.shape_cast %swap3A_1306 : vector<1x16xf32> to vector<16xf32>
        %swap3A_1308 = vector.shape_cast %mul3A_1303 : vector<16xf32> to vector<1x16xf32>
        tpu.vector_store %arg6[%swap3A_1304, %swap3A_1305], %swap3A_1308 {strides = array<i32>} : memref<128x128xf32, #tpu.memory_space<vmem>>, vector<1x16xf32>,
        %get3A_1309 = arith.index_cast %add3A_1288 : i32 to index
        %get3A_1310 = arith.constant 32 : index
        %get3A_1311 = tpu.vector_load %arg6[%get3A_1309, %get3A_1310] {strides = array<i32>} : memref<128x128xf32, #tpu.memory_space<vmem>>, vector<1x16xf32>,
        %get3A_1312 = vector.shape_cast %get3A_1311 : vector<1x16xf32> to vector<16xf32>
        %mul3A_1313 = arith.mulf %get3A_1312, %gather3A_1284 : vector<16xf32>
        %swap3A_1314 = arith.index_cast %add3A_1288 : i32 to index
        %swap3A_1315 = arith.constant 32 : index
        %swap3A_1316 = tpu.vector_load %arg6[%swap3A_1314, %swap3A_1315] {strides = array<i32>} : memref<128x128xf32, #tpu.memory_space<vmem>>, vector<1x16xf32>,
        %swap3A_1317 = vector.shape_cast %swap3A_1316 : vector<1x16xf32> to vector<16xf32>
        %swap3A_1318 = vector.shape_cast %mul3A_1313 : vector<16xf32> to vector<1x16xf32>
        tpu.vector_store %arg6[%swap3A_1314, %swap3A_1315], %swap3A_1318 {strides = array<i32>} : memref<128x128xf32, #tpu.memory_space<vmem>>, vector<1x16xf32>,
        %get3A_1319 = arith.index_cast %add3A_1288 : i32 to index
        %get3A_1320 = arith.constant 48 : index
        %get3A_1321 = tpu.vector_load %arg6[%get3A_1319, %get3A_1320] {strides = array<i32>} : memref<128x128xf32, #tpu.memory_space<vmem>>, vector<1x16xf32>,
        %get3A_1322 = vector.shape_cast %get3A_1321 : vector<1x16xf32> to vector<16xf32>
        %mul3A_1323 = arith.mulf %get3A_1322, %gather3A_1284 : vector<16xf32>
        %swap3A_1324 = arith.index_cast %add3A_1288 : i32 to index
        %swap3A_1325 = arith.constant 48 : index
        %swap3A_1326 = tpu.vector_load %arg6[%swap3A_1324, %swap3A_1325] {strides = array<i32>} : memref<128x128xf32, #tpu.memory_space<vmem>>, vector<1x16xf32>,
        %swap3A_1327 = vector.shape_cast %swap3A_1326 : vector<1x16xf32> to vector<16xf32>
        %swap3A_1328 = vector.shape_cast %mul3A_1323 : vector<16xf32> to vector<1x16xf32>
        tpu.vector_store %arg6[%swap3A_1324, %swap3A_1325], %swap3A_1328 {strides = array<i32>} : memref<128x128xf32, #tpu.memory_space<vmem>>, vector<1x16xf32>,
        %get3A_1329 = arith.index_cast %add3A_1288 : i32 to index
        %get3A_1330 = arith.constant 64 : index
        %get3A_1331 = tpu.vector_load %arg6[%get3A_1329, %get3A_1330] {strides = array<i32>} : memref<128x128xf32, #tpu.memory_space<vmem>>, vector<1x16xf32>,
        %get3A_1332 = vector.shape_cast %get3A_1331 : vector<1x16xf32> to vector<16xf32>
        %mul3A_1333 = arith.mulf %get3A_1332, %gather3A_1284 : vector<16xf32>
        %swap3A_1334 = arith.index_cast %add3A_1288 : i32 to index
        %swap3A_1335 = arith.constant 64 : index
        %swap3A_1336 = tpu.vector_load %arg6[%swap3A_1334, %swap3A_1335] {strides = array<i32>} : memref<128x128xf32, #tpu.memory_space<vmem>>, vector<1x16xf32>,
        %swap3A_1337 = vector.shape_cast %swap3A_1336 : vector<1x16xf32> to vector<16xf32>
        %swap3A_1338 = vector.shape_cast %mul3A_1333 : vector<16xf32> to vector<1x16xf32>
        tpu.vector_store %arg6[%swap3A_1334, %swap3A_1335], %swap3A_1338 {strides = array<i32>} : memref<128x128xf32, #tpu.memory_space<vmem>>, vector<1x16xf32>,
        %get3A_1339 = arith.index_cast %add3A_1288 : i32 to index
        %get3A_1340 = arith.constant 80 : index
        %get3A_1341 = tpu.vector_load %arg6[%get3A_1339, %get3A_1340] {strides = array<i32>} : memref<128x128xf32, #tpu.memory_space<vmem>>, vector<1x16xf32>,
        %get3A_1342 = vector.shape_cast %get3A_1341 : vector<1x16xf32> to vector<16xf32>
        %mul3A_1343 = arith.mulf %get3A_1342, %gather3A_1284 : vector<16xf32>
        %swap3A_1344 = arith.index_cast %add3A_1288 : i32 to index
        %swap3A_1345 = arith.constant 80 : index
        %swap3A_1346 = tpu.vector_load %arg6[%swap3A_1344, %swap3A_1345] {strides = array<i32>} : memref<128x128xf32, #tpu.memory_space<vmem>>, vector<1x16xf32>,
        %swap3A_1347 = vector.shape_cast %swap3A_1346 : vector<1x16xf32> to vector<16xf32>
        %swap3A_1348 = vector.shape_cast %mul3A_1343 : vector<16xf32> to vector<1x16xf32>
        tpu.vector_store %arg6[%swap3A_1344, %swap3A_1345], %swap3A_1348 {strides = array<i32>} : memref<128x128xf32, #tpu.memory_space<vmem>>, vector<1x16xf32>,
        %get3A_1349 = arith.index_cast %add3A_1288 : i32 to index
        %get3A_1350 = arith.constant 96 : index
        %get3A_1351 = tpu.vector_load %arg6[%get3A_1349, %get3A_1350] {strides = array<i32>} : memref<128x128xf32, #tpu.memory_space<vmem>>, vector<1x16xf32>,
        %get3A_1352 = vector.shape_cast %get3A_1351 : vector<1x16xf32> to vector<16xf32>
        %mul3A_1353 = arith.mulf %get3A_1352, %gather3A_1284 : vector<16xf32>
        %swap3A_1354 = arith.index_cast %add3A_1288 : i32 to index
        %swap3A_1355 = arith.constant 96 : index
        %swap3A_1356 = tpu.vector_load %arg6[%swap3A_1354, %swap3A_1355] {strides = array<i32>} : memref<128x128xf32, #tpu.memory_space<vmem>>, vector<1x16xf32>,
        %swap3A_1357 = vector.shape_cast %swap3A_1356 : vector<1x16xf32> to vector<16xf32>
        %swap3A_1358 = vector.shape_cast %mul3A_1353 : vector<16xf32> to vector<1x16xf32>
        tpu.vector_store %arg6[%swap3A_1354, %swap3A_1355], %swap3A_1358 {strides = array<i32>} : memref<128x128xf32, #tpu.memory_space<vmem>>, vector<1x16xf32>,
        %get3A_1359 = arith.index_cast %add3A_1288 : i32 to index
        %get3A_1360 = arith.constant 112 : index
        %get3A_1361 = tpu.vector_load %arg6[%get3A_1359, %get3A_1360] {strides = array<i32>} : memref<128x128xf32, #tpu.memory_space<vmem>>, vector<1x16xf32>,
        %get3A_1362 = vector.shape_cast %get3A_1361 : vector<1x16xf32> to vector<16xf32>
        %mul3A_1363 = arith.mulf %get3A_1362, %gather3A_1284 : vector<16xf32>
        %swap3A_1364 = arith.index_cast %add3A_1288 : i32 to index
        %swap3A_1365 = arith.constant 112 : index
        %swap3A_1366 = tpu.vector_load %arg6[%swap3A_1364, %swap3A_1365] {strides = array<i32>} : memref<128x128xf32, #tpu.memory_space<vmem>>, vector<1x16xf32>,
        %swap3A_1367 = vector.shape_cast %swap3A_1366 : vector<1x16xf32> to vector<16xf32>
        %swap3A_1368 = vector.shape_cast %mul3A_1363 : vector<16xf32> to vector<1x16xf32>
        tpu.vector_store %arg6[%swap3A_1364, %swap3A_1365], %swap3A_1368 {strides = array<i32>} : memref<128x128xf32, #tpu.memory_space<vmem>>, vector<1x16xf32>,
        %broadcast_in_dim3A_1369 = arith.constant 14 : i32
        %broadcast_in_dim3A_1370 = vector.broadcast %broadcast_in_dim3A_1369 : i32 to vector<16x1xi32>
        %gather3A_1371 = vector.shape_cast %broadcast_in_dim3A_1370 : vector<16x1xi32> to vector<16xi32>
        %gather3A_1372 = tpu.dynamic_gather %bitcast_convert_type3A[%gather3A_1371] in [0] : vector<16xf32>, vector<16xi32> -> vector<16xf32>
        %mul3A_1373 = arith.constant 16 : i32
        %mul3A_1374 = arith.muli %scan3A_131, %mul3A_1373 : i32
        %add3A_1375 = arith.constant 14 : i32
        %add3A_1376 = arith.addi %mul3A_1374, %add3A_1375 : i32
        %get3A_1377 = arith.index_cast %add3A_1376 : i32 to index
        %get3A_1378 = arith.constant 0 : index
        %get3A_1379 = tpu.vector_load %arg6[%get3A_1377, %get3A_1378] {strides = array<i32>} : memref<128x128xf32, #tpu.memory_space<vmem>>, vector<1x16xf32>,
        %get3A_1380 = vector.shape_cast %get3A_1379 : vector<1x16xf32> to vector<16xf32>
        %mul3A_1381 = arith.mulf %get3A_1380, %gather3A_1372 : vector<16xf32>
        %swap3A_1382 = arith.index_cast %add3A_1376 : i32 to index
        %swap3A_1383 = arith.constant 0 : index
        %swap3A_1384 = tpu.vector_load %arg6[%swap3A_1382, %swap3A_1383] {strides = array<i32>} : memref<128x128xf32, #tpu.memory_space<vmem>>, vector<1x16xf32>,
        %swap3A_1385 = vector.shape_cast %swap3A_1384 : vector<1x16xf32> to vector<16xf32>
        %swap3A_1386 = vector.shape_cast %mul3A_1381 : vector<16xf32> to vector<1x16xf32>
        tpu.vector_store %arg6[%swap3A_1382, %swap3A_1383], %swap3A_1386 {strides = array<i32>} : memref<128x128xf32, #tpu.memory_space<vmem>>, vector<1x16xf32>,
        %get3A_1387 = arith.index_cast %add3A_1376 : i32 to index
        %get3A_1388 = arith.constant 16 : index
        %get3A_1389 = tpu.vector_load %arg6[%get3A_1387, %get3A_1388] {strides = array<i32>} : memref<128x128xf32, #tpu.memory_space<vmem>>, vector<1x16xf32>,
        %get3A_1390 = vector.shape_cast %get3A_1389 : vector<1x16xf32> to vector<16xf32>
        %mul3A_1391 = arith.mulf %get3A_1390, %gather3A_1372 : vector<16xf32>
        %swap3A_1392 = arith.index_cast %add3A_1376 : i32 to index
        %swap3A_1393 = arith.constant 16 : index
        %swap3A_1394 = tpu.vector_load %arg6[%swap3A_1392, %swap3A_1393] {strides = array<i32>} : memref<128x128xf32, #tpu.memory_space<vmem>>, vector<1x16xf32>,
        %swap3A_1395 = vector.shape_cast %swap3A_1394 : vector<1x16xf32> to vector<16xf32>
        %swap3A_1396 = vector.shape_cast %mul3A_1391 : vector<16xf32> to vector<1x16xf32>
        tpu.vector_store %arg6[%swap3A_1392, %swap3A_1393], %swap3A_1396 {strides = array<i32>} : memref<128x128xf32, #tpu.memory_space<vmem>>, vector<1x16xf32>,
        %get3A_1397 = arith.index_cast %add3A_1376 : i32 to index
        %get3A_1398 = arith.constant 32 : index
        %get3A_1399 = tpu.vector_load %arg6[%get3A_1397, %get3A_1398] {strides = array<i32>} : memref<128x128xf32, #tpu.memory_space<vmem>>, vector<1x16xf32>,
        %get3A_1400 = vector.shape_cast %get3A_1399 : vector<1x16xf32> to vector<16xf32>
        %mul3A_1401 = arith.mulf %get3A_1400, %gather3A_1372 : vector<16xf32>
        %swap3A_1402 = arith.index_cast %add3A_1376 : i32 to index
        %swap3A_1403 = arith.constant 32 : index
        %swap3A_1404 = tpu.vector_load %arg6[%swap3A_1402, %swap3A_1403] {strides = array<i32>} : memref<128x128xf32, #tpu.memory_space<vmem>>, vector<1x16xf32>,
        %swap3A_1405 = vector.shape_cast %swap3A_1404 : vector<1x16xf32> to vector<16xf32>
        %swap3A_1406 = vector.shape_cast %mul3A_1401 : vector<16xf32> to vector<1x16xf32>
        tpu.vector_store %arg6[%swap3A_1402, %swap3A_1403], %swap3A_1406 {strides = array<i32>} : memref<128x128xf32, #tpu.memory_space<vmem>>, vector<1x16xf32>,
        %get3A_1407 = arith.index_cast %add3A_1376 : i32 to index
        %get3A_1408 = arith.constant 48 : index
        %get3A_1409 = tpu.vector_load %arg6[%get3A_1407, %get3A_1408] {strides = array<i32>} : memref<128x128xf32, #tpu.memory_space<vmem>>, vector<1x16xf32>,
        %get3A_1410 = vector.shape_cast %get3A_1409 : vector<1x16xf32> to vector<16xf32>
        %mul3A_1411 = arith.mulf %get3A_1410, %gather3A_1372 : vector<16xf32>
        %swap3A_1412 = arith.index_cast %add3A_1376 : i32 to index
        %swap3A_1413 = arith.constant 48 : index
        %swap3A_1414 = tpu.vector_load %arg6[%swap3A_1412, %swap3A_1413] {strides = array<i32>} : memref<128x128xf32, #tpu.memory_space<vmem>>, vector<1x16xf32>,
        %swap3A_1415 = vector.shape_cast %swap3A_1414 : vector<1x16xf32> to vector<16xf32>
        %swap3A_1416 = vector.shape_cast %mul3A_1411 : vector<16xf32> to vector<1x16xf32>
        tpu.vector_store %arg6[%swap3A_1412, %swap3A_1413], %swap3A_1416 {strides = array<i32>} : memref<128x128xf32, #tpu.memory_space<vmem>>, vector<1x16xf32>,
        %get3A_1417 = arith.index_cast %add3A_1376 : i32 to index
        %get3A_1418 = arith.constant 64 : index
        %get3A_1419 = tpu.vector_load %arg6[%get3A_1417, %get3A_1418] {strides = array<i32>} : memref<128x128xf32, #tpu.memory_space<vmem>>, vector<1x16xf32>,
        %get3A_1420 = vector.shape_cast %get3A_1419 : vector<1x16xf32> to vector<16xf32>
        %mul3A_1421 = arith.mulf %get3A_1420, %gather3A_1372 : vector<16xf32>
        %swap3A_1422 = arith.index_cast %add3A_1376 : i32 to index
        %swap3A_1423 = arith.constant 64 : index
        %swap3A_1424 = tpu.vector_load %arg6[%swap3A_1422, %swap3A_1423] {strides = array<i32>} : memref<128x128xf32, #tpu.memory_space<vmem>>, vector<1x16xf32>,
        %swap3A_1425 = vector.shape_cast %swap3A_1424 : vector<1x16xf32> to vector<16xf32>
        %swap3A_1426 = vector.shape_cast %mul3A_1421 : vector<16xf32> to vector<1x16xf32>
        tpu.vector_store %arg6[%swap3A_1422, %swap3A_1423], %swap3A_1426 {strides = array<i32>} : memref<128x128xf32, #tpu.memory_space<vmem>>, vector<1x16xf32>,
        %get3A_1427 = arith.index_cast %add3A_1376 : i32 to index
        %get3A_1428 = arith.constant 80 : index
        %get3A_1429 = tpu.vector_load %arg6[%get3A_1427, %get3A_1428] {strides = array<i32>} : memref<128x128xf32, #tpu.memory_space<vmem>>, vector<1x16xf32>,
        %get3A_1430 = vector.shape_cast %get3A_1429 : vector<1x16xf32> to vector<16xf32>
        %mul3A_1431 = arith.mulf %get3A_1430, %gather3A_1372 : vector<16xf32>
        %swap3A_1432 = arith.index_cast %add3A_1376 : i32 to index
        %swap3A_1433 = arith.constant 80 : index
        %swap3A_1434 = tpu.vector_load %arg6[%swap3A_1432, %swap3A_1433] {strides = array<i32>} : memref<128x128xf32, #tpu.memory_space<vmem>>, vector<1x16xf32>,
        %swap3A_1435 = vector.shape_cast %swap3A_1434 : vector<1x16xf32> to vector<16xf32>
        %swap3A_1436 = vector.shape_cast %mul3A_1431 : vector<16xf32> to vector<1x16xf32>
        tpu.vector_store %arg6[%swap3A_1432, %swap3A_1433], %swap3A_1436 {strides = array<i32>} : memref<128x128xf32, #tpu.memory_space<vmem>>, vector<1x16xf32>,
        %get3A_1437 = arith.index_cast %add3A_1376 : i32 to index
        %get3A_1438 = arith.constant 96 : index
        %get3A_1439 = tpu.vector_load %arg6[%get3A_1437, %get3A_1438] {strides = array<i32>} : memref<128x128xf32, #tpu.memory_space<vmem>>, vector<1x16xf32>,
        %get3A_1440 = vector.shape_cast %get3A_1439 : vector<1x16xf32> to vector<16xf32>
        %mul3A_1441 = arith.mulf %get3A_1440, %gather3A_1372 : vector<16xf32>
        %swap3A_1442 = arith.index_cast %add3A_1376 : i32 to index
        %swap3A_1443 = arith.constant 96 : index
        %swap3A_1444 = tpu.vector_load %arg6[%swap3A_1442, %swap3A_1443] {strides = array<i32>} : memref<128x128xf32, #tpu.memory_space<vmem>>, vector<1x16xf32>,
        %swap3A_1445 = vector.shape_cast %swap3A_1444 : vector<1x16xf32> to vector<16xf32>
        %swap3A_1446 = vector.shape_cast %mul3A_1441 : vector<16xf32> to vector<1x16xf32>
        tpu.vector_store %arg6[%swap3A_1442, %swap3A_1443], %swap3A_1446 {strides = array<i32>} : memref<128x128xf32, #tpu.memory_space<vmem>>, vector<1x16xf32>,
        %get3A_1447 = arith.index_cast %add3A_1376 : i32 to index
        %get3A_1448 = arith.constant 112 : index
        %get3A_1449 = tpu.vector_load %arg6[%get3A_1447, %get3A_1448] {strides = array<i32>} : memref<128x128xf32, #tpu.memory_space<vmem>>, vector<1x16xf32>,
        %get3A_1450 = vector.shape_cast %get3A_1449 : vector<1x16xf32> to vector<16xf32>
        %mul3A_1451 = arith.mulf %get3A_1450, %gather3A_1372 : vector<16xf32>
        %swap3A_1452 = arith.index_cast %add3A_1376 : i32 to index
        %swap3A_1453 = arith.constant 112 : index
        %swap3A_1454 = tpu.vector_load %arg6[%swap3A_1452, %swap3A_1453] {strides = array<i32>} : memref<128x128xf32, #tpu.memory_space<vmem>>, vector<1x16xf32>,
        %swap3A_1455 = vector.shape_cast %swap3A_1454 : vector<1x16xf32> to vector<16xf32>
        %swap3A_1456 = vector.shape_cast %mul3A_1451 : vector<16xf32> to vector<1x16xf32>
        tpu.vector_store %arg6[%swap3A_1452, %swap3A_1453], %swap3A_1456 {strides = array<i32>} : memref<128x128xf32, #tpu.memory_space<vmem>>, vector<1x16xf32>,
        %broadcast_in_dim3A_1457 = arith.constant 15 : i32
        %broadcast_in_dim3A_1458 = vector.broadcast %broadcast_in_dim3A_1457 : i32 to vector<16x1xi32>
        %gather3A_1459 = vector.shape_cast %broadcast_in_dim3A_1458 : vector<16x1xi32> to vector<16xi32>
        %gather3A_1460 = tpu.dynamic_gather %bitcast_convert_type3A[%gather3A_1459] in [0] : vector<16xf32>, vector<16xi32> -> vector<16xf32>
        %mul3A_1461 = arith.constant 16 : i32
        %mul3A_1462 = arith.muli %scan3A_131, %mul3A_1461 : i32
        %add3A_1463 = arith.constant 15 : i32
        %add3A_1464 = arith.addi %mul3A_1462, %add3A_1463 : i32
        %get3A_1465 = arith.index_cast %add3A_1464 : i32 to index
        %get3A_1466 = arith.constant 0 : index
        %get3A_1467 = tpu.vector_load %arg6[%get3A_1465, %get3A_1466] {strides = array<i32>} : memref<128x128xf32, #tpu.memory_space<vmem>>, vector<1x16xf32>,
        %get3A_1468 = vector.shape_cast %get3A_1467 : vector<1x16xf32> to vector<16xf32>
        %mul3A_1469 = arith.mulf %get3A_1468, %gather3A_1460 : vector<16xf32>
        %swap3A_1470 = arith.index_cast %add3A_1464 : i32 to index
        %swap3A_1471 = arith.constant 0 : index
        %swap3A_1472 = tpu.vector_load %arg6[%swap3A_1470, %swap3A_1471] {strides = array<i32>} : memref<128x128xf32, #tpu.memory_space<vmem>>, vector<1x16xf32>,
        %swap3A_1473 = vector.shape_cast %swap3A_1472 : vector<1x16xf32> to vector<16xf32>
        %swap3A_1474 = vector.shape_cast %mul3A_1469 : vector<16xf32> to vector<1x16xf32>
        tpu.vector_store %arg6[%swap3A_1470, %swap3A_1471], %swap3A_1474 {strides = array<i32>} : memref<128x128xf32, #tpu.memory_space<vmem>>, vector<1x16xf32>,
        %get3A_1475 = arith.index_cast %add3A_1464 : i32 to index
        %get3A_1476 = arith.constant 16 : index
        %get3A_1477 = tpu.vector_load %arg6[%get3A_1475, %get3A_1476] {strides = array<i32>} : memref<128x128xf32, #tpu.memory_space<vmem>>, vector<1x16xf32>,
        %get3A_1478 = vector.shape_cast %get3A_1477 : vector<1x16xf32> to vector<16xf32>
        %mul3A_1479 = arith.mulf %get3A_1478, %gather3A_1460 : vector<16xf32>
        %swap3A_1480 = arith.index_cast %add3A_1464 : i32 to index
        %swap3A_1481 = arith.constant 16 : index
        %swap3A_1482 = tpu.vector_load %arg6[%swap3A_1480, %swap3A_1481] {strides = array<i32>} : memref<128x128xf32, #tpu.memory_space<vmem>>, vector<1x16xf32>,
        %swap3A_1483 = vector.shape_cast %swap3A_1482 : vector<1x16xf32> to vector<16xf32>
        %swap3A_1484 = vector.shape_cast %mul3A_1479 : vector<16xf32> to vector<1x16xf32>
        tpu.vector_store %arg6[%swap3A_1480, %swap3A_1481], %swap3A_1484 {strides = array<i32>} : memref<128x128xf32, #tpu.memory_space<vmem>>, vector<1x16xf32>,
        %get3A_1485 = arith.index_cast %add3A_1464 : i32 to index
        %get3A_1486 = arith.constant 32 : index
        %get3A_1487 = tpu.vector_load %arg6[%get3A_1485, %get3A_1486] {strides = array<i32>} : memref<128x128xf32, #tpu.memory_space<vmem>>, vector<1x16xf32>,
        %get3A_1488 = vector.shape_cast %get3A_1487 : vector<1x16xf32> to vector<16xf32>
        %mul3A_1489 = arith.mulf %get3A_1488, %gather3A_1460 : vector<16xf32>
        %swap3A_1490 = arith.index_cast %add3A_1464 : i32 to index
        %swap3A_1491 = arith.constant 32 : index
        %swap3A_1492 = tpu.vector_load %arg6[%swap3A_1490, %swap3A_1491] {strides = array<i32>} : memref<128x128xf32, #tpu.memory_space<vmem>>, vector<1x16xf32>,
        %swap3A_1493 = vector.shape_cast %swap3A_1492 : vector<1x16xf32> to vector<16xf32>
        %swap3A_1494 = vector.shape_cast %mul3A_1489 : vector<16xf32> to vector<1x16xf32>
        tpu.vector_store %arg6[%swap3A_1490, %swap3A_1491], %swap3A_1494 {strides = array<i32>} : memref<128x128xf32, #tpu.memory_space<vmem>>, vector<1x16xf32>,
        %get3A_1495 = arith.index_cast %add3A_1464 : i32 to index
        %get3A_1496 = arith.constant 48 : index
        %get3A_1497 = tpu.vector_load %arg6[%get3A_1495, %get3A_1496] {strides = array<i32>} : memref<128x128xf32, #tpu.memory_space<vmem>>, vector<1x16xf32>,
        %get3A_1498 = vector.shape_cast %get3A_1497 : vector<1x16xf32> to vector<16xf32>
        %mul3A_1499 = arith.mulf %get3A_1498, %gather3A_1460 : vector<16xf32>
        %swap3A_1500 = arith.index_cast %add3A_1464 : i32 to index
        %swap3A_1501 = arith.constant 48 : index
        %swap3A_1502 = tpu.vector_load %arg6[%swap3A_1500, %swap3A_1501] {strides = array<i32>} : memref<128x128xf32, #tpu.memory_space<vmem>>, vector<1x16xf32>,
        %swap3A_1503 = vector.shape_cast %swap3A_1502 : vector<1x16xf32> to vector<16xf32>
        %swap3A_1504 = vector.shape_cast %mul3A_1499 : vector<16xf32> to vector<1x16xf32>
        tpu.vector_store %arg6[%swap3A_1500, %swap3A_1501], %swap3A_1504 {strides = array<i32>} : memref<128x128xf32, #tpu.memory_space<vmem>>, vector<1x16xf32>,
        %get3A_1505 = arith.index_cast %add3A_1464 : i32 to index
        %get3A_1506 = arith.constant 64 : index
        %get3A_1507 = tpu.vector_load %arg6[%get3A_1505, %get3A_1506] {strides = array<i32>} : memref<128x128xf32, #tpu.memory_space<vmem>>, vector<1x16xf32>,
        %get3A_1508 = vector.shape_cast %get3A_1507 : vector<1x16xf32> to vector<16xf32>
        %mul3A_1509 = arith.mulf %get3A_1508, %gather3A_1460 : vector<16xf32>
        %swap3A_1510 = arith.index_cast %add3A_1464 : i32 to index
        %swap3A_1511 = arith.constant 64 : index
        %swap3A_1512 = tpu.vector_load %arg6[%swap3A_1510, %swap3A_1511] {strides = array<i32>} : memref<128x128xf32, #tpu.memory_space<vmem>>, vector<1x16xf32>,
        %swap3A_1513 = vector.shape_cast %swap3A_1512 : vector<1x16xf32> to vector<16xf32>
        %swap3A_1514 = vector.shape_cast %mul3A_1509 : vector<16xf32> to vector<1x16xf32>
        tpu.vector_store %arg6[%swap3A_1510, %swap3A_1511], %swap3A_1514 {strides = array<i32>} : memref<128x128xf32, #tpu.memory_space<vmem>>, vector<1x16xf32>,
        %get3A_1515 = arith.index_cast %add3A_1464 : i32 to index
        %get3A_1516 = arith.constant 80 : index
        %get3A_1517 = tpu.vector_load %arg6[%get3A_1515, %get3A_1516] {strides = array<i32>} : memref<128x128xf32, #tpu.memory_space<vmem>>, vector<1x16xf32>,
        %get3A_1518 = vector.shape_cast %get3A_1517 : vector<1x16xf32> to vector<16xf32>
        %mul3A_1519 = arith.mulf %get3A_1518, %gather3A_1460 : vector<16xf32>
        %swap3A_1520 = arith.index_cast %add3A_1464 : i32 to index
        %swap3A_1521 = arith.constant 80 : index
        %swap3A_1522 = tpu.vector_load %arg6[%swap3A_1520, %swap3A_1521] {strides = array<i32>} : memref<128x128xf32, #tpu.memory_space<vmem>>, vector<1x16xf32>,
        %swap3A_1523 = vector.shape_cast %swap3A_1522 : vector<1x16xf32> to vector<16xf32>
        %swap3A_1524 = vector.shape_cast %mul3A_1519 : vector<16xf32> to vector<1x16xf32>
        tpu.vector_store %arg6[%swap3A_1520, %swap3A_1521], %swap3A_1524 {strides = array<i32>} : memref<128x128xf32, #tpu.memory_space<vmem>>, vector<1x16xf32>,
        %get3A_1525 = arith.index_cast %add3A_1464 : i32 to index
        %get3A_1526 = arith.constant 96 : index
        %get3A_1527 = tpu.vector_load %arg6[%get3A_1525, %get3A_1526] {strides = array<i32>} : memref<128x128xf32, #tpu.memory_space<vmem>>, vector<1x16xf32>,
        %get3A_1528 = vector.shape_cast %get3A_1527 : vector<1x16xf32> to vector<16xf32>
        %mul3A_1529 = arith.mulf %get3A_1528, %gather3A_1460 : vector<16xf32>
        %swap3A_1530 = arith.index_cast %add3A_1464 : i32 to index
        %swap3A_1531 = arith.constant 96 : index
        %swap3A_1532 = tpu.vector_load %arg6[%swap3A_1530, %swap3A_1531] {strides = array<i32>} : memref<128x128xf32, #tpu.memory_space<vmem>>, vector<1x16xf32>,
        %swap3A_1533 = vector.shape_cast %swap3A_1532 : vector<1x16xf32> to vector<16xf32>
        %swap3A_1534 = vector.shape_cast %mul3A_1529 : vector<16xf32> to vector<1x16xf32>
        tpu.vector_store %arg6[%swap3A_1530, %swap3A_1531], %swap3A_1534 {strides = array<i32>} : memref<128x128xf32, #tpu.memory_space<vmem>>, vector<1x16xf32>,
        %get3A_1535 = arith.index_cast %add3A_1464 : i32 to index
        %get3A_1536 = arith.constant 112 : index
        %get3A_1537 = tpu.vector_load %arg6[%get3A_1535, %get3A_1536] {strides = array<i32>} : memref<128x128xf32, #tpu.memory_space<vmem>>, vector<1x16xf32>,
        %get3A_1538 = vector.shape_cast %get3A_1537 : vector<1x16xf32> to vector<16xf32>
        %mul3A_1539 = arith.mulf %get3A_1538, %gather3A_1460 : vector<16xf32>
        %swap3A_1540 = arith.index_cast %add3A_1464 : i32 to index
        %swap3A_1541 = arith.constant 112 : index
        %swap3A_1542 = tpu.vector_load %arg6[%swap3A_1540, %swap3A_1541] {strides = array<i32>} : memref<128x128xf32, #tpu.memory_space<vmem>>, vector<1x16xf32>,
        %swap3A_1543 = vector.shape_cast %swap3A_1542 : vector<1x16xf32> to vector<16xf32>
        %swap3A_1544 = vector.shape_cast %mul3A_1539 : vector<16xf32> to vector<1x16xf32>
        tpu.vector_store %arg6[%swap3A_1540, %swap3A_1541], %swap3A_1544 {strides = array<i32>} : memref<128x128xf32, #tpu.memory_space<vmem>>, vector<1x16xf32>,
        %scan3A_1545 = arith.constant 0 : i32
        scf.yield %scan3A_1545 : i32
      }
      %scan3A_129 = arith.constant 8 : i32
      %run_scoped3A = arith.constant 1 : i32
      "tpu.region"() ({
        %run_scoped3A_131 = tpu.sem_alloc : memref<!tpu.dma_semaphore, #tpu.memory_space<semaphore_mem>>
        %dma_start3A_132 = arith.constant 0 : i32
        %dma_start3A_133 = tpu.memref_slice %arg5[%run_scoped3A, %dma_start3A_132] : memref<3x128xi32, #tpu.memory_space<vmem>> -> memref<1x128xi32, #tpu.memory_space<vmem>>
        %dma_start3A_134 = tpu.memref_squeeze %dma_start3A_133 : memref<1x128xi32, #tpu.memory_space<vmem>> -> memref<128xi32, #tpu.memory_space<vmem>>
        %dma_start3A_135 = arith.constant 0 : i32
        %dma_start3A_136 = arith.constant 0 : i32
        %dma_start3A_137 = tpu.memref_slice %arg7[%dma_start3A_135, %dma_start3A_136] : memref<10112x128xf32, #tpu.memory_space<vmem_shared>> -> memref<10112x128xf32, #tpu.memory_space<vmem_shared>>
        tpu.enqueue_indirect_dma source(%arg6 : memref<128x128xf32, #tpu.memory_space<vmem>>) target(%dma_start3A_137 : memref<10112x128xf32, #tpu.memory_space<vmem_shared>>) offsets(%dma_start3A_134 : memref<128xi32, #tpu.memory_space<vmem>>) semaphore(%run_scoped3A_131 : memref<!tpu.dma_semaphore, #tpu.memory_space<semaphore_mem>>) {add = true}
        %dma_wait3A_138 = arith.constant 0 : i32
        %dma_wait3A_139 = tpu.memref_slice %arg5[%run_scoped3A, %dma_wait3A_138] : memref<3x128xi32, #tpu.memory_space<vmem>> -> memref<1x128xi32, #tpu.memory_space<vmem>>
        %dma_wait3A_140 = tpu.memref_squeeze %dma_wait3A_139 : memref<1x128xi32, #tpu.memory_space<vmem>> -> memref<128xi32, #tpu.memory_space<vmem>>
        %dma_wait3A_141 = arith.constant 0 : i32
        %dma_wait3A_142 = arith.constant 0 : i32
        %dma_wait3A_143 = tpu.memref_slice %arg7[%dma_wait3A_141, %dma_wait3A_142] : memref<10112x128xf32, #tpu.memory_space<vmem_shared>> -> memref<10112x128xf32, #tpu.memory_space<vmem_shared>>
        tpu.wait_indirect_dma semaphore(%run_scoped3A_131 : memref<!tpu.dma_semaphore, #tpu.memory_space<semaphore_mem>>) src(%arg6 : memref<128x128xf32, #tpu.memory_space<vmem>>) dst(%dma_wait3A_143 : memref<10112x128xf32, #tpu.memory_space<vmem_shared>>)
        tpu.yield
      }) : () -> ()
      %scan3A_130 = arith.constant 0 : i32
      scf.yield %scan3A_130 : i32
    }
    %scan3A_36 = arith.constant 79 : i32
    %barrier3A_37 = arith.constant 0 : index
    tpu.barrier barrier_id(%barrier3A_37)
    %mul3A_38 = arith.constant 632 : i32
    %mul3A_39 = arith.muli %arg1, %mul3A_38 : i32
    %mul3A_40 = arith.constant 632 : i32
    %mul3A_41 = arith.muli %arg1, %mul3A_40 : i32
    "tpu.region"() ({
      %run_scoped3A = tpu.sem_alloc : memref<!tpu.dma_semaphore, #tpu.memory_space<semaphore_mem>>
      %dma_start3A = arith.constant 0 : i32
      %dma_start3A_42 = tpu.memref_slice %arg4[%arg0, %mul3A_41, %dma_start3A] : memref<2x10112x128xf32, #tpu.memory_space<hbm>> -> memref<1x632x128xf32, #tpu.memory_space<hbm>>
      %dma_start3A_43 = tpu.memref_squeeze %dma_start3A_42 : memref<1x632x128xf32, #tpu.memory_space<hbm>> -> memref<632x128xf32, #tpu.memory_space<hbm>>
      %dma_start3A_44 = arith.constant 0 : i32
      %dma_start3A_45 = tpu.memref_slice %arg7[%mul3A_39, %dma_start3A_44] : memref<10112x128xf32, #tpu.memory_space<vmem_shared>> -> memref<632x128xf32, #tpu.memory_space<vmem_shared>>
      tpu.enqueue_dma source(%dma_start3A_45 : memref<632x128xf32, #tpu.memory_space<vmem_shared>>) target(%dma_start3A_43 : memref<632x128xf32, #tpu.memory_space<hbm>>) target_semaphore(%run_scoped3A : memref<!tpu.dma_semaphore, #tpu.memory_space<semaphore_mem>>)
      %dma_wait3A = arith.constant 0 : i32
      %dma_wait3A_46 = tpu.memref_slice %arg4[%arg0, %mul3A_41, %dma_wait3A] : memref<2x10112x128xf32, #tpu.memory_space<hbm>> -> memref<1x632x128xf32, #tpu.memory_space<hbm>>
      %dma_wait3A_47 = tpu.memref_squeeze %dma_wait3A_46 : memref<1x632x128xf32, #tpu.memory_space<hbm>> -> memref<632x128xf32, #tpu.memory_space<hbm>>
      %dma_wait3A_48 = arith.constant 0 : i32
      %dma_wait3A_49 = tpu.memref_slice %arg7[%mul3A_39, %dma_wait3A_48] : memref<10112x128xf32, #tpu.memory_space<vmem_shared>> -> memref<632x128xf32, #tpu.memory_space<vmem_shared>>
      tpu.wait_dma2 semaphore(%run_scoped3A : memref<!tpu.dma_semaphore, #tpu.memory_space<semaphore_mem>>) src(%dma_wait3A_49 : memref<632x128xf32, #tpu.memory_space<vmem_shared>>) dst(%dma_wait3A_47 : memref<632x128xf32, #tpu.memory_space<hbm>>)
      tpu.yield
    }) : () -> ()
    return
  }
}

module attributes {stable_mosaic.version = 14 : i64} {
  func.func @_dense_body(%arg0: i32, %arg1: memref<1000x128xf32, #tpu.memory_space<vmem>>, %arg2: memref<1000x128xf32, #tpu.memory_space<vmem>>, %arg3: memref<1000x128xf32, #tpu.memory_space<vmem>>, %arg4: memref<128x128xf32, #tpu.memory_space<vmem>>, %arg5: memref<1x128xf32, #tpu.memory_space<vmem>>, %arg6: memref<1000x128xf32, #tpu.memory_space<vmem>>) attributes {dimension_semantics = [#tpu.dimension_semantics<arbitrary>], iteration_bounds = array<i64: 10>, scalar_prefetch = 0 : i64, scratch_operands = 0 : i64, tpu.core_type = #tpu.core_type<tc>, window_params = [{transform_indices = @transform_0, window_bounds = array<i64: 1000, 128>}, {transform_indices = @transform_1, window_bounds = array<i64: 1000, 128>}, {transform_indices = @transform_2, window_bounds = array<i64: 1000, 128>}, {pipeline_mode = #tpu.pipeline_mode<synchronous>, transform_indices = @transform_3, window_bounds = array<i64: 128, 128>}, {pipeline_mode = #tpu.pipeline_mode<synchronous>, transform_indices = @transform_4, window_bounds = array<i64: 1, 128>}, {transform_indices = @transform_5, window_bounds = array<i64: 1000, 128>}]} {
    %get3A = arith.constant 0 : index
    %get3A_0 = arith.constant 0 : index
    %get3A_1 = vector.load %arg1[%get3A, %get3A_0] : memref<1000x128xf32, #tpu.memory_space<vmem>>, vector<1000x128xf32>
    %mul3A = arith.constant 5.500000e-01 : f32
    %mul3A_2 = vector.broadcast %mul3A : f32 to vector<1000x128xf32>
    %mul3A_3 = arith.mulf %mul3A_2, %get3A_1 : vector<1000x128xf32>
    %get3A_4 = arith.constant 0 : index
    %get3A_5 = arith.constant 0 : index
    %get3A_6 = vector.load %arg2[%get3A_4, %get3A_5] : memref<1000x128xf32, #tpu.memory_space<vmem>>, vector<1000x128xf32>
    %get3A_7 = arith.constant 0 : index
    %get3A_8 = arith.constant 0 : index
    %get3A_9 = vector.load %arg3[%get3A_7, %get3A_8] : memref<1000x128xf32, #tpu.memory_space<vmem>>, vector<1000x128xf32>
    %add3A = arith.addf %get3A_6, %get3A_9 : vector<1000x128xf32>
    %mul3A_10 = arith.constant 0.949999988 : f32
    %mul3A_11 = vector.broadcast %mul3A_10 : f32 to vector<1000x128xf32>
    %mul3A_12 = arith.mulf %mul3A_11, %add3A : vector<1000x128xf32>
    %add3A_13 = arith.addf %mul3A_3, %mul3A_12 : vector<1000x128xf32>
    %get3A_14 = arith.constant 0 : index
    %get3A_15 = arith.constant 0 : index
    %get3A_16 = vector.load %arg4[%get3A_14, %get3A_15] : memref<128x128xf32, #tpu.memory_space<vmem>>, vector<128x128xf32>
    %dot_general3A = arith.constant dense<0.000000e+00> : vector<1000x128xf32>
    %dot_general3A_17 = tpu.matmul %add3A_13, %get3A_16, %dot_general3A {dimension_numbers = #tpu.dot_dimension_numbers<[1], [0], [0], [1], [0, 0, 1, 1], [], []>, transpose_lhs_hint = false} : vector<1000x128xf32>, vector<128x128xf32>, vector<1000x128xf32> -> vector<1000x128xf32>
    %get3A_18 = arith.constant 0 : index
    %get3A_19 = arith.constant 0 : index
    %get3A_20 = vector.load %arg5[%get3A_18, %get3A_19] : memref<1x128xf32, #tpu.memory_space<vmem>>, vector<1x128xf32>
    %add3A_21 = vector.broadcast %get3A_20 : vector<1x128xf32> to vector<1000x128xf32>
    %add3A_22 = arith.addf %dot_general3A_17, %add3A_21 : vector<1000x128xf32>
    %swap3A = arith.constant 0 : index
    %swap3A_23 = arith.constant 0 : index
    %swap3A_24 = vector.load %arg6[%swap3A, %swap3A_23] : memref<1000x128xf32, #tpu.memory_space<vmem>>, vector<1000x128xf32>
    tpu.vector_store %arg6[%swap3A, %swap3A_23], %add3A_22 {strides = array<i32>} : memref<1000x128xf32, #tpu.memory_space<vmem>>, vector<1000x128xf32>,
    return
  }
  func.func @transform_0(%arg0: i32) -> (i32, i32) {
    %c0_i32 = arith.constant 0 : i32
    %c0_i32_0 = arith.constant 0 : i32
    return %arg0, %c0_i32 : i32, i32
  }
  func.func @transform_1(%arg0: i32) -> (i32, i32) {
    %c0_i32 = arith.constant 0 : i32
    %c0_i32_0 = arith.constant 0 : i32
    return %arg0, %c0_i32 : i32, i32
  }
  func.func @transform_2(%arg0: i32) -> (i32, i32) {
    %c0_i32 = arith.constant 0 : i32
    %c0_i32_0 = arith.constant 0 : i32
    return %arg0, %c0_i32 : i32, i32
  }
  func.func @transform_3(%arg0: i32) -> (i32, i32) {
    %c0_i32 = arith.constant 0 : i32
    %c0_i32_0 = arith.constant 0 : i32
    %c0_i32_1 = arith.constant 0 : i32
    return %c0_i32, %c0_i32_0 : i32, i32
  }
  func.func @transform_4(%arg0: i32) -> (i32, i32) {
    %c0_i32 = arith.constant 0 : i32
    %c0_i32_0 = arith.constant 0 : i32
    %c0_i32_1 = arith.constant 0 : i32
    return %c0_i32, %c0_i32_0 : i32, i32
  }
  func.func @transform_5(%arg0: i32) -> (i32, i32) {
    %c0_i32 = arith.constant 0 : i32
    %c0_i32_0 = arith.constant 0 : i32
    return %arg0, %c0_i32 : i32, i32
  }
}

</mosaic_0001>

<sc_bundles>
// kernel: kernel.4.cloned.1.call-start
scs
__scs_entry_jumppad:
0x0: {  	(pc) =	sbr.rel $0x88, $3  }
0x1: {  	(tag) =	ssettag $0x0;
	lr =	simm.s32 $0x1  }
0x2: {  	[smem:$0x3F9C] =	sst lr;
	_ =	strace $0xD0000000  }
0x3: {  	_ = 	snop  }
0x4: {  	_ = 	snop  }
0x5: {  	_ = 	snop  }
0x6: {  	_ = 	snop  }
0x7: {  	_ = 	snop  }
__scs_overlays_trampoline_lowered:
0x8: {  	[smem:$0x3FAB] =	sst s0  }
0x9: {  	[smem:$0x3FAC] =	sst s1  }
0xa: {  	[smem:$0x3FAD] =	sst s2  }
0xb: {  	[smem:$0x3FAE] =	sst s3  }
0xc: {  	[smem:$0x3FAF] =	sst s4  }
0xd: {  	[smem:$0x3FB0] =	sst s5  }
0xe: {  	[smem:$0x3FB1] =	sst s6  }
0xf: {  	[smem:$0x3FB2] =	sst s7  }
0x10: {  	[smem:$0x3FB3] =	sst s8  }
0x11: {  	[smem:$0x3FB4] =	sst s9;
	s0 =	simm.s32 @!p0 $0x0  }
0x12: {  	s1 =	sld [smem:$0x3F9A];
	s0 =	simm.s32 @p0 $0x1  }
0x13: {  	[smem:$0x3FB5] =	sst s0;
	s0 =	simm.s32 @!p1 $0x0  }
0x14: {  	s2 =	sld [smem:$0x3F99];
	s0 =	simm.s32 @p1 $0x1  }
0x15: {  	[smem:$0x3FB6] =	sst s0;
	s0 =	simm.s32 @!p2 $0x0  }
0x16: {  	s3 =	sld [smem:$0x3FDB];
	s0 =	simm.s32 @p2 $0x1  }
0x17: {  	s4 =	simm.s32 $0x1BF5;
	[smem:$0x3FB8] =	sst s0  }
0x18: {  	s0 =	sld [smem:$0x3F9B];
	_ =	swait.ge [sflag:s4], $0x0  }
0x19: {  	s7 =	sld [smem:$0x3F9C]  }
0x1a: {  	s8 =	sadd.s32 $0xFFFFE003, lr  }
0x1b: {  	s9 =	sadd.s32 $0xFFFFFEF7, lr;
	s5 =	simm.s32 $0xFFFFFFFF;
	p2 =	slt.u32 s8, $0xFFFFF086  }
0x1c: {  	p1 =	slt.u32 s9, $0xF7A;
	s5 =	simm.s32 @!p2 $0x0  }
0x1d: {  	s5 =	simm.s32 @p1 $0x1;
	p0 =	seq.s32 s7, s2  }
0x1e: {  	s7 =	smul.u32 @!p0 $0xF7A, s2;
	p2 =	seq.s32 @!p0 s5, $0x0  }
0x1f: {  	s9 =	smul.u32 $0xF7A, s1;
	s8 =	simm.s32 @!p0 $0x1BF5;
	p2 =	por !p2, p0  }
0x20: {  	[sflag:s8] =	ssyncset.s32 @!p0 $0xFFFFF086;
	s6 =	sadd.s32 @!p0 s3, s7;
	s7 =	simm.s32 @!p0 $0x108  }
0x21: {  	s3 =	sadd.s32 s3, s9;
	s6 =	sadd.s32 @!p0 $0x88, s6;
	s7 =	simm.s32 @p2 $0x1082  }
0x22: {  	[simem:s7], [sflag:s8] =	dma.local @!p0 [hbm:s6], $0xF7A  }
0x23: {  	s9 =	sor.u32 $0xD0000000, s2;
	s6 =	simm.s32 $0x108;
	_ =	swait.ge @!p0 [sflag:s8], $0x0  }
0x24: {  	s3 =	sadd.s32 $0x88, s3;
	s6 =	simm.s32 @!p1 $0x1082;
	[sflag:s4] =	ssyncset.s32 $0xFFFFF086  }
0x25: {  	[simem:s6], [sflag:s4] =	dma.local [hbm:s3], $0xF7A  }
0x26: {  	[smem:$0x3F9C] =	sst s1;
	(tag) =	ssettag s2;
	_ =	strace s9  }
0x27: {  	s1 =	sld [smem:$0x3FAC]  }
0x28: {  	s2 =	sld [smem:$0x3FAD]  }
0x29: {  	s4 =	sld [smem:$0x3FAF]  }
0x2a: {  	p0 =	seq.s32 s5, $0x0;
	s5 =	sld [smem:$0x3FB0]  }
0x2b: {  	s6 =	sld [smem:$0x3FB1]  }
0x2c: {  	s7 =	sld [smem:$0x3FB2]  }
0x2d: {  	s3 =	simm.s32 $0x108;
	s8 =	sld [smem:$0x3FB3]  }
0x2e: {  	s3 =	simm.s32 @!p0 $0x1082;
	s9 =	sld [smem:$0x3FB4]  }
0x2f: {  	lr =	sadd.s32 s0, s3;
	s0 =	sld [smem:$0x3FAB]  }
0x30: {  	s3 =	sld [smem:$0x3FAE]  }
0x31: {  	[smem:$0x3FB7] =	sst s10  }
0x32: {  	s10 =	sld [smem:$0x3FB5];
	_ =	sdelay $0x3  }
0x33: {  	p0 =	seq.s32 s10, $0x1;
	s10 =	sld [smem:$0x3FB7];
	_ =	sdelay $0x3  }
0x34: {  	[smem:$0x3FB7] =	sst s10  }
0x35: {  	s10 =	sld [smem:$0x3FB6];
	_ =	sdelay $0x3  }
0x36: {  	p1 =	seq.s32 s10, $0x1;
	s10 =	sld [smem:$0x3FB7];
	_ =	sdelay $0x3  }
0x37: {  	[smem:$0x3FB7] =	sst s10  }
0x38: {  	s10 =	sld [smem:$0x3FB8]  }
0x39: {  	_ = 	snop;
	(pc) =	sbr.ind lr, $3  }
0x3a: {  	_ = 	snop  }
0x3b: {  	_ = 	snop  }
0x3c: {  	p2 =	seq.s32 s10, $0x1;
	s10 =	sld [smem:$0x3FB7]  }
0x3d: {  	_ =	shalt  }
0x3e: {  	_ =	shalt  }
0x3f: {  	_ =	shalt  }
0x40: {  	_ =	shalt  }
0x41: {  	_ =	shalt  }
0x42: {  	_ =	shalt  }
0x43: {  	_ =	shalt  }
0x44: {  	_ =	shalt  }
0x45: {  	_ =	shalt  }
0x46: {  	_ =	shalt  }
0x47: {  	_ =	shalt  }
0x48: {  	_ =	shalt  }
0x49: {  	_ =	shalt  }
0x4a: {  	_ =	shalt  }
0x4b: {  	_ =	shalt  }
0x4c: {  	_ =	shalt  }
0x4d: {  	_ =	shalt  }
0x4e: {  	_ =	shalt  }
0x4f: {  	_ =	shalt  }
0x50: {  	_ =	shalt  }
0x51: {  	_ =	shalt  }
0x52: {  	_ =	shalt  }
0x53: {  	_ =	shalt  }
0x54: {  	_ =	shalt  }
0x55: {  	_ =	shalt  }
0x56: {  	_ =	shalt  }
0x57: {  	_ =	shalt  }
0x58: {  	_ =	shalt  }
0x59: {  	_ =	shalt  }
0x5a: {  	_ =	shalt  }
0x5b: {  	_ =	shalt  }
0x5c: {  	_ =	shalt  }
0x5d: {  	_ =	shalt  }
0x5e: {  	_ =	shalt  }
0x5f: {  	_ =	shalt  }
0x60: {  	_ =	shalt  }
0x61: {  	_ =	shalt  }
0x62: {  	_ =	shalt  }
0x63: {  	_ =	shalt  }
0x64: {  	_ =	shalt  }
0x65: {  	_ =	shalt  }
0x66: {  	_ =	shalt  }
0x67: {  	_ =	shalt  }
0x68: {  	_ =	shalt  }
0x69: {  	_ =	shalt  }
0x6a: {  	_ =	shalt  }
0x6b: {  	_ =	shalt  }
0x6c: {  	_ =	shalt  }
0x6d: {  	_ =	shalt  }
0x6e: {  	_ =	shalt  }
0x6f: {  	_ =	shalt  }
0x70: {  	_ =	shalt  }
0x71: {  	_ =	shalt  }
0x72: {  	_ =	shalt  }
0x73: {  	_ =	shalt  }
0x74: {  	_ =	shalt  }
0x75: {  	_ =	shalt  }
0x76: {  	_ =	shalt  }
0x77: {  	_ =	shalt  }
0x78: {  	_ =	shalt  }
0x79: {  	_ =	shalt  }
0x7a: {  	_ =	shalt  }
0x7b: {  	_ =	shalt  }
0x7c: {  	_ =	shalt  }
0x7d: {  	_ =	shalt  }
0x7e: {  	_ =	shalt  }
0x7f: {  	_ =	shalt  }
0x80: {  	_ =	shalt  }
0x81: {  	_ =	shalt  }
0x82: {  	_ =	shalt  }
0x83: {  	_ =	shalt  }
0x84: {  	_ =	shalt  }
0x85: {  	_ =	shalt  }
0x86: {  	_ =	shalt  }
0x87: {  	_ =	shalt  }
.Lfunc_end0:
.L_simem_size_0:
called_computation_lowered:
.L_overlay_start_0:
0x88: {  	s2 =	sld [smem:$0x3FD9]  }
0x89: {  	s3 =	sld [smem:$0x3FFE];
	_ =	sdelay $0x1  }
0x8a: {  	s1 =	srdreg.scid  }
0x8b: {  	s0 =	sand.u32 $0x1, s1  }
0x8c: {  	s17 =	sshll.u32 s0, $0xA;
	s2 =	sadd.s32 s3, s2  }
0x8d: {  	s2 =	sadd.s32 s2, s17  }
0x8e: {  	[smem:$0x3FC3] =	sst s2  }
0x8f: {  	_ = 	snop  }
0x90: {  	s2 =	sld [smem:$0x3FC9];
	(tm) =	ssettm $0x1  }
0x91: {  	s18 =	sld [smem:$0x3FFB];
	_ =	sdelay $0x3  }
0x92: {  	_ =	strace s18  }
0x93: {  	s3 =	sld [smem:$0x3FFC];
	_ =	sdelay $0x3  }
0x94: {  	_ =	strace s3  }
0x95: {  	s3 =	sld [smem:$0x3FFD];
	_ =	sdelay $0x3  }
0x96: {  	_ =	strace s3  }
0x97: {  	_ =	strace $0x8FFFFFFF  }
0x98: {  	s19 =	sld [smem:$0x3FDB];
	_ =	sdelay $0x1  }
0x99: {  	s4 =	simm.s32 $_scs_section_size  }
0x9a: {  	s5 =	simm.s32 $_size__tile_overlayer_lowered;
	s6 =	simm.s32 $_tile_overlayer_lowered  }
0x9b: {  	s22 =	simm.s32 $0x1BFF;
	s21 =	sshll.u32 s6, $0x1;
	s3 =	sadd.s32 s4, s19  }
0x9c: {  	s7 =	simm.s32 $0x0;
	s20 =	sshll.u32 s5, $0x1;
	s5 =	sadd.s32 s21, s3  }
0x9d: {  	[timem:s7], [sflag:s22] =	dma.local [hbm:s5], s20  }
0x9e: {  	_ =	swait.ge [sflag:s22], s20  }
0x9f: {  	s4 =	ssub.s32 $0x0, s20;
	[sflag:s22] =	ssyncset.done $0x0  }
0xa0: {  	[sflag:s22] =	ssyncadd.s32 s4;
	_ =	sdelay $0x1  }
0xa1: {  	s23 =	simm.s32 $0x1B8B  }
0xa2: {  	_ =	swait.ge [sflag:s23], $0x1  }
0xa3: {  	[sflag:s23] =	ssyncset.done $0x0  }
0xa4: {  	s25 =	simm.s32 $0x1B8E;
	s24 =	sld [smem:$0x3FFE];
	[sflag:s23] =	ssyncadd.s32 $0xFFFFFFFF  }
0xa5: {  	s26 =	simm.s32 $execute0_lowered;
	[smem:$0x3FD2] =	sst s25  }
0xa6: {  	s5 =	sshll.u32 s26, $0x1;
	_ =	strace $0x80000046;
	[dreg:$0x1] =	wrdreg $0xFFFFFFFF  }
0xa7: {  	s28 =	simm.s32 $_size_execute0_lowered;
	s3 =	sadd.s32 s3, s5;
	[dreg:$0x0] =	wrdreg $0x0  }
0xa8: {  	s5 =	sshll.u32 s28, $0x1;
	[dreg:$0x2] =	wrdreg s3  }
0xa9: {  	[dreg:$0x3] =	wrdreg s5  }
0xaa: {  	[dreg:$0x4] =	wrdreg $0xC0  }
0xab: {  	_ =	task [dreg:s7], $0x5FFFF  }
0xac: {  	[dreg:$0x1] =	wrdreg $0xFFFFFFFF  }
0xad: {  	[dreg:$0x0] =	wrdreg $0x60  }
0xae: {  	[dreg:$0x2] =	wrdreg s2  }
0xaf: {  	[dreg:$0x3] =	wrdreg s24  }
0xb0: {  	[dreg:$0x4] =	wrdreg $0x42000  }
0xb1: {  	[dreg:$0x5] =	wrdreg $0x9  }
0xb2: {  	_ =	task.clear_ibuf [dreg:s7], $0x6FFFF;
	_ =	strace $0x90000046  }
0xb3: {  	s29 =	simm.s32 $0x9;
	_ =	strace $0x80000048  }
0xb4: {  	_ =	swait.ge [sflag:s29], $0x1  }
0xb5: {  	[sflag:s29] =	ssyncadd.s32 $0xFFFFFFFF  }
0xb6: {  	_ =	strace $0x90000048  }
0xb7: {  	_ =	sfence  }
0xb8: {  	s30 =	sld [smem:$0x0];
	_ =	sdelay $0x2  }
0xb9: {  	s31 =	sshll.u32 s1, $0xD;
	s1 =	sshrl.u32 s1, $0x2  }
0xba: {  	s3 =	sand.u32 $0x4000, s31;
	s1 =	sadd.s32 s1, s30  }
0xbb: {  	s0 =	sor.u32 s3, s0;
	s1 =	sshll.u32 s1, $0x11  }
0xbc: {  	s0 =	sor.u32 s1, s0  }
0xbd: {  	s0 =	sadd.s32 $0x8F2B, s0  }
0xbe: {  	[sflag:s0] =	ssyncadd.remote.s32 $0x1  }
0xbf: {  	_ =	sfence.sel $0xFFFF  }
0xc0: {  	[dreg:$0x0] =	wrdreg $0xFFFFFFFF;
	(pc) =	sbr.abs _section_cstart, $3  }
0xc1: {  	[dreg:$0x1] =	wrdreg $0xFFFFFFFF  }
0xc2: {  	_ =	task.clear_ibuf [dreg:s7], $0x2FFFF;
	_ =	strace $0x9FFFFFFF  }
0xc3: {  	(tm) =	ssettm $0x7FFFFFFF  }
tec
execute0_lowered:
.L_overlay_start_1:
0x0: {  	(tag) =	ssettag $0x1  }
0x1: {  	s1 =	rddreg [dreg:$0x0]  }
0x2: {  	s7 =	rddreg [dreg:$0x1]  }
0x3: {  	s3 =	rddreg [dreg:$0x2]  }
0x4: {  	s0 =	srdreg.scid;
	s2 =	rddreg [dreg:$0x3]  }
0x5: {  	s4 =	simm.s32 $0x0;
	s14 =	simm.s32 $0x200;
	s15 =	simm.s32 $0x5  }
0x6: {  	s16 =	simm.s32 $0x20;
	s17 =	simm.s32 $0x1200;
	s18 =	simm.s32 $0x40  }
0x7: {  	s19 =	simm.s32 $0x2200;
	s20 =	simm.s32 $0x60;
	s21 =	simm.s32 $0x3200  }
0x8: {  	s22 =	simm.s32 $0x1;
	s23 =	simm.s32 $0x2;
	s6 =	sand.u32 $0x1, s0  }
0x9: {  	s24 =	simm.s32 $0x3;
	s0 =	stileid.u32;
	s5 =	smul.u32 $0x13C000, s6  }
0xa: {  	s25 =	simm.s32 $0x4;
	s26 =	simm.s32 $0x80;
	s8 =	smul.u32 $0x13C00, s0  }
0xb: {  	[smem:$0x7FF] =	sst s4;
	s9 =	smul.u32 $0x4F000, s0;
	s30 =	ssub.s32 $0x2, s6  }
0xc: {  	v0 =	vimm.f32 $0.0e+00;
	v1 =	vimm.s32 $0x0;
	_ =	strace $0x80000047;
	s31 =	sshll.u32 s0, $0x1;
	s10 =	sshrl.u32 s30, $0x1  }
0xd: {  	v2 =	vimm.s32 $0x1;
	v3 =	vimm.s32 $0x2;
	v4 =	vimm.s32 $0x3;
	s5 =	sadd.s32 s8, s5;
	s9 =	sshrl.u32 s9, $0x2;
	s13 =	ssub.s32 s30, s10  }
0xe: {  	v5 =	vimm.s32 $0x4;
	v6 =	vimm.s32 $0x5;
	v7 =	vimm.s32 $0x6;
	s8 =	sshrl.u32 s5, $0x3;
	s5 =	sadd.s32 $0xC00, s7;
	s13 =	smax.u32 s13, $0x1  }
0xf: {  	v8 =	vimm.s32 $0x7;
	v9 =	vimm.s32 $0x8;
	v10 =	vimm.s32 $0x9;
	s12 =	sadd.s32 s8, s7;
	s8 =	sor.u32 s6, s31;
	s6 =	sadd.s32 s9, s3  }
0x10: {  	v11 =	vimm.s32 $0xA;
	v12 =	vimm.s32 $0xB;
	v13 =	vimm.s32 $0xC;
	s7 =	smul.u32 $0x4F, s8;
	s8 =	sadd.s32 $0x4000, s6;
	s9 =	sadd.s32 $0x8000, s6  }
0x11: {  	v14 =	vimm.s32 $0xD;
	v15 =	vimm.s32 $0xE;
	v16 =	vimm.s32 $0xF;
	s10 =	sadd.s32 $0xC000, s6;
	s11 =	sadd.s32 $0x10000, s6;
	s12 =	sadd.s32 $0x28400, s12  }
.LBB2_1:
0x12: {  	s28 =	simm.s32 $0x0;
	s29 =	simm.s32 $0x200  }
.LBB2_2:
0x13: {  	p0 =	sne.s32 s29, $0xFE00;
	[tilespmem:s28+$0x270] =	vst v0  }
0x14: {  	[tilespmem:s28+$0x200] =	vst v0  }
0x15: {  	[tilespmem:s28+$0x210] =	vst v0  }
.Ltmp0:
0x16: {  	[tilespmem:s28+$0x220] =	vst v0;
	(pc) =	sbr.rel @p0 .LBB2_2-.Ltmp0, $4  }
0x17: {  	[tilespmem:s28+$0x230] =	vst v0  }
0x18: {  	[tilespmem:s28+$0x240] =	vst v0  }
0x19: {  	[tilespmem:s28+$0x250] =	vst v0  }
0x1a: {  	[tilespmem:s28+$0x260] =	vst v0;
	s28 =	sshra.s32 s29, $0x2;
	s29 =	sadd.s32 $0x200, s29  }
0x1b: {  	[tilespmem:s28+$0x270] =	vst v0  }
0x1c: {  	[tilespmem:s28+$0x200] =	vst v0  }
0x1d: {  	[tilespmem:s28+$0x210] =	vst v0  }
0x1e: {  	[tilespmem:s28+$0x220] =	vst v0  }
0x1f: {  	[tilespmem:s28+$0x230] =	vst v0  }
0x20: {  	[tilespmem:s28+$0x240] =	vst v0  }
0x21: {  	[tilespmem:s28+$0x250] =	vst v0  }
0x22: {  	[tilespmem:s28+$0x260] =	vst v0  }
0x23: {  	[spmem:s6] =	stream.linear.scatter [tilespmem:s14], [sflag:$0x5], $0x4000, $0x38;
	[tilespmem:$0x17E00] =	vst v63  }
0x24: {  	_ =	swait.ge [sflag:s15], $0x4000  }
0x25: {  	[sflag:s15] =	ssyncset.done $0x0  }
0x26: {  	[sflag:s15] =	ssyncadd.s32 $0xFFFFC000  }
0x27: {  	[spmem:s8] =	stream.linear.scatter [tilespmem:s14], [sflag:$0x5], $0x4000, $0x38;
	[tilespmem:$0x17E00] =	vst v63  }
0x28: {  	_ =	swait.ge [sflag:s15], $0x4000  }
0x29: {  	[sflag:s15] =	ssyncset.done $0x0  }
0x2a: {  	[sflag:s15] =	ssyncadd.s32 $0xFFFFC000  }
0x2b: {  	[spmem:s9] =	stream.linear.scatter [tilespmem:s14], [sflag:$0x5], $0x4000, $0x38;
	[tilespmem:$0x17E00] =	vst v63  }
0x2c: {  	_ =	swait.ge [sflag:s15], $0x4000  }
0x2d: {  	[sflag:s15] =	ssyncset.done $0x0  }
0x2e: {  	[sflag:s15] =	ssyncadd.s32 $0xFFFFC000  }
0x2f: {  	[spmem:s10] =	stream.linear.scatter [tilespmem:s14], [sflag:$0x5], $0x4000, $0x38;
	[tilespmem:$0x17E00] =	vst v63  }
0x30: {  	_ =	swait.ge [sflag:s15], $0x4000  }
0x31: {  	[sflag:s15] =	ssyncset.done $0x0  }
0x32: {  	[sflag:s15] =	ssyncadd.s32 $0xFFFFC000  }
0x33: {  	[spmem:s11] =	stream.linear.scatter [tilespmem:s14], [sflag:$0x5], $0x3C00, $0x38;
	[tilespmem:$0x17E00] =	vst v63  }
0x34: {  	_ =	swait.ge [sflag:s15], $0x3C00  }
0x35: {  	[sflag:s15] =	ssyncset.done $0x0  }
0x36: {  	[sflag:s15] =	ssyncadd.s32 $0xFFFFC400  }
0x37: {  	s28 =	simm.s32 $0x0;
	s29 =	simm.s32 $0x0;
	[bflag:$0x0] =	sbarrier.arrive $0xFFFF  }
.LBB2_4:
0x38: {  	s30 =	sadd.s32 s7, s29  }
0x39: {  	s30 =	sshll.u32 s30, $0x6  }
0x3a: {  	s30 =	sadd.s32 s5, s30  }
0x3b: {  	[tilespmem:s28], [sflag:$0x5] =	stream.linear.gather [hbm4b:s30+s28], $0x180, $0x38;
	[tilespmem:$0x17E00] =	vst v63  }
0x3c: {  	_ =	swait.ge [sflag:s15], $0x180  }
0x3d: {  	[sflag:s15] =	ssyncset.done $0x0  }
0x3e: {  	[sflag:s15] =	ssyncadd.s32 $0xFFFFFE80  }
0x3f: {  	[tilespmem:s14], [sflag:$0x1] =	stream.indirect.gather [hbm4b:s1+s16], $0x80, s28, s16, $0xb8;
	[tilespmem:$0x17E00] =	vst v63  }
0x40: {  	_ = 	snop  }
0x41: {  	[tilespmem:s17], [sflag:$0x2] =	stream.indirect.gather [hbm4b:s1+s16], $0x80, s16, s16, $0xb8;
	[tilespmem:$0x17E00] =	vst v63  }
0x42: {  	_ = 	snop  }
0x43: {  	[tilespmem:s19], [sflag:$0x3] =	stream.indirect.gather [hbm4b:s1+s16], $0x80, s18, s16, $0xb8;
	[tilespmem:$0x17E00] =	vst v63  }
0x44: {  	_ = 	snop  }
0x45: {  	[tilespmem:s21], [sflag:$0x4] =	stream.indirect.gather [hbm4b:s1+s16], $0x80, s20, s16, $0xb8;
	[tilespmem:$0x17E00] =	vst v63  }
0x46: {  	_ =	swait.ge [sflag:s22], $0x1000  }
0x47: {  	[sflag:s22] =	ssyncset.done $0x0  }
0x48: {  	[sflag:s22] =	ssyncadd.s32 $0xFFFFF000  }
0x49: {  	_ =	swait.ge [sflag:s23], $0x1000  }
0x4a: {  	[sflag:s23] =	ssyncset.done $0x0  }
0x4b: {  	[sflag:s23] =	ssyncadd.s32 $0xFFFFF000  }
0x4c: {  	_ =	swait.ge [sflag:s24], $0x1000  }
0x4d: {  	[sflag:s24] =	ssyncset.done $0x0  }
0x4e: {  	[sflag:s24] =	ssyncadd.s32 $0xFFFFF000  }
0x4f: {  	_ =	swait.ge [sflag:s25], $0x1000  }
0x50: {  	[sflag:s25] =	ssyncset.done $0x0  }
0x51: {  	s30 =	simm.s32 $0x0;
	[sflag:s25] =	ssyncadd.s32 $0xFFFFF000  }
.LBB2_5:
0x52: {  	s31 =	sshll.u32 s30, $0x4  }
0x53: {  	s31 =	sand.u32 $0x3FFFFFF0, s31  }
0x54: {  	v17 =	vld [tilespmem:s31+$0x100];
	s31 =	sshll.u32 s30, $0xB  }
0x55: {  	s31 =	sand.u32 $0x3FFFF800, s31  }
0x56: {  	v18 =	vld [tilespmem:s31+$0x200]  }
0x57: {  	v19 =	vld [tilespmem:s31+$0x210]  }
0x58: {  	v20 =	vld [tilespmem:s31+$0x220]  }
0x59: {  	v22 =	vld [tilespmem:s31+$0x230];
	v21 =	vperm.xlane v17, v1  }
0x5a: {  	v23 =	vld [tilespmem:s31+$0x240]  }
0x5b: {  	v24 =	vld [tilespmem:s31+$0x250];
	v18 =	vmul.f32 v18, v21  }
0x5c: {  	v25 =	vld [tilespmem:s31+$0x260];
	v19 =	vmul.f32 v19, v21  }
0x5d: {  	v38 =	vld [tilespmem:s31+$0x270];
	[tilespmem:s31+$0x200] =	vst v18;
	v18 =	vmul.f32 v20, v21  }
0x5e: {  	v39 =	vld [tilespmem:s31+$0x280];
	[tilespmem:s31+$0x210] =	vst v19;
	v19 =	vmul.f32 v22, v21  }
0x5f: {  	v40 =	vld [tilespmem:s31+$0x290];
	[tilespmem:s31+$0x220] =	vst v18;
	v18 =	vmul.f32 v23, v21  }
0x60: {  	v41 =	vld [tilespmem:s31+$0x2A0];
	[tilespmem:s31+$0x230] =	vst v19;
	v19 =	vmul.f32 v24, v21  }
0x61: {  	v26 =	vld [tilespmem:s31+$0x2B0];
	v42 =	vperm.xlane v17, v2;
	[tilespmem:s31+$0x240] =	vst v18;
	v18 =	vmul.f32 v25, v21  }
0x62: {  	v43 =	vld [tilespmem:s31+$0x2C0];
	[tilespmem:s31+$0x250] =	vst v19;
	v19 =	vmul.f32 v38, v21  }
0x63: {  	v44 =	vld [tilespmem:s31+$0x2D0];
	[tilespmem:s31+$0x260] =	vst v18;
	v18 =	vmul.f32 v39, v42  }
0x64: {  	v45 =	vld [tilespmem:s31+$0x2E0];
	[tilespmem:s31+$0x270] =	vst v19;
	v19 =	vmul.f32 v40, v42  }
0x65: {  	v46 =	vld [tilespmem:s31+$0x2F0];
	[tilespmem:s31+$0x280] =	vst v18;
	v18 =	vmul.f32 v41, v42  }
0x66: {  	v47 =	vld [tilespmem:s31+$0x300];
	[tilespmem:s31+$0x290] =	vst v19;
	v19 =	vmul.f32 v26, v42  }
0x67: {  	v48 =	vld [tilespmem:s31+$0x310];
	[tilespmem:s31+$0x2A0] =	vst v18;
	v18 =	vmul.f32 v43, v42  }
0x68: {  	v49 =	vld [tilespmem:s31+$0x320];
	[tilespmem:s31+$0x2B0] =	vst v19;
	v19 =	vmul.f32 v44, v42  }
0x69: {  	v51 =	vld [tilespmem:s31+$0x330];
	v50 =	vperm.xlane v17, v3;
	[tilespmem:s31+$0x2C0] =	vst v18;
	v18 =	vmul.f32 v45, v42  }
0x6a: {  	v52 =	vld [tilespmem:s31+$0x340];
	[tilespmem:s31+$0x2D0] =	vst v19;
	v19 =	vmul.f32 v46, v42  }
0x6b: {  	v53 =	vld [tilespmem:s31+$0x350];
	[tilespmem:s31+$0x2E0] =	vst v18;
	v18 =	vmul.f32 v47, v50  }
0x6c: {  	v54 =	vld [tilespmem:s31+$0x360];
	[tilespmem:s31+$0x2F0] =	vst v19;
	v19 =	vmul.f32 v48, v50  }
0x6d: {  	v55 =	vld [tilespmem:s31+$0x370];
	[tilespmem:s31+$0x300] =	vst v18;
	v18 =	vmul.f32 v49, v50  }
0x6e: {  	v56 =	vld [tilespmem:s31+$0x380];
	[tilespmem:s31+$0x310] =	vst v19;
	v19 =	vmul.f32 v51, v50  }
0x6f: {  	v57 =	vld [tilespmem:s31+$0x390];
	[tilespmem:s31+$0x320] =	vst v18;
	v18 =	vmul.f32 v52, v50  }
0x70: {  	v58 =	vld [tilespmem:s31+$0x3A0];
	[tilespmem:s31+$0x330] =	vst v19;
	v19 =	vmul.f32 v53, v50  }
0x71: {  	v60 =	vld [tilespmem:s31+$0x3B0];
	v59 =	vperm.xlane v17, v4;
	[tilespmem:s31+$0x340] =	vst v18;
	v18 =	vmul.f32 v54, v50  }
0x72: {  	v61 =	vld [tilespmem:s31+$0x3C0];
	[tilespmem:s31+$0x350] =	vst v19;
	v19 =	vmul.f32 v55, v50  }
0x73: {  	v62 =	vld [tilespmem:s31+$0x3D0];
	[tilespmem:s31+$0x360] =	vst v18;
	v18 =	vmul.f32 v56, v59  }
0x74: {  	v63 =	vld [tilespmem:s31+$0x3E0];
	[tilespmem:s31+$0x370] =	vst v19;
	v19 =	vmul.f32 v57, v59  }
0x75: {  	v28 =	vld [tilespmem:s31+$0x3F0];
	[tilespmem:s31+$0x380] =	vst v18;
	v18 =	vmul.f32 v58, v59  }
0x76: {  	v29 =	vld [tilespmem:s31+$0x400];
	[tilespmem:s31+$0x390] =	vst v19;
	v19 =	vmul.f32 v60, v59  }
0x77: {  	v30 =	vld [tilespmem:s31+$0x410];
	[tilespmem:s31+$0x3A0] =	vst v18;
	v18 =	vmul.f32 v61, v59  }
0x78: {  	v31 =	vld [tilespmem:s31+$0x420];
	[tilespmem:s31+$0x3B0] =	vst v19;
	v19 =	vmul.f32 v62, v59  }
0x79: {  	v33 =	vld [tilespmem:s31+$0x430];
	v32 =	vperm.xlane v17, v5;
	[tilespmem:s31+$0x3C0] =	vst v18;
	v18 =	vmul.f32 v63, v59  }
0x7a: {  	v34 =	vld [tilespmem:s31+$0x440];
	[tilespmem:s31+$0x3D0] =	vst v19;
	v19 =	vmul.f32 v28, v59  }
0x7b: {  	v35 =	vld [tilespmem:s31+$0x450];
	[tilespmem:s31+$0x3E0] =	vst v18;
	v18 =	vmul.f32 v29, v32  }
0x7c: {  	v36 =	vld [tilespmem:s31+$0x460];
	[tilespmem:s31+$0x3F0] =	vst v19;
	v19 =	vmul.f32 v30, v32  }
0x7d: {  	v37 =	vld [tilespmem:s31+$0x470];
	[tilespmem:s31+$0x400] =	vst v18;
	v18 =	vmul.f32 v31, v32  }
0x7e: {  	v38 =	vld [tilespmem:s31+$0x480];
	[tilespmem:s31+$0x410] =	vst v19;
	v19 =	vmul.f32 v33, v32  }
0x7f: {  	v39 =	vld [tilespmem:s31+$0x490];
	[tilespmem:s31+$0x420] =	vst v18;
	v18 =	vmul.f32 v34, v32  }
0x80: {  	v40 =	vld [tilespmem:s31+$0x4A0];
	[tilespmem:s31+$0x430] =	vst v19;
	v19 =	vmul.f32 v35, v32  }
0x81: {  	v41 =	vperm.xlane v17, v6;
	v42 =	vld [tilespmem:s31+$0x4B0];
	[tilespmem:s31+$0x440] =	vst v18;
	v18 =	vmul.f32 v36, v32  }
0x82: {  	v43 =	vld [tilespmem:s31+$0x4C0];
	[tilespmem:s31+$0x450] =	vst v19;
	v19 =	vmul.f32 v37, v32  }
0x83: {  	v44 =	vld [tilespmem:s31+$0x4D0];
	[tilespmem:s31+$0x460] =	vst v18;
	v18 =	vmul.f32 v38, v41  }
0x84: {  	v45 =	vld [tilespmem:s31+$0x4E0];
	[tilespmem:s31+$0x470] =	vst v19;
	v19 =	vmul.f32 v39, v41  }
0x85: {  	v46 =	vld [tilespmem:s31+$0x4F0];
	[tilespmem:s31+$0x480] =	vst v18;
	v18 =	vmul.f32 v40, v41  }
0x86: {  	v47 =	vld [tilespmem:s31+$0x500];
	[tilespmem:s31+$0x490] =	vst v19;
	v19 =	vmul.f32 v42, v41  }
0x87: {  	v48 =	vld [tilespmem:s31+$0x510];
	[tilespmem:s31+$0x4A0] =	vst v18;
	v18 =	vmul.f32 v43, v41  }
0x88: {  	v49 =	vld [tilespmem:s31+$0x520];
	[tilespmem:s31+$0x4B0] =	vst v19;
	v19 =	vmul.f32 v44, v41  }
0x89: {  	v51 =	vld [tilespmem:s31+$0x530];
	v50 =	vperm.xlane v17, v7;
	[tilespmem:s31+$0x4C0] =	vst v18;
	v18 =	vmul.f32 v45, v41  }
0x8a: {  	v52 =	vld [tilespmem:s31+$0x540];
	[tilespmem:s31+$0x4D0] =	vst v19;
	v19 =	vmul.f32 v46, v41  }
0x8b: {  	v53 =	vld [tilespmem:s31+$0x550];
	[tilespmem:s31+$0x4E0] =	vst v18;
	v18 =	vmul.f32 v47, v50  }
0x8c: {  	v54 =	vld [tilespmem:s31+$0x560];
	[tilespmem:s31+$0x4F0] =	vst v19;
	v19 =	vmul.f32 v48, v50  }
0x8d: {  	v55 =	vld [tilespmem:s31+$0x570];
	[tilespmem:s31+$0x500] =	vst v18;
	v18 =	vmul.f32 v49, v50  }
0x8e: {  	v56 =	vld [tilespmem:s31+$0x580];
	[tilespmem:s31+$0x510] =	vst v19;
	v19 =	vmul.f32 v51, v50  }
0x8f: {  	v57 =	vld [tilespmem:s31+$0x590];
	[tilespmem:s31+$0x520] =	vst v18;
	v18 =	vmul.f32 v52, v50  }
0x90: {  	v58 =	vld [tilespmem:s31+$0x5A0];
	[tilespmem:s31+$0x530] =	vst v19;
	v19 =	vmul.f32 v53, v50  }
0x91: {  	v60 =	vld [tilespmem:s31+$0x5B0];
	v59 =	vperm.xlane v17, v8;
	[tilespmem:s31+$0x540] =	vst v18;
	v18 =	vmul.f32 v54, v50  }
0x92: {  	v61 =	vld [tilespmem:s31+$0x5C0];
	[tilespmem:s31+$0x550] =	vst v19;
	v19 =	vmul.f32 v55, v50  }
0x93: {  	v62 =	vld [tilespmem:s31+$0x5D0];
	[tilespmem:s31+$0x560] =	vst v18;
	v18 =	vmul.f32 v56, v59  }
0x94: {  	v63 =	vld [tilespmem:s31+$0x5E0];
	[tilespmem:s31+$0x570] =	vst v19;
	v19 =	vmul.f32 v57, v59  }
0x95: {  	v28 =	vld [tilespmem:s31+$0x5F0];
	[tilespmem:s31+$0x580] =	vst v18;
	v18 =	vmul.f32 v58, v59  }
0x96: {  	v29 =	vld [tilespmem:s31+$0x600];
	[tilespmem:s31+$0x590] =	vst v19;
	v19 =	vmul.f32 v60, v59  }
0x97: {  	v30 =	vld [tilespmem:s31+$0x610];
	[tilespmem:s31+$0x5A0] =	vst v18;
	v18 =	vmul.f32 v61, v59  }
0x98: {  	v31 =	vld [tilespmem:s31+$0x620];
	[tilespmem:s31+$0x5B0] =	vst v19;
	v19 =	vmul.f32 v62, v59  }
0x99: {  	v33 =	vld [tilespmem:s31+$0x630];
	v32 =	vperm.xlane v17, v9;
	[tilespmem:s31+$0x5C0] =	vst v18;
	v18 =	vmul.f32 v63, v59  }
0x9a: {  	v34 =	vld [tilespmem:s31+$0x640];
	[tilespmem:s31+$0x5D0] =	vst v19;
	v19 =	vmul.f32 v28, v59  }
0x9b: {  	v35 =	vld [tilespmem:s31+$0x650];
	[tilespmem:s31+$0x5E0] =	vst v18;
	v18 =	vmul.f32 v29, v32  }
0x9c: {  	v36 =	vld [tilespmem:s31+$0x660];
	[tilespmem:s31+$0x5F0] =	vst v19;
	v19 =	vmul.f32 v30, v32  }
0x9d: {  	v37 =	vld [tilespmem:s31+$0x670];
	[tilespmem:s31+$0x600] =	vst v18;
	v18 =	vmul.f32 v31, v32  }
0x9e: {  	v38 =	vld [tilespmem:s31+$0x680];
	[tilespmem:s31+$0x610] =	vst v19;
	v19 =	vmul.f32 v33, v32  }
0x9f: {  	v39 =	vld [tilespmem:s31+$0x690];
	[tilespmem:s31+$0x620] =	vst v18;
	v18 =	vmul.f32 v34, v32  }
0xa0: {  	v40 =	vld [tilespmem:s31+$0x6A0];
	[tilespmem:s31+$0x630] =	vst v19;
	v19 =	vmul.f32 v35, v32  }
0xa1: {  	v42 =	vld [tilespmem:s31+$0x6B0];
	v41 =	vperm.xlane v17, v10;
	[tilespmem:s31+$0x640] =	vst v18;
	v18 =	vmul.f32 v36, v32  }
0xa2: {  	v43 =	vld [tilespmem:s31+$0x6C0];
	[tilespmem:s31+$0x650] =	vst v19;
	v19 =	vmul.f32 v37, v32  }
0xa3: {  	v44 =	vld [tilespmem:s31+$0x6D0];
	[tilespmem:s31+$0x660] =	vst v18;
	v18 =	vmul.f32 v38, v41  }
0xa4: {  	v45 =	vld [tilespmem:s31+$0x6E0];
	[tilespmem:s31+$0x670] =	vst v19;
	v19 =	vmul.f32 v39, v41  }
0xa5: {  	v46 =	vld [tilespmem:s31+$0x6F0];
	[tilespmem:s31+$0x680] =	vst v18;
	v18 =	vmul.f32 v40, v41  }
0xa6: {  	v47 =	vld [tilespmem:s31+$0x700];
	[tilespmem:s31+$0x690] =	vst v19;
	v19 =	vmul.f32 v42, v41  }
0xa7: {  	v48 =	vld [tilespmem:s31+$0x710];
	[tilespmem:s31+$0x6A0] =	vst v18;
	v18 =	vmul.f32 v43, v41  }
0xa8: {  	v49 =	vld [tilespmem:s31+$0x720];
	[tilespmem:s31+$0x6B0] =	vst v19;
	v19 =	vmul.f32 v44, v41  }
0xa9: {  	v51 =	vld [tilespmem:s31+$0x730];
	v50 =	vperm.xlane v17, v11;
	[tilespmem:s31+$0x6C0] =	vst v18;
	v18 =	vmul.f32 v45, v41  }
0xaa: {  	v52 =	vld [tilespmem:s31+$0x740];
	[tilespmem:s31+$0x6D0] =	vst v19;
	v19 =	vmul.f32 v46, v41  }
0xab: {  	v53 =	vld [tilespmem:s31+$0x750];
	[tilespmem:s31+$0x6E0] =	vst v18;
	v18 =	vmul.f32 v47, v50  }
0xac: {  	v54 =	vld [tilespmem:s31+$0x760];
	[tilespmem:s31+$0x6F0] =	vst v19;
	v19 =	vmul.f32 v48, v50  }
0xad: {  	v55 =	vld [tilespmem:s31+$0x770];
	[tilespmem:s31+$0x700] =	vst v18;
	v18 =	vmul.f32 v49, v50  }
0xae: {  	v56 =	vld [tilespmem:s31+$0x780];
	[tilespmem:s31+$0x710] =	vst v19;
	v19 =	vmul.f32 v51, v50  }
0xaf: {  	v57 =	vld [tilespmem:s31+$0x790];
	[tilespmem:s31+$0x720] =	vst v18;
	v18 =	vmul.f32 v52, v50  }
0xb0: {  	v58 =	vld [tilespmem:s31+$0x7A0];
	[tilespmem:s31+$0x730] =	vst v19;
	v19 =	vmul.f32 v53, v50  }
0xb1: {  	v60 =	vld [tilespmem:s31+$0x7B0];
	v59 =	vperm.xlane v17, v12;
	[tilespmem:s31+$0x740] =	vst v18;
	v18 =	vmul.f32 v54, v50  }
0xb2: {  	v61 =	vld [tilespmem:s31+$0x7C0];
	[tilespmem:s31+$0x750] =	vst v19;
	v19 =	vmul.f32 v55, v50  }
0xb3: {  	v62 =	vld [tilespmem:s31+$0x7D0];
	[tilespmem:s31+$0x760] =	vst v18;
	v18 =	vmul.f32 v56, v59  }
0xb4: {  	v63 =	vld [tilespmem:s31+$0x7E0];
	[tilespmem:s31+$0x770] =	vst v19;
	v19 =	vmul.f32 v57, v59  }
0xb5: {  	v28 =	vld [tilespmem:s31+$0x7F0];
	[tilespmem:s31+$0x780] =	vst v18;
	v18 =	vmul.f32 v58, v59  }
0xb6: {  	v29 =	vld [tilespmem:s31+$0x800];
	[tilespmem:s31+$0x790] =	vst v19;
	v19 =	vmul.f32 v60, v59  }
0xb7: {  	v30 =	vld [tilespmem:s31+$0x810];
	[tilespmem:s31+$0x7A0] =	vst v18;
	v18 =	vmul.f32 v61, v59  }
0xb8: {  	v31 =	vld [tilespmem:s31+$0x820];
	[tilespmem:s31+$0x7B0] =	vst v19;
	v19 =	vmul.f32 v62, v59  }
0xb9: {  	v33 =	vld [tilespmem:s31+$0x830];
	v32 =	vperm.xlane v17, v13;
	[tilespmem:s31+$0x7C0] =	vst v18;
	v18 =	vmul.f32 v63, v59  }
0xba: {  	v34 =	vld [tilespmem:s31+$0x840];
	[tilespmem:s31+$0x7D0] =	vst v19;
	v19 =	vmul.f32 v28, v59  }
0xbb: {  	v35 =	vld [tilespmem:s31+$0x850];
	[tilespmem:s31+$0x7E0] =	vst v18;
	v18 =	vmul.f32 v29, v32  }
0xbc: {  	v36 =	vld [tilespmem:s31+$0x860];
	[tilespmem:s31+$0x7F0] =	vst v19;
	v19 =	vmul.f32 v30, v32  }
0xbd: {  	v37 =	vld [tilespmem:s31+$0x870];
	[tilespmem:s31+$0x800] =	vst v18;
	v18 =	vmul.f32 v31, v32  }
0xbe: {  	v38 =	vld [tilespmem:s31+$0x880];
	[tilespmem:s31+$0x810] =	vst v19;
	v19 =	vmul.f32 v33, v32  }
0xbf: {  	v39 =	vld [tilespmem:s31+$0x890];
	[tilespmem:s31+$0x820] =	vst v18;
	v18 =	vmul.f32 v34, v32  }
0xc0: {  	v40 =	vld [tilespmem:s31+$0x8A0];
	[tilespmem:s31+$0x830] =	vst v19;
	v19 =	vmul.f32 v35, v32  }
0xc1: {  	v42 =	vld [tilespmem:s31+$0x8B0];
	v41 =	vperm.xlane v17, v14;
	[tilespmem:s31+$0x840] =	vst v18;
	v18 =	vmul.f32 v36, v32  }
0xc2: {  	v43 =	vld [tilespmem:s31+$0x8C0];
	[tilespmem:s31+$0x850] =	vst v19;
	v19 =	vmul.f32 v37, v32  }
0xc3: {  	v44 =	vld [tilespmem:s31+$0x8D0];
	[tilespmem:s31+$0x860] =	vst v18;
	v18 =	vmul.f32 v38, v41  }
0xc4: {  	v45 =	vld [tilespmem:s31+$0x8E0];
	[tilespmem:s31+$0x870] =	vst v19;
	v19 =	vmul.f32 v39, v41  }
0xc5: {  	v46 =	vld [tilespmem:s31+$0x8F0];
	[tilespmem:s31+$0x880] =	vst v18;
	v18 =	vmul.f32 v40, v41  }
0xc6: {  	v47 =	vld [tilespmem:s31+$0x900];
	[tilespmem:s31+$0x890] =	vst v19;
	v19 =	vmul.f32 v42, v41  }
0xc7: {  	v48 =	vld [tilespmem:s31+$0x910];
	[tilespmem:s31+$0x8A0] =	vst v18;
	v18 =	vmul.f32 v43, v41  }
0xc8: {  	v49 =	vld [tilespmem:s31+$0x920];
	[tilespmem:s31+$0x8B0] =	vst v19;
	v19 =	vmul.f32 v44, v41  }
0xc9: {  	v51 =	vld [tilespmem:s31+$0x930];
	v50 =	vperm.xlane v17, v15;
	[tilespmem:s31+$0x8C0] =	vst v18;
	v18 =	vmul.f32 v45, v41  }
0xca: {  	v52 =	vld [tilespmem:s31+$0x940];
	[tilespmem:s31+$0x8D0] =	vst v19;
	v19 =	vmul.f32 v46, v41  }
0xcb: {  	v53 =	vld [tilespmem:s31+$0x950];
	[tilespmem:s31+$0x8E0] =	vst v18;
	v18 =	vmul.f32 v47, v50  }
0xcc: {  	v54 =	vld [tilespmem:s31+$0x960];
	[tilespmem:s31+$0x8F0] =	vst v19;
	v19 =	vmul.f32 v48, v50  }
0xcd: {  	v55 =	vld [tilespmem:s31+$0x970];
	[tilespmem:s31+$0x900] =	vst v18;
	v18 =	vmul.f32 v49, v50  }
0xce: {  	v56 =	vld [tilespmem:s31+$0x980];
	[tilespmem:s31+$0x910] =	vst v19;
	v19 =	vmul.f32 v51, v50  }
0xcf: {  	v57 =	vld [tilespmem:s31+$0x990];
	[tilespmem:s31+$0x920] =	vst v18;
	v18 =	vmul.f32 v52, v50  }
0xd0: {  	v58 =	vld [tilespmem:s31+$0x9A0];
	[tilespmem:s31+$0x930] =	vst v19;
	v19 =	vmul.f32 v53, v50  }
0xd1: {  	v17 =	vperm.xlane v17, v16;
	v59 =	vld [tilespmem:s31+$0x9B0];
	[tilespmem:s31+$0x940] =	vst v18;
	v18 =	vmul.f32 v54, v50  }
0xd2: {  	v60 =	vld [tilespmem:s31+$0x9C0];
	[tilespmem:s31+$0x950] =	vst v19;
	v19 =	vmul.f32 v55, v50  }
0xd3: {  	v61 =	vld [tilespmem:s31+$0x9D0];
	[tilespmem:s31+$0x960] =	vst v18;
	v18 =	vmul.f32 v56, v17  }
0xd4: {  	v62 =	vld [tilespmem:s31+$0x9E0];
	[tilespmem:s31+$0x970] =	vst v19;
	v19 =	vmul.f32 v57, v17  }
0xd5: {  	v63 =	vld [tilespmem:s31+$0x9F0];
	[tilespmem:s31+$0x980] =	vst v18;
	v18 =	vmul.f32 v58, v17  }
0xd6: {  	[tilespmem:s31+$0x990] =	vst v19;
	v19 =	vmul.f32 v59, v17  }
0xd7: {  	p0 =	sne.s32 s30, $0x7;
	[tilespmem:s31+$0x9A0] =	vst v18;
	v18 =	vmul.f32 v60, v17  }
.Ltmp1:
0xd8: {  	[tilespmem:s31+$0x9B0] =	vst v19;
	v19 =	vmul.f32 v61, v17;
	(pc) =	sbr.rel @p0 .LBB2_5-.Ltmp1, $4  }
0xd9: {  	[tilespmem:s31+$0x9C0] =	vst v18;
	v18 =	vmul.f32 v62, v17  }
0xda: {  	[tilespmem:s31+$0x9D0] =	vst v19;
	v17 =	vmul.f32 v63, v17  }
0xdb: {  	[tilespmem:s31+$0x9E0] =	vst v18  }
0xdc: {  	s30 =	sadd.s32 $0x1, s30;
	[tilespmem:s31+$0x9F0] =	vst v17  }
0xdd: {  	s29 =	sadd.s32 $0x1, s29  }
0xde: {  	p0 =	sne.s32 s29, $0x4F  }
.Ltmp2:
0xdf: {  	_ = 	snop;
	(pc) =	sbr.rel @p0 .LBB2_4-.Ltmp2, $4  }
0xe0: {  	[spmem:s3] =	stream.indirect.scatter.add.f32 [tilespmem:s14], [sflag:$0x5], $0x80, s26, s26, $0xb8;
	[tilespmem:$0x17E00] =	vst v63  }
0xe1: {  	_ =	swait.ge [sflag:s15], $0x4000  }
0xe2: {  	[sflag:s15] =	ssyncset.done $0x0  }
0xe3: {  	[sflag:s15] =	ssyncadd.s32 $0xFFFFC000  }
0xe4: {  	s4 =	sadd.s32 $0x1, s4  }
0xe5: {  	s28 =	sshll.u32 s0, $0x6;
	[bflag:$0x0] =	sbarrier.arrive $0xFFFF;
	p0 =	sne.s32 s4, s13  }
.Ltmp3:
0xe6: {  	s29 =	sshrl.u32 s6, $0x3;
	s28 =	sor.u32 $0x1C05, s28;
	(pc) =	sbr.rel @p0 .LBB2_1-.Ltmp3, $4  }
0xe7: {  	[hbm:s12], [sflag:s28] =	dma.local [spmem:s29], $0x2780  }
0xe8: {  	_ =	swait.ge [sflag:s15], $0x2780  }
0xe9: {  	[sflag:s15] =	ssyncset.done $0x0  }
0xea: {  	[sflag:s15] =	ssyncadd.s32 $0xFFFFD880  }
0xeb: {  	_ =	sfence.sel $0x180000  }
0xec: {  	[bflag:$0x0] =	sbarrier.arrive $0xFFFF  }
0xed: {  	p0 =	sne.s32 s0, $0x0;
	_ =	strace $0x90000047  }
0xee: {  	s0 =	sadd.s32 @!p0 $0x100000, s2;
	[bflag:$0x2] =	sbarrier.arrive $0xFFFF  }
0xef: {  	[sflag:s0] =	ssyncadd.tile.s32 @!p0 $0x1;
	_ =	shalt  }
.Lfunc_end2:
_tile_overlayer_lowered:
.L_overlay_start_2:
0xf0: {  	(tag) =	ssettag $0x2  }
0xf1: {  	s0 =	rddreg [dreg:$0x0];
	s2 =	stileid.u32  }
0xf2: {  	s1 =	rddreg [dreg:$0x1];
	p0 =	sne.s32 s2, $0x0  }
0xf3: {  	s3 =	rddreg [dreg:$0x2];
	[bflag:$0x3] =	sbarrier.arrive $0xFFFF;
	s2 =	simm.s32 @!p0 $0x1C05  }
0xf4: {  	[timem:s3], [sflag:s2] =	dma.local @!p0 [hbm:s0], s1  }
0xf5: {  	s0 =	simm.s32 @!p0 $0x5  }
0xf6: {  	_ =	swait.ge @!p0 [sflag:s0], s1  }
0xf7: {  	s1 =	ssub.s32 @!p0 $0x0, s1;
	[sflag:s0] =	ssyncset.done @!p0 $0x0  }
0xf8: {  	[sflag:s0] =	ssyncadd.s32 @!p0 s1  }
0xf9: {  	[bflag:$0x3] =	sbarrier.arrive $0xFFFF  }
0xfa: {  	_ =	shalt  }

</sc_bundles>
